<compile_context>
chip_gen: v7x
topology: tpu7x:2x2x1
jax: 0.10.2.dev20260603
libtpu: 0.0.44.dev20260713+nightly
codegen_flags: <defaults>
</compile_context>

<pallas_src>
import functools
import jax
import jax.numpy as jnp
from jax import lax
from jax.experimental import pallas as pl
from jax.experimental.pallas import tpu as pltpu, tpu_sc as plsc

N = 1024
E = 16384
EF = 65536
C = 128
NB = 32
H = 128
S = 32
B = 16
NL = 4
NA = 2
CUTOFF = 5.0

BE = 2048
BF = 2048

_bf16 = jnp.bfloat16
_f32 = jnp.float32
_HI = lax.Precision.HIGHEST


def _sigmoid(x):
    return 1.0 / (1.0 + jnp.exp(-x))


def _silu(x):
    return x * _sigmoid(x)


def _dot_ref(a, b):
    return jnp.dot(a.astype(_bf16), b.astype(_bf16), preferred_element_type=_f32)


def _onehot_T(idx2d, rows, cols, dtype):
    return (lax.broadcasted_iota(jnp.int32, (rows, cols), 0) == idx2d).astype(dtype)


def _gather(ohT, table, precision=None):
    return lax.dot_general(ohT, table, (((0,), (0,)), ((), ())),
                           preferred_element_type=_f32, precision=precision)


def _gather2(ohT, hi, lo):
    return _gather(ohT, hi) + _gather(ohT, lo)


def _scatter(ohT, vals):
    return jnp.dot(ohT, vals, preferred_element_type=_f32)


def _split(x):
    hi = x.astype(_bf16)
    return hi, (x - hi.astype(_f32)).astype(_bf16)


def _edge_geom(oht_s, oht_d, pos_tri):
    parts = _gather(oht_d - oht_s, pos_tri)
    vec = parts[:, 0:8] + parts[:, 8:16] + parts[:, 16:24]
    x, y, z = vec[:, 0:1], vec[:, 1:2], vec[:, 2:3]
    d = jnp.sqrt(x * x + y * y + z * z + 1e-12)
    return vec, d


def _rbf_block(d):
    n = lax.broadcasted_iota(jnp.int32, (1, NB), 1).astype(_f32) + 1.0
    xc = d / CUTOFF
    rbf = jnp.sqrt(2.0 / CUTOFF) * jnp.sin(n * (jnp.pi * xc)) / d
    u = jnp.clip(xc, 0.0, 1.0)
    fc = 1.0 - 10.0 * u ** 3 + 15.0 * u ** 4 - 6.0 * u ** 5
    return rbf * fc


def _rsh16(vec, d):
    u = vec / d
    x, y, z = u[:, 0:1], u[:, 1:2], u[:, 2:3]
    s3 = jnp.sqrt(3.0)
    cols = [jnp.ones_like(x), x, y, z, s3 * x * y, s3 * y * z,
            0.5 * (3.0 * z * z - 1.0), s3 * x * z, 0.5 * s3 * (x * x - y * y)]
    blk = x.shape[0]
    out = jnp.zeros((blk, 16), _f32)
    for k, c in enumerate(cols):
        sel = (lax.broadcasted_iota(jnp.int32, (1, 16), 1) == k).astype(_f32)
        out = out + c * sel
    return out



def _geom_e_body(src_ref, dst_ref, pos_ref, wf_ref, bf_ref, w_ref, rsh_ref):
    oht_s = _onehot_T(src_ref[0], N, BE, _bf16)
    oht_d = _onehot_T(dst_ref[0], N, BE, _bf16)
    vec, d = _edge_geom(oht_s, oht_d, pos_ref[...])
    rbf = _rbf_block(d)
    w_ref[...] = _silu(_dot_ref(rbf, wf_ref[...]) + bf_ref[...])
    rsh_ref[...] = _rsh16(vec, d)


def _geom_e(src3, dst3, pos_pad, wf_flat, b2d):
    nblk = E // BE
    return pl.pallas_call(
        _geom_e_body,
        grid=(nblk,),
        in_specs=[
            pl.BlockSpec((1, 1, BE), lambda i: (i, 0, 0)),
            pl.BlockSpec((1, 1, BE), lambda i: (i, 0, 0)),
            pl.BlockSpec((N, 24), lambda i: (0, 0)),
            pl.BlockSpec((NB, NL * C), lambda i: (0, 0)),
            pl.BlockSpec((1, NL * C), lambda i: (0, 0)),
        ],
        out_specs=[
            pl.BlockSpec((BE, NL * C), lambda i: (i, 0)),
            pl.BlockSpec((BE, 16), lambda i: (i, 0)),
        ],
        out_shape=[
            jax.ShapeDtypeStruct((E, NL * C), _f32),
            jax.ShapeDtypeStruct((E, 16), _f32),
        ],
    )(src3, dst3, pos_pad, wf_flat, b2d)



def _geom_ef_body(src_ref, dst_ref, pos_ref, s0h_ref, wc_ref, wp_ref,
                  fr2_ref, frsh_ref, pg_ref):
    oht_s = _onehot_T(src_ref[0], N, BF, _bf16)
    oht_d = _onehot_T(dst_ref[0], N, BF, _bf16)
    vec, d = _edge_geom(oht_s, oht_d, pos_ref[...])
    rbf = _rbf_block(d)
    fr2_ref[...] = _dot_ref(rbf, wc_ref[...])
    frsh_ref[...] = _rsh16(vec, d)
    n0sum = _gather(oht_s + oht_d, s0h_ref[...])
    pg_ref[...] = _silu(_dot_ref(n0sum, wp_ref[...]))


def _geom_ef(fsrc3, fdst3, pos_pad, s0_hi, wc_cat, wp):
    nblk = EF // BF
    return pl.pallas_call(
        _geom_ef_body,
        grid=(nblk,),
        in_specs=[
            pl.BlockSpec((1, 1, BF), lambda i: (i, 0, 0)),
            pl.BlockSpec((1, 1, BF), lambda i: (i, 0, 0)),
            pl.BlockSpec((N, 24), lambda i: (0, 0)),
            pl.BlockSpec((N, C), lambda i: (0, 0)),
            pl.BlockSpec((NB, NA * C), lambda i: (0, 0)),
            pl.BlockSpec((C, 9 * S), lambda i: (0, 0)),
        ],
        out_specs=[
            pl.BlockSpec((BF, NA * C), lambda i: (i, 0)),
            pl.BlockSpec((BF, 16), lambda i: (i, 0)),
            pl.BlockSpec((BF, 9 * S), lambda i: (i, 0)),
        ],
        out_shape=[
            jax.ShapeDtypeStruct((EF, NA * C), _f32),
            jax.ShapeDtypeStruct((EF, 16), _f32),
            jax.ShapeDtypeStruct((EF, 9 * S), _f32),
        ],
    )(fsrc3, fdst3, pos_pad, s0_hi, wc_cat, wp)



def _embed_body(at_ref, tab_ref, pos_ref, s0_ref, hi_ref, lo_ref, tri_ref):
    idx2d = jnp.reshape(at_ref[...], (1, N))
    oht = _onehot_T(idx2d, 128, N, _f32)
    s0 = _gather(oht, tab_ref[...], _HI)
    s0_ref[...] = s0
    hi, lo = _split(s0)
    hi_ref[...] = hi
    lo_ref[...] = lo
    p = pos_ref[...]
    phi = p.astype(_bf16)
    r = p - phi.astype(_f32)
    plo = r.astype(_bf16)
    plo2 = (r - plo.astype(_f32)).astype(_bf16)
    tri_ref[...] = jnp.concatenate([phi, plo, plo2], axis=1)


def _embed(at_no, embed_pad, pos_pad):
    return pl.pallas_call(
        _embed_body,
        in_specs=[pl.BlockSpec((N,), lambda: (0,)),
                  pl.BlockSpec((128, C), lambda: (0, 0)),
                  pl.BlockSpec((N, 8), lambda: (0, 0))],
        out_specs=[pl.BlockSpec((N, C), lambda: (0, 0)),
                   pl.BlockSpec((N, C), lambda: (0, 0)),
                   pl.BlockSpec((N, C), lambda: (0, 0)),
                   pl.BlockSpec((N, 24), lambda: (0, 0))],
        out_shape=[jax.ShapeDtypeStruct((N, C), _f32),
                   jax.ShapeDtypeStruct((N, C), _bf16),
                   jax.ShapeDtypeStruct((N, C), _bf16),
                   jax.ShapeDtypeStruct((N, 24), _bf16)],
        grid=(),
    )(at_no, embed_pad, pos_pad)



def _layer_pre_body(use_gate, s_ref, v_ref, ws_ref, wg_ref, hs_ref, lo_ref):
    hs = _dot_ref(s_ref[...], ws_ref[...])
    if use_gate:
        vn2 = jnp.zeros((N, C), _f32)
        for k in range(9):
            vk = v_ref[:, k * C:(k + 1) * C]
            vn2 = vn2 + vk * vk
        vn = jnp.sqrt(vn2 + 1e-6)
        hs = hs * _sigmoid(_dot_ref(vn, wg_ref[...]))
    hi, lo = _split(hs)
    hs_ref[...] = hi
    lo_ref[...] = lo


def _layer_pre(s, vflat, w_self_i, w_gate_i, use_gate):
    return pl.pallas_call(
        functools.partial(_layer_pre_body, use_gate),
        in_specs=[pl.BlockSpec((N, C), lambda: (0, 0)),
                  pl.BlockSpec((N, 9 * C), lambda: (0, 0)),
                  pl.BlockSpec((C, C), lambda: (0, 0)),
                  pl.BlockSpec((C, C), lambda: (0, 0))],
        out_specs=[pl.BlockSpec((N, C), lambda: (0, 0)),
                   pl.BlockSpec((N, C), lambda: (0, 0))],
        out_shape=[jax.ShapeDtypeStruct((N, C), _bf16),
                   jax.ShapeDtypeStruct((N, C), _bf16)],
        grid=(),
    )(s, vflat, w_self_i, w_gate_i)



def _edge_mv_body(do_v, src_ref, w_ref, rsh_ref, hs_ref, hslo_ref, mv_ref):
    oht_s = _onehot_T(src_ref[0], N, BE, _bf16)
    hsg = _gather2(oht_s, hs_ref[...], hslo_ref[...])
    m = w_ref[...] * hsg
    if do_v:
        rsh = rsh_ref[...]
        mv_ref[...] = jnp.concatenate(
            [m] + [m * rsh[:, k:k + 1] for k in range(1, 9)], axis=1)
    else:
        mv_ref[...] = m


def _edge_mv(src3, w_all, rsh_e, hs_bf, hs_lo, layer, do_v):
    nblk = E // BE
    width = 9 * C if do_v else C
    return pl.pallas_call(
        functools.partial(_edge_mv_body, do_v),
        grid=(nblk,),
        in_specs=[
            pl.BlockSpec((1, 1, BE), lambda i: (i, 0, 0)),
            pl.BlockSpec((BE, C), lambda i, L=layer: (i, L)),
            pl.BlockSpec((BE, 16), lambda i: (i, 0)),
            pl.BlockSpec((N, C), lambda i: (0, 0)),
            pl.BlockSpec((N, C), lambda i: (0, 0)),
        ],
        out_specs=pl.BlockSpec((BE, width), lambda i: (i, 0)),
        out_shape=jax.ShapeDtypeStruct((E, width), _f32),
    )(src3, w_all, rsh_e, hs_bf, hs_lo)



_SC_K = 128


def _sc_scatter(R, NR):
    info = plsc.get_sparse_core_info()
    NC, NS = info.num_cores, info.num_subcores
    NW = NC * NS
    assert R % (NW * _SC_K) == 0 and NR % NS == 0
    rows_tile = R // NW
    iters = rows_tile // _SC_K
    acc_rows = NR // NS
    mesh = plsc.VectorSubcoreMesh(core_axis_name="c", subcore_axis_name="s")

    assert iters % 2 == 0

    @functools.partial(
        pl.kernel, mesh=mesh,
        out_type=jax.ShapeDtypeStruct((NC, NR, C), jnp.float32),
        scratch_types=[
            pltpu.VMEM((_SC_K,), jnp.int32),
            pltpu.VMEM((_SC_K,), jnp.int32),
            pltpu.VMEM((_SC_K, C), jnp.float32),
            pltpu.VMEM((_SC_K, C), jnp.float32),
            pltpu.SemaphoreType.DMA,
            pltpu.SemaphoreType.DMA,
            pltpu.SemaphoreType.DMA,
            pltpu.SemaphoreType.DMA,
            pltpu.VMEM_SHARED((NR, C), jnp.float32),
        ],
    )
    def k(vals_hbm, idx_hbm, zeros_hbm, out_hbm, ibuf0, ibuf1, vbuf0, vbuf1,
          si0, si1, sv0, sv1, shared):
        cid = lax.axis_index("c")
        sid = lax.axis_index("s")
        wid = sid * NC + cid
        ibufs, vbufs = (ibuf0, ibuf1), (vbuf0, vbuf1)
        sis, svs = (si0, si1), (sv0, sv1)
        row0 = wid * rows_tile

        pltpu.async_copy(idx_hbm.at[pl.ds(row0, _SC_K)], ibuf0, si0)
        pltpu.async_copy(vals_hbm.at[pl.ds(row0, _SC_K)], vbuf0, sv0)
        pltpu.sync_copy(zeros_hbm.at[pl.ds(sid * acc_rows, acc_rows)],
                        shared.at[pl.ds(sid * acc_rows, acc_rows)])
        plsc.subcore_barrier()

        def body(j, carry):
            for b in range(2):
                it = 2 * j + b
                base = row0 + it * _SC_K
                pltpu.make_async_copy(idx_hbm.at[pl.ds(base, _SC_K)],
                                      ibufs[b], sis[b]).wait()
                pltpu.make_async_copy(vals_hbm.at[pl.ds(base, _SC_K)],
                                      vbufs[b], svs[b]).wait()

                @pl.when(it + 1 < iters)
                def _prefetch(b=b, it=it):
                    nbase = row0 + (it + 1) * _SC_K
                    pltpu.async_copy(idx_hbm.at[pl.ds(nbase, _SC_K)],
                                     ibufs[1 - b], sis[1 - b])
                    pltpu.async_copy(vals_hbm.at[pl.ds(nbase, _SC_K)],
                                     vbufs[1 - b], svs[1 - b])

                pltpu.sync_copy(vbufs[b], shared.at[ibufs[b]], add=True)
            return carry

        lax.fori_loop(0, iters // 2, body, 0)
        plsc.subcore_barrier()
        pltpu.sync_copy(shared.at[pl.ds(sid * acc_rows, acc_rows)],
                        out_hbm.at[cid, pl.ds(sid * acc_rows, acc_rows)])

    return k



def _layer_post_body(tail, has_v, s_ref, v_ref, p0_ref, p1_ref, wu1_ref,
                     wu2_ref, wab_ref, wn1_ref, wn2_ref, *out_refs):
    refs = list(out_refs)
    s_out = refs.pop(0)
    if has_v:
        agg_s = p0_ref[:, :C] + p1_ref[:, :C]
        v_out = refs.pop(0)
        v_out[...] = v_ref[...] + (p0_ref[...] + p1_ref[...])
    else:
        agg_s = p0_ref[...] + p1_ref[...]
    up = _silu(_dot_ref(agg_s, wu1_ref[...]))
    s_new = s_ref[...] + _dot_ref(up, wu2_ref[...])
    s_out[...] = s_new
    if tail:
        a12h_ref, a12l_ref, hn_ref = refs
        a12 = _dot_ref(s_new, wab_ref[...])
        hi, lo = _split(a12)
        a12h_ref[...] = hi
        a12l_ref[...] = lo
        h1 = _silu(_dot_ref(s_new, wn1_ref[...]))
        hn_ref[...] = _dot_ref(h1, wn2_ref[...])


def _layer_post(s, vflat, p0, p1, wu1, wu2, wab, wn1, wn2, tail, has_v):
    W = 9 * C if has_v else C
    out_specs = [pl.BlockSpec((N, C), lambda: (0, 0))]
    out_shape = [jax.ShapeDtypeStruct((N, C), _f32)]
    if has_v:
        out_specs.append(pl.BlockSpec((N, 9 * C), lambda: (0, 0)))
        out_shape.append(jax.ShapeDtypeStruct((N, 9 * C), _f32))
    if tail:
        out_specs += [pl.BlockSpec((N, 2 * C), lambda: (0, 0)),
                      pl.BlockSpec((N, 2 * C), lambda: (0, 0)),
                      pl.BlockSpec((N, 9 * S), lambda: (0, 0))]
        out_shape += [jax.ShapeDtypeStruct((N, 2 * C), _bf16),
                      jax.ShapeDtypeStruct((N, 2 * C), _bf16),
                      jax.ShapeDtypeStruct((N, 9 * S), _f32)]
    return pl.pallas_call(
        functools.partial(_layer_post_body, tail, has_v),
        in_specs=[pl.BlockSpec((N, C), lambda: (0, 0)),
                  pl.BlockSpec((N, 9 * C), lambda: (0, 0)),
                  pl.BlockSpec((N, W), lambda: (0, 0)),
                  pl.BlockSpec((N, W), lambda: (0, 0)),
                  pl.BlockSpec((C, C), lambda: (0, 0)),
                  pl.BlockSpec((C, C), lambda: (0, 0)),
                  pl.BlockSpec((C, 2 * C), lambda: (0, 0)),
                  pl.BlockSpec((C, H), lambda: (0, 0)),
                  pl.BlockSpec((H, 9 * S), lambda: (0, 0))],
        out_specs=out_specs,
        out_shape=out_shape,
        grid=(),
    )(s, vflat, p0, p1, wu1, wu2, wab, wn1, wn2)



def _edge_he_body(src_ref, dst_ref, fr2_ref, frsh_ref, pg_ref,
                  ash_ref, adh_ref,
                  we2a_ref, we2b_ref, weo_ref, emat_ref, nacc_ref):
    i = pl.program_id(0)
    oht_s = _onehot_T(src_ref[0], N, BF, _bf16)
    oht_d = _onehot_T(dst_ref[0], N, BF, _bf16)
    gs = _gather(oht_s, ash_ref[...])
    gd = _gather(oht_d, adh_ref[...])
    fr2 = fr2_ref[...]
    g0 = gs[:, :C] + gd[:, :C] + fr2[:, :C]
    g1 = gs[:, C:] + gd[:, C:] + fr2[:, C:]
    he = _dot_ref(_silu(g0), we2a_ref[...]) + _dot_ref(_silu(g1), we2b_ref[...])
    frsh = frsh_ref[...]
    acc = jnp.concatenate(
        [he[:, k * S:(k + 1) * S] * frsh[:, k:k + 1] for k in range(9)], axis=1)
    emat_ref[...] = _dot_ref(acc * pg_ref[...], weo_ref[...])

    @pl.when(i == 0)
    def _():
        nacc_ref[...] = jnp.zeros_like(nacc_ref)

    nacc_ref[...] += _scatter(oht_d, acc.astype(_bf16))


def _edge_he(fsrc3, fdst3, fr2, frsh, pg, ash, adh, we2a, we2b, weo):
    nblk = EF // BF
    return pl.pallas_call(
        _edge_he_body,
        grid=(nblk,),
        in_specs=[
            pl.BlockSpec((1, 1, BF), lambda i: (i, 0, 0)),
            pl.BlockSpec((1, 1, BF), lambda i: (i, 0, 0)),
            pl.BlockSpec((BF, NA * C), lambda i: (i, 0)),
            pl.BlockSpec((BF, 16), lambda i: (i, 0)),
            pl.BlockSpec((BF, 9 * S), lambda i: (i, 0)),
            pl.BlockSpec((N, NA * C), lambda i: (0, 0)),
            pl.BlockSpec((N, NA * C), lambda i: (0, 0)),
            pl.BlockSpec((C, 9 * S), lambda i: (0, 0)),
            pl.BlockSpec((C, 9 * S), lambda i: (0, 0)),
            pl.BlockSpec((9 * S, B * B), lambda i: (0, 0)),
        ],
        out_specs=[
            pl.BlockSpec((BF, B * B), lambda i: (i, 0)),
            pl.BlockSpec((N, 9 * S), lambda i: (0, 0)),
        ],
        out_shape=[
            jax.ShapeDtypeStruct((EF, B * B), _f32),
            jax.ShapeDtypeStruct((N, 9 * S), _f32),
        ],
    )(fsrc3, fdst3, fr2, frsh, pg, ash, adh, we2a, we2b, weo)



def _node_out_body(s0_ref, hn0_ref, hn1_ref, nacc_ref, wg0_ref, wno_ref, out_ref):
    node_sph = hn0_ref[...] + hn1_ref[...] + nacc_ref[...]
    g0 = _silu(_dot_ref(s0_ref[...], wg0_ref[...]))
    out_ref[...] = _dot_ref(node_sph * g0, wno_ref[...])


def _node_out(s0, hn0, hn1, nacc, wg0, wno):
    return pl.pallas_call(
        _node_out_body,
        in_specs=[pl.BlockSpec((N, C), lambda: (0, 0)),
                  pl.BlockSpec((N, 9 * S), lambda: (0, 0)),
                  pl.BlockSpec((N, 9 * S), lambda: (0, 0)),
                  pl.BlockSpec((N, 9 * S), lambda: (0, 0)),
                  pl.BlockSpec((C, 9 * S), lambda: (0, 0)),
                  pl.BlockSpec((9 * S, B * B), lambda: (0, 0))],
        out_specs=pl.BlockSpec((N, B * B), lambda: (0, 0)),
        out_shape=jax.ShapeDtypeStruct((N, B * B), _f32),
        grid=(),
    )(s0, hn0, hn1, nacc, wg0, wno)



def kernel(at_no, pos, edge_index, fc_edge_index, embed_table, W_filt, b_filt,
           W_self, W_gate, W_up1, W_up2, Wn1, Wn2, We1, We2, Wg0, Wnode_out,
           Wp, Wedge_out):
    src3 = edge_index[0].reshape(E // BE, 1, BE).astype(jnp.int32)
    dst3 = edge_index[1].reshape(E // BE, 1, BE).astype(jnp.int32)
    fsrc3 = fc_edge_index[0].reshape(EF // BF, 1, BF).astype(jnp.int32)
    fdst3 = fc_edge_index[1].reshape(EF // BF, 1, BF).astype(jnp.int32)
    pos_pad = jnp.zeros((N, 8), _f32).at[:, :3].set(pos)
    embed_pad = jnp.zeros((128, C), _f32).at[:100].set(embed_table)
    wf_flat = jnp.transpose(W_filt, (1, 0, 2)).reshape(NB, NL * C)
    b2d = b_filt.reshape(1, NL * C)
    wc_cat = jnp.transpose(We1[:, 2 * C:, :], (1, 0, 2)).reshape(NB, NA * C)

    s0, s0_hi, s0_lo, pos_tri = _embed(at_no.astype(jnp.int32), embed_pad,
                                       pos_pad)

    w_all, rsh_e = _geom_e(src3, dst3, pos_tri, wf_flat, b2d)
    del s0_lo
    fr2, frsh, pg = _geom_ef(fsrc3, fdst3, pos_tri, s0_hi, wc_cat, Wp)

    dst_i32 = edge_index[1].astype(jnp.int32)
    idx9 = (dst_i32[:, None] * 9
            + jnp.arange(9, dtype=jnp.int32)[None, :]).reshape(E * 9)
    zeros9 = jnp.zeros((9 * N, C), _f32)
    zeros1 = jnp.zeros((N, C), _f32)
    scat9 = _sc_scatter(E * 9, 9 * N)
    scat1 = _sc_scatter(E, N)

    s = s0
    vflat = jnp.zeros((N, 9 * C), _f32)
    a12h, a12l, hn = [], [], []
    for idx in range(NL):
        has_v = idx < NL - 1
        hs_bf, hs_lo = _layer_pre(s, vflat, W_self[idx], W_gate[idx],
                                  use_gate=idx > 0)
        mv = _edge_mv(src3, w_all, rsh_e, hs_bf, hs_lo, idx, do_v=has_v)
        if has_v:
            parts = scat9(mv.reshape(E * 9, C), idx9, zeros9)
            p0 = parts[0].reshape(N, 9 * C)
            p1 = parts[1].reshape(N, 9 * C)
        else:
            parts = scat1(mv, dst_i32, zeros1)
            p0, p1 = parts[0], parts[1]
        tail = idx >= NL - NA
        j = idx - (NL - NA)
        wab = (jnp.concatenate([We1[j, :C, :], We1[j, C:2 * C, :]], axis=1)
               if tail else jnp.zeros((C, 2 * C), _f32))
        outs = _layer_post(
            s, vflat, p0, p1, W_up1[idx], W_up2[idx], wab,
            Wn1[j] if tail else jnp.zeros((C, H), _f32),
            Wn2[j] if tail else jnp.zeros((H, 9 * S), _f32), tail, has_v)
        outs = list(outs)
        s = outs.pop(0)
        if has_v:
            vflat = outs.pop(0)
        if tail:
            a12h_i, a12l_i, hn_i = outs
            a12h.append(a12h_i)
            a12l.append(a12l_i)
            hn.append(hn_i)

    del a12l
    ash = jnp.concatenate([a12h[0][:, :C], a12h[1][:, :C]], axis=1)
    adh = jnp.concatenate([a12h[0][:, C:], a12h[1][:, C:]], axis=1)
    emat, nacc = _edge_he(fsrc3, fdst3, fr2, frsh, pg, ash, adh,
                          We2[0], We2[1], Wedge_out)
    nmat = _node_out(s0, hn[0], hn[1], nacc, Wg0, Wnode_out)
    return nmat.reshape(N, B, B), emat.reshape(EF, B, B)

# --- scband reference (transcript-rebuilt; emitter-appended) ---
"""Pipeline reference for scband-xqhnet-67078799229671 (READ-ONLY COPY).

The authoritative reference and input builder live on the scoring server;
editing this copy changes nothing except your own understanding.
"""

import jax, jax.numpy as jnp
import numpy as np

N = 1024
E = 16384
EF = 65536
C = 128
NB = 32
H = 128
S = 32
B = 16
NL = 4
NA = 2
CUTOFF = 5.0


def _rbf(d):
    n = jnp.arange(1, NB + 1, dtype=jnp.float32)
    dc = jnp.clip(d, 1e-6, None)
    x = dc / CUTOFF
    rbf = jnp.sqrt(2.0 / CUTOFF) * jnp.sin(n[None, :] * jnp.pi * x[:, None]) / dc[:, None]
    u = jnp.clip(x, 0.0, 1.0)
    fc = 1.0 - 10.0 * u ** 3 + 15.0 * u ** 4 - 6.0 * u ** 5
    return rbf * fc[:, None]


def _rsh(vec):
    d = jnp.sqrt(jnp.sum(vec * vec, axis=-1, keepdims=True) + 1e-12)
    u = vec / d
    x, y, z = u[:, 0], u[:, 1], u[:, 2]
    s3 = jnp.sqrt(3.0)
    return jnp.stack([jnp.ones_like(x), x, y, z, s3 * x * y, s3 * y * z, 0.5 * (3.0 * z * z - 1.0), s3 * x * z, 0.5 * s3 * (x * x - y * y)], axis=-1)


def _forward(fl, at_no, edge_index, fc_edge_index):
    pos = fl['pos']
    src, dst = edge_index[0], edge_index[1]
    fsrc, fdst = fc_edge_index[0], fc_edge_index[1]
    vec = pos[dst] - pos[src]
    d = jnp.sqrt(jnp.sum(vec * vec, axis=-1) + 1e-12)
    rbfs = _rbf(d)
    rshs = _rsh(vec)
    fvec = pos[fdst] - pos[fsrc]
    fd = jnp.sqrt(jnp.sum(fvec * fvec, axis=-1) + 1e-12)
    full_rbfs = _rbf(fd)
    frsh = _rsh(fvec)
    s = fl['embed_table'][at_no]
    node_0 = s
    v = jnp.zeros((N, 9, C), dtype=s.dtype)
    node_sph = jnp.zeros((N, 9, S), dtype=s.dtype)
    edge_sph = jnp.zeros((EF, 9, S), dtype=s.dtype)
    for idx in range(NL):
        w = jax.nn.silu(rbfs @ fl['W_filt'][idx] + fl['b_filt'][idx])
        hs = s @ fl['W_self'][idx]
        if idx > 0:
            vn = jnp.sqrt(jnp.sum(v * v, axis=1) + 1e-6)
            hs = hs * jax.nn.sigmoid(vn @ fl['W_gate'][idx])
        m = w * hs[src]
        agg_s = jax.ops.segment_sum(m, dst, N)
        mv = rshs[:, :, None] * m[:, None, :]
        agg_v = jax.ops.segment_sum(mv, dst, N)
        s = s + jax.nn.silu(agg_s @ fl['W_up1'][idx]) @ fl['W_up2'][idx]
        v = v + agg_v
        if idx >= NL - NA:
            j = idx - (NL - NA)
            hn = jax.nn.silu(s @ fl['Wn1'][j]) @ fl['Wn2'][j]
            e_in = jnp.concatenate([s[fsrc], s[fdst], full_rbfs], axis=-1)
            he = jax.nn.silu(e_in @ fl['We1'][j]) @ fl['We2'][j]
            he3 = he.reshape(EF, 9, S) * frsh[:, :, None]
            node_sph = node_sph + hn.reshape(N, 9, S) + jax.ops.segment_sum(he3, fdst, N)
            edge_sph = edge_sph + he3
    nflat = node_sph.reshape(N, 9 * S)
    g0 = jax.nn.silu(node_0 @ fl['Wg0'])
    node_mat = ((nflat * g0) @ fl['Wnode_out']).reshape(N, B, B)
    eflat = edge_sph.reshape(EF, 9 * S)
    pg = jax.nn.silu((node_0[fsrc] + node_0[fdst]) @ fl['Wp'])
    edge_mat = ((eflat * pg) @ fl['Wedge_out']).reshape(EF, B, B)
    return node_mat, edge_mat


def setup_inputs(seed: int = 0):
    key = jax.random.key(seed)
    ks = jax.random.split(key, 24)
    inp = {}
    inp['at_no'] = jax.random.randint(ks[0], (N,), 0, 20)
    inp['pos'] = jax.random.normal(ks[1], (N, 3), dtype=jnp.float32) * 4.0
    inp['edge_index'] = jax.random.randint(ks[2], (2, E), 0, N)
    inp['fc_edge_index'] = jax.random.randint(ks[3], (2, EF), 0, N)

    def w(k, shape, fan):
        return jax.random.normal(k, shape, dtype=jnp.float32) / np.sqrt(fan)

    inp['embed_table'] = w(ks[4], (100, C), 1.0)
    inp['W_filt'] = w(ks[5], (NL, NB, C), NB)
    inp['b_filt'] = jnp.zeros((NL, C), dtype=jnp.float32)
    inp['W_self'] = w(ks[6], (NL, C, C), C)
    inp['W_gate'] = w(ks[7], (NL, C, C), C)
    inp['W_up1'] = w(ks[8], (NL, C, C), C)
    inp['W_up2'] = w(ks[9], (NL, C, C), C)
    inp['Wn1'] = w(ks[10], (NA, C, H), C)
    inp['Wn2'] = w(ks[11], (NA, H, 9 * S), H)
    inp['We1'] = w(ks[12], (NA, 2 * C + NB, H), 2 * C + NB)
    inp['We2'] = w(ks[13], (NA, H, 9 * S), H)
    inp['Wg0'] = w(ks[14], (C, 9 * S), C)
    inp['Wnode_out'] = w(ks[15], (9 * S, B * B), 9 * S)
    inp['Wp'] = w(ks[16], (C, 9 * S), C)
    inp['Wedge_out'] = w(ks[17], (9 * S, B * B), 9 * S)
    return inp


def reference(at_no, pos, edge_index, fc_edge_index, embed_table, W_filt, b_filt, W_self, W_gate, W_up1, W_up2, Wn1, Wn2, We1, We2, Wg0, Wnode_out, Wp, Wedge_out):
    fl = dict(pos=pos, embed_table=embed_table, W_filt=W_filt, b_filt=b_filt, W_self=W_self, W_gate=W_gate, W_up1=W_up1, W_up2=W_up2, Wn1=Wn1, Wn2=Wn2, We1=We1, We2=We2, Wg0=Wg0, Wnode_out=Wnode_out, Wp=Wp, Wedge_out=Wedge_out)
    return _forward(fl, at_no, edge_index, fc_edge_index)

if __name__ == "__main__":
    import jax
    _d = setup_inputs()
    print(jax.jit(kernel)(*tuple(_d.values())))

</pallas_src>

<mosaic_0001>
#map = affine_map<(d0, d1) -> (0, 0)>
#map1 = affine_map<(d0, d1) -> (0)>
#map2 = affine_map<(d0, d1) -> (0, 0, 0)>
module attributes {stable_mosaic.version = 14 : i64} {
  func.func @k(%arg0: i32, %arg1: i32, %arg2: memref<16384x128xf32, #tpu.memory_space<hbm>>, %arg3: memref<16384xi32, #tpu.memory_space<hbm>>, %arg4: memref<1024x128xf32, #tpu.memory_space<hbm>>, %arg5: memref<2x1024x128xf32, #tpu.memory_space<hbm>>, %arg6: memref<128xi32, #tpu.memory_space<vmem>>, %arg7: memref<128xi32, #tpu.memory_space<vmem>>, %arg8: memref<128x128xf32, #tpu.memory_space<vmem>>, %arg9: memref<128x128xf32, #tpu.memory_space<vmem>>, %arg10: memref<!tpu.dma_semaphore, #tpu.memory_space<semaphore_mem>>, %arg11: memref<!tpu.dma_semaphore, #tpu.memory_space<semaphore_mem>>, %arg12: memref<!tpu.dma_semaphore, #tpu.memory_space<semaphore_mem>>, %arg13: memref<!tpu.dma_semaphore, #tpu.memory_space<semaphore_mem>>, %arg14: memref<1024x128xf32, #tpu.memory_space<vmem_shared>>) attributes {dimension_semantics = [#tpu.dimension_semantics<core_parallel>, #tpu.dimension_semantics<subcore_parallel>], iteration_bounds = array<i64: 2, 16>, scalar_prefetch = 0 : i64, scratch_operands = 9 : i64, tpu.core_type = #tpu.core_type<sc_vector_subcore>, window_params = [{transform_indices = #map}, {transform_indices = #map1}, {transform_indices = #map}, {transform_indices = #map2}]} {
    %mul3A = arith.constant 2 : i32
    %mul3A_0 = arith.muli %arg1, %mul3A : i32
    %add3A = arith.addi %mul3A_0, %arg0 : i32
    %mul3A_1 = arith.constant 512 : i32
    %mul3A_2 = arith.muli %add3A, %mul3A_1 : i32
    %dma_start3A = tpu.memref_slice %arg3[%mul3A_2] : memref<16384xi32, #tpu.memory_space<hbm>> -> memref<128xi32, #tpu.memory_space<hbm>>
    %dma_start3A_3 = tpu.memref_slice %arg3[%mul3A_2] : memref<16384xi32, #tpu.memory_space<hbm>> -> memref<128xi32, #tpu.memory_space<hbm>>
    tpu.enqueue_dma source(%dma_start3A_3 : memref<128xi32, #tpu.memory_space<hbm>>) target(%arg6 : memref<128xi32, #tpu.memory_space<vmem>>) target_semaphore(%arg10 : memref<!tpu.dma_semaphore, #tpu.memory_space<semaphore_mem>>)
    %dma_start3A_4 = arith.constant 0 : i32
    %dma_start3A_5 = tpu.memref_slice %arg2[%mul3A_2, %dma_start3A_4] : memref<16384x128xf32, #tpu.memory_space<hbm>> -> memref<128x128xf32, #tpu.memory_space<hbm>>
    %dma_start3A_6 = arith.constant 0 : i32
    %dma_start3A_7 = tpu.memref_slice %arg2[%mul3A_2, %dma_start3A_6] : memref<16384x128xf32, #tpu.memory_space<hbm>> -> memref<128x128xf32, #tpu.memory_space<hbm>>
    tpu.enqueue_dma source(%dma_start3A_7 : memref<128x128xf32, #tpu.memory_space<hbm>>) target(%arg8 : memref<128x128xf32, #tpu.memory_space<vmem>>) target_semaphore(%arg12 : memref<!tpu.dma_semaphore, #tpu.memory_space<semaphore_mem>>)
    %mul3A_8 = arith.constant 64 : i32
    %mul3A_9 = arith.muli %arg1, %mul3A_8 : i32
    %mul3A_10 = arith.constant 64 : i32
    %mul3A_11 = arith.muli %arg1, %mul3A_10 : i32
    "tpu.region"() ({
      %run_scoped3A = tpu.sem_alloc : memref<!tpu.dma_semaphore, #tpu.memory_space<semaphore_mem>>
      %dma_start3A_22 = arith.constant 0 : i32
      %dma_start3A_23 = tpu.memref_slice %arg14[%mul3A_11, %dma_start3A_22] : memref<1024x128xf32, #tpu.memory_space<vmem_shared>> -> memref<64x128xf32, #tpu.memory_space<vmem_shared>>
      %dma_start3A_24 = arith.constant 0 : i32
      %dma_start3A_25 = tpu.memref_slice %arg4[%mul3A_9, %dma_start3A_24] : memref<1024x128xf32, #tpu.memory_space<hbm>> -> memref<64x128xf32, #tpu.memory_space<hbm>>
      tpu.enqueue_dma source(%dma_start3A_25 : memref<64x128xf32, #tpu.memory_space<hbm>>) target(%dma_start3A_23 : memref<64x128xf32, #tpu.memory_space<vmem_shared>>) target_semaphore(%run_scoped3A : memref<!tpu.dma_semaphore, #tpu.memory_space<semaphore_mem>>)
      %dma_wait3A = arith.constant 0 : i32
      %dma_wait3A_26 = tpu.memref_slice %arg14[%mul3A_11, %dma_wait3A] : memref<1024x128xf32, #tpu.memory_space<vmem_shared>> -> memref<64x128xf32, #tpu.memory_space<vmem_shared>>
      %dma_wait3A_27 = arith.constant 0 : i32
      %dma_wait3A_28 = tpu.memref_slice %arg4[%mul3A_9, %dma_wait3A_27] : memref<1024x128xf32, #tpu.memory_space<hbm>> -> memref<64x128xf32, #tpu.memory_space<hbm>>
      tpu.wait_dma2 semaphore(%run_scoped3A : memref<!tpu.dma_semaphore, #tpu.memory_space<semaphore_mem>>) src(%dma_wait3A_28 : memref<64x128xf32, #tpu.memory_space<hbm>>) dst(%dma_wait3A_26 : memref<64x128xf32, #tpu.memory_space<vmem_shared>>)
      tpu.yield
    }) : () -> ()
    %barrier3A = arith.constant 0 : index
    tpu.barrier barrier_id(%barrier3A)
    %scan3A = arith.constant 0 : i32
    %scan3A_12 = arith.constant 0 : i32
    %scan3A_13 = arith.constant 2 : i32
    %scan3A_14 = arith.addi %scan3A_12, %scan3A_13 : i32
    %scan3A_15 = arith.constant 1 : i32
    scf.for %scan3A_22 = %scan3A_12 to %scan3A_14 step %scan3A_15  : i32 {
      %mul3A_23 = arith.constant 2 : i32
      %mul3A_24 = arith.muli %mul3A_23, %scan3A_22 : i32
      %add3A_25 = arith.constant 0 : i32
      %add3A_26 = arith.addi %mul3A_24, %add3A_25 : i32
      %mul3A_27 = arith.constant 128 : i32
      %mul3A_28 = arith.muli %add3A_26, %mul3A_27 : i32
      %add3A_29 = arith.addi %mul3A_2, %mul3A_28 : i32
      %dma_wait3A = tpu.memref_slice %arg3[%add3A_29] : memref<16384xi32, #tpu.memory_space<hbm>> -> memref<128xi32, #tpu.memory_space<hbm>>
      %dma_wait3A_30 = tpu.memref_slice %arg3[%add3A_29] : memref<16384xi32, #tpu.memory_space<hbm>> -> memref<128xi32, #tpu.memory_space<hbm>>
      tpu.wait_dma2 semaphore(%arg10 : memref<!tpu.dma_semaphore, #tpu.memory_space<semaphore_mem>>) src(%dma_wait3A_30 : memref<128xi32, #tpu.memory_space<hbm>>) dst(%arg6 : memref<128xi32, #tpu.memory_space<vmem>>)
      %dma_wait3A_31 = arith.constant 0 : i32
      %dma_wait3A_32 = tpu.memref_slice %arg2[%add3A_29, %dma_wait3A_31] : memref<16384x128xf32, #tpu.memory_space<hbm>> -> memref<128x128xf32, #tpu.memory_space<hbm>>
      %dma_wait3A_33 = arith.constant 0 : i32
      %dma_wait3A_34 = tpu.memref_slice %arg2[%add3A_29, %dma_wait3A_33] : memref<16384x128xf32, #tpu.memory_space<hbm>> -> memref<128x128xf32, #tpu.memory_space<hbm>>
      tpu.wait_dma2 semaphore(%arg12 : memref<!tpu.dma_semaphore, #tpu.memory_space<semaphore_mem>>) src(%dma_wait3A_34 : memref<128x128xf32, #tpu.memory_space<hbm>>) dst(%arg8 : memref<128x128xf32, #tpu.memory_space<vmem>>)
      %add3A_35 = arith.constant 1 : i32
      %add3A_36 = arith.addi %add3A_26, %add3A_35 : i32
      %lt3A = arith.constant 4 : i32
      %lt3A_37 = arith.cmpi slt, %add3A_36, %lt3A : i32
      %convert_element_type3A = arith.extui %lt3A_37 : i1 to i32
      %cond3A = arith.constant 0 : i32
      %cond3A_38 = arith.cmpi ne, %convert_element_type3A, %cond3A : i32
      scf.if %cond3A_38 {
        %add3A_59 = arith.constant 1 : i32
        %add3A_60 = arith.addi %add3A_26, %add3A_59 : i32
        %mul3A_61 = arith.constant 128 : i32
        %mul3A_62 = arith.muli %add3A_60, %mul3A_61 : i32
        %add3A_63 = arith.addi %mul3A_2, %mul3A_62 : i32
        %dma_start3A_64 = tpu.memref_slice %arg3[%add3A_63] : memref<16384xi32, #tpu.memory_space<hbm>> -> memref<128xi32, #tpu.memory_space<hbm>>
        %dma_start3A_65 = tpu.memref_slice %arg3[%add3A_63] : memref<16384xi32, #tpu.memory_space<hbm>> -> memref<128xi32, #tpu.memory_space<hbm>>
        tpu.enqueue_dma source(%dma_start3A_65 : memref<128xi32, #tpu.memory_space<hbm>>) target(%arg7 : memref<128xi32, #tpu.memory_space<vmem>>) target_semaphore(%arg11 : memref<!tpu.dma_semaphore, #tpu.memory_space<semaphore_mem>>)
        %dma_start3A_66 = arith.constant 0 : i32
        %dma_start3A_67 = tpu.memref_slice %arg2[%add3A_63, %dma_start3A_66] : memref<16384x128xf32, #tpu.memory_space<hbm>> -> memref<128x128xf32, #tpu.memory_space<hbm>>
        %dma_start3A_68 = arith.constant 0 : i32
        %dma_start3A_69 = tpu.memref_slice %arg2[%add3A_63, %dma_start3A_68] : memref<16384x128xf32, #tpu.memory_space<hbm>> -> memref<128x128xf32, #tpu.memory_space<hbm>>
        tpu.enqueue_dma source(%dma_start3A_69 : memref<128x128xf32, #tpu.memory_space<hbm>>) target(%arg9 : memref<128x128xf32, #tpu.memory_space<vmem>>) target_semaphore(%arg13 : memref<!tpu.dma_semaphore, #tpu.memory_space<semaphore_mem>>)
      } else {
      }
      "tpu.region"() ({
        %run_scoped3A = tpu.sem_alloc : memref<!tpu.dma_semaphore, #tpu.memory_space<semaphore_mem>>
        %dma_start3A_59 = arith.constant 0 : i32
        %dma_start3A_60 = arith.constant 0 : i32
        %dma_start3A_61 = tpu.memref_slice %arg14[%dma_start3A_59, %dma_start3A_60] : memref<1024x128xf32, #tpu.memory_space<vmem_shared>> -> memref<1024x128xf32, #tpu.memory_space<vmem_shared>>
        tpu.enqueue_indirect_dma source(%arg8 : memref<128x128xf32, #tpu.memory_space<vmem>>) target(%dma_start3A_61 : memref<1024x128xf32, #tpu.memory_space<vmem_shared>>) offsets(%arg6 : memref<128xi32, #tpu.memory_space<vmem>>) semaphore(%run_scoped3A : memref<!tpu.dma_semaphore, #tpu.memory_space<semaphore_mem>>) {add = true}
        %dma_wait3A_62 = arith.constant 0 : i32
        %dma_wait3A_63 = arith.constant 0 : i32
        %dma_wait3A_64 = tpu.memref_slice %arg14[%dma_wait3A_62, %dma_wait3A_63] : memref<1024x128xf32, #tpu.memory_space<vmem_shared>> -> memref<1024x128xf32, #tpu.memory_space<vmem_shared>>
        tpu.wait_indirect_dma semaphore(%run_scoped3A : memref<!tpu.dma_semaphore, #tpu.memory_space<semaphore_mem>>) src(%arg8 : memref<128x128xf32, #tpu.memory_space<vmem>>) dst(%dma_wait3A_64 : memref<1024x128xf32, #tpu.memory_space<vmem_shared>>)
        tpu.yield
      }) : () -> ()
      %mul3A_39 = arith.constant 2 : i32
      %mul3A_40 = arith.muli %mul3A_39, %scan3A_22 : i32
      %add3A_41 = arith.constant 1 : i32
      %add3A_42 = arith.addi %mul3A_40, %add3A_41 : i32
      %mul3A_43 = arith.constant 128 : i32
      %mul3A_44 = arith.muli %add3A_42, %mul3A_43 : i32
      %add3A_45 = arith.addi %mul3A_2, %mul3A_44 : i32
      %dma_wait3A_46 = tpu.memref_slice %arg3[%add3A_45] : memref<16384xi32, #tpu.memory_space<hbm>> -> memref<128xi32, #tpu.memory_space<hbm>>
      %dma_wait3A_47 = tpu.memref_slice %arg3[%add3A_45] : memref<16384xi32, #tpu.memory_space<hbm>> -> memref<128xi32, #tpu.memory_space<hbm>>
      tpu.wait_dma2 semaphore(%arg11 : memref<!tpu.dma_semaphore, #tpu.memory_space<semaphore_mem>>) src(%dma_wait3A_47 : memref<128xi32, #tpu.memory_space<hbm>>) dst(%arg7 : memref<128xi32, #tpu.memory_space<vmem>>)
      %dma_wait3A_48 = arith.constant 0 : i32
      %dma_wait3A_49 = tpu.memref_slice %arg2[%add3A_45, %dma_wait3A_48] : memref<16384x128xf32, #tpu.memory_space<hbm>> -> memref<128x128xf32, #tpu.memory_space<hbm>>
      %dma_wait3A_50 = arith.constant 0 : i32
      %dma_wait3A_51 = tpu.memref_slice %arg2[%add3A_45, %dma_wait3A_50] : memref<16384x128xf32, #tpu.memory_space<hbm>> -> memref<128x128xf32, #tpu.memory_space<hbm>>
      tpu.wait_dma2 semaphore(%arg13 : memref<!tpu.dma_semaphore, #tpu.memory_space<semaphore_mem>>) src(%dma_wait3A_51 : memref<128x128xf32, #tpu.memory_space<hbm>>) dst(%arg9 : memref<128x128xf32, #tpu.memory_space<vmem>>)
      %add3A_52 = arith.constant 1 : i32
      %add3A_53 = arith.addi %add3A_42, %add3A_52 : i32
      %lt3A_54 = arith.constant 4 : i32
      %lt3A_55 = arith.cmpi slt, %add3A_53, %lt3A_54 : i32
      %convert_element_type3A_56 = arith.extui %lt3A_55 : i1 to i32
      %cond3A_57 = arith.constant 0 : i32
      %cond3A_58 = arith.cmpi ne, %convert_element_type3A_56, %cond3A_57 : i32
      scf.if %cond3A_58 {
        %add3A_59 = arith.constant 1 : i32
        %add3A_60 = arith.addi %add3A_42, %add3A_59 : i32
        %mul3A_61 = arith.constant 128 : i32
        %mul3A_62 = arith.muli %add3A_60, %mul3A_61 : i32
        %add3A_63 = arith.addi %mul3A_2, %mul3A_62 : i32
        %dma_start3A_64 = tpu.memref_slice %arg3[%add3A_63] : memref<16384xi32, #tpu.memory_space<hbm>> -> memref<128xi32, #tpu.memory_space<hbm>>
        %dma_start3A_65 = tpu.memref_slice %arg3[%add3A_63] : memref<16384xi32, #tpu.memory_space<hbm>> -> memref<128xi32, #tpu.memory_space<hbm>>
        tpu.enqueue_dma source(%dma_start3A_65 : memref<128xi32, #tpu.memory_space<hbm>>) target(%arg6 : memref<128xi32, #tpu.memory_space<vmem>>) target_semaphore(%arg10 : memref<!tpu.dma_semaphore, #tpu.memory_space<semaphore_mem>>)
        %dma_start3A_66 = arith.constant 0 : i32
        %dma_start3A_67 = tpu.memref_slice %arg2[%add3A_63, %dma_start3A_66] : memref<16384x128xf32, #tpu.memory_space<hbm>> -> memref<128x128xf32, #tpu.memory_space<hbm>>
        %dma_start3A_68 = arith.constant 0 : i32
        %dma_start3A_69 = tpu.memref_slice %arg2[%add3A_63, %dma_start3A_68] : memref<16384x128xf32, #tpu.memory_space<hbm>> -> memref<128x128xf32, #tpu.memory_space<hbm>>
        tpu.enqueue_dma source(%dma_start3A_69 : memref<128x128xf32, #tpu.memory_space<hbm>>) target(%arg8 : memref<128x128xf32, #tpu.memory_space<vmem>>) target_semaphore(%arg12 : memref<!tpu.dma_semaphore, #tpu.memory_space<semaphore_mem>>)
      } else {
      }
      "tpu.region"() ({
        %run_scoped3A = tpu.sem_alloc : memref<!tpu.dma_semaphore, #tpu.memory_space<semaphore_mem>>
        %dma_start3A_59 = arith.constant 0 : i32
        %dma_start3A_60 = arith.constant 0 : i32
        %dma_start3A_61 = tpu.memref_slice %arg14[%dma_start3A_59, %dma_start3A_60] : memref<1024x128xf32, #tpu.memory_space<vmem_shared>> -> memref<1024x128xf32, #tpu.memory_space<vmem_shared>>
        tpu.enqueue_indirect_dma source(%arg9 : memref<128x128xf32, #tpu.memory_space<vmem>>) target(%dma_start3A_61 : memref<1024x128xf32, #tpu.memory_space<vmem_shared>>) offsets(%arg7 : memref<128xi32, #tpu.memory_space<vmem>>) semaphore(%run_scoped3A : memref<!tpu.dma_semaphore, #tpu.memory_space<semaphore_mem>>) {add = true}
        %dma_wait3A_62 = arith.constant 0 : i32
        %dma_wait3A_63 = arith.constant 0 : i32
        %dma_wait3A_64 = tpu.memref_slice %arg14[%dma_wait3A_62, %dma_wait3A_63] : memref<1024x128xf32, #tpu.memory_space<vmem_shared>> -> memref<1024x128xf32, #tpu.memory_space<vmem_shared>>
        tpu.wait_indirect_dma semaphore(%run_scoped3A : memref<!tpu.dma_semaphore, #tpu.memory_space<semaphore_mem>>) src(%arg9 : memref<128x128xf32, #tpu.memory_space<vmem>>) dst(%dma_wait3A_64 : memref<1024x128xf32, #tpu.memory_space<vmem_shared>>)
        tpu.yield
      }) : () -> ()
    }
    %scan3A_16 = arith.constant 2 : i32
    %barrier3A_17 = arith.constant 0 : index
    tpu.barrier barrier_id(%barrier3A_17)
    %mul3A_18 = arith.constant 64 : i32
    %mul3A_19 = arith.muli %arg1, %mul3A_18 : i32
    %mul3A_20 = arith.constant 64 : i32
    %mul3A_21 = arith.muli %arg1, %mul3A_20 : i32
    "tpu.region"() ({
      %run_scoped3A = tpu.sem_alloc : memref<!tpu.dma_semaphore, #tpu.memory_space<semaphore_mem>>
      %dma_start3A_22 = arith.constant 0 : i32
      %dma_start3A_23 = tpu.memref_slice %arg5[%arg0, %mul3A_21, %dma_start3A_22] : memref<2x1024x128xf32, #tpu.memory_space<hbm>> -> memref<1x64x128xf32, #tpu.memory_space<hbm>>
      %dma_start3A_24 = tpu.memref_squeeze %dma_start3A_23 : memref<1x64x128xf32, #tpu.memory_space<hbm>> -> memref<64x128xf32, #tpu.memory_space<hbm>>
      %dma_start3A_25 = arith.constant 0 : i32
      %dma_start3A_26 = tpu.memref_slice %arg14[%mul3A_19, %dma_start3A_25] : memref<1024x128xf32, #tpu.memory_space<vmem_shared>> -> memref<64x128xf32, #tpu.memory_space<vmem_shared>>
      tpu.enqueue_dma source(%dma_start3A_26 : memref<64x128xf32, #tpu.memory_space<vmem_shared>>) target(%dma_start3A_24 : memref<64x128xf32, #tpu.memory_space<hbm>>) target_semaphore(%run_scoped3A : memref<!tpu.dma_semaphore, #tpu.memory_space<semaphore_mem>>)
      %dma_wait3A = arith.constant 0 : i32
      %dma_wait3A_27 = tpu.memref_slice %arg5[%arg0, %mul3A_21, %dma_wait3A] : memref<2x1024x128xf32, #tpu.memory_space<hbm>> -> memref<1x64x128xf32, #tpu.memory_space<hbm>>
      %dma_wait3A_28 = tpu.memref_squeeze %dma_wait3A_27 : memref<1x64x128xf32, #tpu.memory_space<hbm>> -> memref<64x128xf32, #tpu.memory_space<hbm>>
      %dma_wait3A_29 = arith.constant 0 : i32
      %dma_wait3A_30 = tpu.memref_slice %arg14[%mul3A_19, %dma_wait3A_29] : memref<1024x128xf32, #tpu.memory_space<vmem_shared>> -> memref<64x128xf32, #tpu.memory_space<vmem_shared>>
      tpu.wait_dma2 semaphore(%run_scoped3A : memref<!tpu.dma_semaphore, #tpu.memory_space<semaphore_mem>>) src(%dma_wait3A_30 : memref<64x128xf32, #tpu.memory_space<vmem_shared>>) dst(%dma_wait3A_28 : memref<64x128xf32, #tpu.memory_space<hbm>>)
      tpu.yield
    }) : () -> ()
    return
  }
}

#map = affine_map<(d0, d1) -> (0, 0)>
#map1 = affine_map<(d0, d1) -> (0)>
#map2 = affine_map<(d0, d1) -> (0, 0, 0)>
module attributes {stable_mosaic.version = 14 : i64} {
  func.func @k(%arg0: i32, %arg1: i32, %arg2: memref<147456x128xf32, #tpu.memory_space<hbm>>, %arg3: memref<147456xi32, #tpu.memory_space<hbm>>, %arg4: memref<9216x128xf32, #tpu.memory_space<hbm>>, %arg5: memref<2x9216x128xf32, #tpu.memory_space<hbm>>, %arg6: memref<128xi32, #tpu.memory_space<vmem>>, %arg7: memref<128xi32, #tpu.memory_space<vmem>>, %arg8: memref<128x128xf32, #tpu.memory_space<vmem>>, %arg9: memref<128x128xf32, #tpu.memory_space<vmem>>, %arg10: memref<!tpu.dma_semaphore, #tpu.memory_space<semaphore_mem>>, %arg11: memref<!tpu.dma_semaphore, #tpu.memory_space<semaphore_mem>>, %arg12: memref<!tpu.dma_semaphore, #tpu.memory_space<semaphore_mem>>, %arg13: memref<!tpu.dma_semaphore, #tpu.memory_space<semaphore_mem>>, %arg14: memref<9216x128xf32, #tpu.memory_space<vmem_shared>>) attributes {dimension_semantics = [#tpu.dimension_semantics<core_parallel>, #tpu.dimension_semantics<subcore_parallel>], iteration_bounds = array<i64: 2, 16>, scalar_prefetch = 0 : i64, scratch_operands = 9 : i64, tpu.core_type = #tpu.core_type<sc_vector_subcore>, window_params = [{transform_indices = #map}, {transform_indices = #map1}, {transform_indices = #map}, {transform_indices = #map2}]} {
    %mul3A = arith.constant 2 : i32
    %mul3A_0 = arith.muli %arg1, %mul3A : i32
    %add3A = arith.addi %mul3A_0, %arg0 : i32
    %mul3A_1 = arith.constant 4608 : i32
    %mul3A_2 = arith.muli %add3A, %mul3A_1 : i32
    %dma_start3A = tpu.memref_slice %arg3[%mul3A_2] : memref<147456xi32, #tpu.memory_space<hbm>> -> memref<128xi32, #tpu.memory_space<hbm>>
    %dma_start3A_3 = tpu.memref_slice %arg3[%mul3A_2] : memref<147456xi32, #tpu.memory_space<hbm>> -> memref<128xi32, #tpu.memory_space<hbm>>
    tpu.enqueue_dma source(%dma_start3A_3 : memref<128xi32, #tpu.memory_space<hbm>>) target(%arg6 : memref<128xi32, #tpu.memory_space<vmem>>) target_semaphore(%arg10 : memref<!tpu.dma_semaphore, #tpu.memory_space<semaphore_mem>>)
    %dma_start3A_4 = arith.constant 0 : i32
    %dma_start3A_5 = tpu.memref_slice %arg2[%mul3A_2, %dma_start3A_4] : memref<147456x128xf32, #tpu.memory_space<hbm>> -> memref<128x128xf32, #tpu.memory_space<hbm>>
    %dma_start3A_6 = arith.constant 0 : i32
    %dma_start3A_7 = tpu.memref_slice %arg2[%mul3A_2, %dma_start3A_6] : memref<147456x128xf32, #tpu.memory_space<hbm>> -> memref<128x128xf32, #tpu.memory_space<hbm>>
    tpu.enqueue_dma source(%dma_start3A_7 : memref<128x128xf32, #tpu.memory_space<hbm>>) target(%arg8 : memref<128x128xf32, #tpu.memory_space<vmem>>) target_semaphore(%arg12 : memref<!tpu.dma_semaphore, #tpu.memory_space<semaphore_mem>>)
    %mul3A_8 = arith.constant 576 : i32
    %mul3A_9 = arith.muli %arg1, %mul3A_8 : i32
    %mul3A_10 = arith.constant 576 : i32
    %mul3A_11 = arith.muli %arg1, %mul3A_10 : i32
    "tpu.region"() ({
      %run_scoped3A = tpu.sem_alloc : memref<!tpu.dma_semaphore, #tpu.memory_space<semaphore_mem>>
      %dma_start3A_22 = arith.constant 0 : i32
      %dma_start3A_23 = tpu.memref_slice %arg14[%mul3A_11, %dma_start3A_22] : memref<9216x128xf32, #tpu.memory_space<vmem_shared>> -> memref<576x128xf32, #tpu.memory_space<vmem_shared>>
      %dma_start3A_24 = arith.constant 0 : i32
      %dma_start3A_25 = tpu.memref_slice %arg4[%mul3A_9, %dma_start3A_24] : memref<9216x128xf32, #tpu.memory_space<hbm>> -> memref<576x128xf32, #tpu.memory_space<hbm>>
      tpu.enqueue_dma source(%dma_start3A_25 : memref<576x128xf32, #tpu.memory_space<hbm>>) target(%dma_start3A_23 : memref<576x128xf32, #tpu.memory_space<vmem_shared>>) target_semaphore(%run_scoped3A : memref<!tpu.dma_semaphore, #tpu.memory_space<semaphore_mem>>)
      %dma_wait3A = arith.constant 0 : i32
      %dma_wait3A_26 = tpu.memref_slice %arg14[%mul3A_11, %dma_wait3A] : memref<9216x128xf32, #tpu.memory_space<vmem_shared>> -> memref<576x128xf32, #tpu.memory_space<vmem_shared>>
      %dma_wait3A_27 = arith.constant 0 : i32
      %dma_wait3A_28 = tpu.memref_slice %arg4[%mul3A_9, %dma_wait3A_27] : memref<9216x128xf32, #tpu.memory_space<hbm>> -> memref<576x128xf32, #tpu.memory_space<hbm>>
      tpu.wait_dma2 semaphore(%run_scoped3A : memref<!tpu.dma_semaphore, #tpu.memory_space<semaphore_mem>>) src(%dma_wait3A_28 : memref<576x128xf32, #tpu.memory_space<hbm>>) dst(%dma_wait3A_26 : memref<576x128xf32, #tpu.memory_space<vmem_shared>>)
      tpu.yield
    }) : () -> ()
    %barrier3A = arith.constant 0 : index
    tpu.barrier barrier_id(%barrier3A)
    %scan3A = arith.constant 0 : i32
    %scan3A_12 = arith.constant 0 : i32
    %scan3A_13 = arith.constant 18 : i32
    %scan3A_14 = arith.addi %scan3A_12, %scan3A_13 : i32
    %scan3A_15 = arith.constant 1 : i32
    scf.for %scan3A_22 = %scan3A_12 to %scan3A_14 step %scan3A_15  : i32 {
      %mul3A_23 = arith.constant 2 : i32
      %mul3A_24 = arith.muli %mul3A_23, %scan3A_22 : i32
      %add3A_25 = arith.constant 0 : i32
      %add3A_26 = arith.addi %mul3A_24, %add3A_25 : i32
      %mul3A_27 = arith.constant 128 : i32
      %mul3A_28 = arith.muli %add3A_26, %mul3A_27 : i32
      %add3A_29 = arith.addi %mul3A_2, %mul3A_28 : i32
      %dma_wait3A = tpu.memref_slice %arg3[%add3A_29] : memref<147456xi32, #tpu.memory_space<hbm>> -> memref<128xi32, #tpu.memory_space<hbm>>
      %dma_wait3A_30 = tpu.memref_slice %arg3[%add3A_29] : memref<147456xi32, #tpu.memory_space<hbm>> -> memref<128xi32, #tpu.memory_space<hbm>>
      tpu.wait_dma2 semaphore(%arg10 : memref<!tpu.dma_semaphore, #tpu.memory_space<semaphore_mem>>) src(%dma_wait3A_30 : memref<128xi32, #tpu.memory_space<hbm>>) dst(%arg6 : memref<128xi32, #tpu.memory_space<vmem>>)
      %dma_wait3A_31 = arith.constant 0 : i32
      %dma_wait3A_32 = tpu.memref_slice %arg2[%add3A_29, %dma_wait3A_31] : memref<147456x128xf32, #tpu.memory_space<hbm>> -> memref<128x128xf32, #tpu.memory_space<hbm>>
      %dma_wait3A_33 = arith.constant 0 : i32
      %dma_wait3A_34 = tpu.memref_slice %arg2[%add3A_29, %dma_wait3A_33] : memref<147456x128xf32, #tpu.memory_space<hbm>> -> memref<128x128xf32, #tpu.memory_space<hbm>>
      tpu.wait_dma2 semaphore(%arg12 : memref<!tpu.dma_semaphore, #tpu.memory_space<semaphore_mem>>) src(%dma_wait3A_34 : memref<128x128xf32, #tpu.memory_space<hbm>>) dst(%arg8 : memref<128x128xf32, #tpu.memory_space<vmem>>)
      %add3A_35 = arith.constant 1 : i32
      %add3A_36 = arith.addi %add3A_26, %add3A_35 : i32
      %lt3A = arith.constant 36 : i32
      %lt3A_37 = arith.cmpi slt, %add3A_36, %lt3A : i32
      %convert_element_type3A = arith.extui %lt3A_37 : i1 to i32
      %cond3A = arith.constant 0 : i32
      %cond3A_38 = arith.cmpi ne, %convert_element_type3A, %cond3A : i32
      scf.if %cond3A_38 {
        %add3A_59 = arith.constant 1 : i32
        %add3A_60 = arith.addi %add3A_26, %add3A_59 : i32
        %mul3A_61 = arith.constant 128 : i32
        %mul3A_62 = arith.muli %add3A_60, %mul3A_61 : i32
        %add3A_63 = arith.addi %mul3A_2, %mul3A_62 : i32
        %dma_start3A_64 = tpu.memref_slice %arg3[%add3A_63] : memref<147456xi32, #tpu.memory_space<hbm>> -> memref<128xi32, #tpu.memory_space<hbm>>
        %dma_start3A_65 = tpu.memref_slice %arg3[%add3A_63] : memref<147456xi32, #tpu.memory_space<hbm>> -> memref<128xi32, #tpu.memory_space<hbm>>
        tpu.enqueue_dma source(%dma_start3A_65 : memref<128xi32, #tpu.memory_space<hbm>>) target(%arg7 : memref<128xi32, #tpu.memory_space<vmem>>) target_semaphore(%arg11 : memref<!tpu.dma_semaphore, #tpu.memory_space<semaphore_mem>>)
        %dma_start3A_66 = arith.constant 0 : i32
        %dma_start3A_67 = tpu.memref_slice %arg2[%add3A_63, %dma_start3A_66] : memref<147456x128xf32, #tpu.memory_space<hbm>> -> memref<128x128xf32, #tpu.memory_space<hbm>>
        %dma_start3A_68 = arith.constant 0 : i32
        %dma_start3A_69 = tpu.memref_slice %arg2[%add3A_63, %dma_start3A_68] : memref<147456x128xf32, #tpu.memory_space<hbm>> -> memref<128x128xf32, #tpu.memory_space<hbm>>
        tpu.enqueue_dma source(%dma_start3A_69 : memref<128x128xf32, #tpu.memory_space<hbm>>) target(%arg9 : memref<128x128xf32, #tpu.memory_space<vmem>>) target_semaphore(%arg13 : memref<!tpu.dma_semaphore, #tpu.memory_space<semaphore_mem>>)
      } else {
      }
      "tpu.region"() ({
        %run_scoped3A = tpu.sem_alloc : memref<!tpu.dma_semaphore, #tpu.memory_space<semaphore_mem>>
        %dma_start3A_59 = arith.constant 0 : i32
        %dma_start3A_60 = arith.constant 0 : i32
        %dma_start3A_61 = tpu.memref_slice %arg14[%dma_start3A_59, %dma_start3A_60] : memref<9216x128xf32, #tpu.memory_space<vmem_shared>> -> memref<9216x128xf32, #tpu.memory_space<vmem_shared>>
        tpu.enqueue_indirect_dma source(%arg8 : memref<128x128xf32, #tpu.memory_space<vmem>>) target(%dma_start3A_61 : memref<9216x128xf32, #tpu.memory_space<vmem_shared>>) offsets(%arg6 : memref<128xi32, #tpu.memory_space<vmem>>) semaphore(%run_scoped3A : memref<!tpu.dma_semaphore, #tpu.memory_space<semaphore_mem>>) {add = true}
        %dma_wait3A_62 = arith.constant 0 : i32
        %dma_wait3A_63 = arith.constant 0 : i32
        %dma_wait3A_64 = tpu.memref_slice %arg14[%dma_wait3A_62, %dma_wait3A_63] : memref<9216x128xf32, #tpu.memory_space<vmem_shared>> -> memref<9216x128xf32, #tpu.memory_space<vmem_shared>>
        tpu.wait_indirect_dma semaphore(%run_scoped3A : memref<!tpu.dma_semaphore, #tpu.memory_space<semaphore_mem>>) src(%arg8 : memref<128x128xf32, #tpu.memory_space<vmem>>) dst(%dma_wait3A_64 : memref<9216x128xf32, #tpu.memory_space<vmem_shared>>)
        tpu.yield
      }) : () -> ()
      %mul3A_39 = arith.constant 2 : i32
      %mul3A_40 = arith.muli %mul3A_39, %scan3A_22 : i32
      %add3A_41 = arith.constant 1 : i32
      %add3A_42 = arith.addi %mul3A_40, %add3A_41 : i32
      %mul3A_43 = arith.constant 128 : i32
      %mul3A_44 = arith.muli %add3A_42, %mul3A_43 : i32
      %add3A_45 = arith.addi %mul3A_2, %mul3A_44 : i32
      %dma_wait3A_46 = tpu.memref_slice %arg3[%add3A_45] : memref<147456xi32, #tpu.memory_space<hbm>> -> memref<128xi32, #tpu.memory_space<hbm>>
      %dma_wait3A_47 = tpu.memref_slice %arg3[%add3A_45] : memref<147456xi32, #tpu.memory_space<hbm>> -> memref<128xi32, #tpu.memory_space<hbm>>
      tpu.wait_dma2 semaphore(%arg11 : memref<!tpu.dma_semaphore, #tpu.memory_space<semaphore_mem>>) src(%dma_wait3A_47 : memref<128xi32, #tpu.memory_space<hbm>>) dst(%arg7 : memref<128xi32, #tpu.memory_space<vmem>>)
      %dma_wait3A_48 = arith.constant 0 : i32
      %dma_wait3A_49 = tpu.memref_slice %arg2[%add3A_45, %dma_wait3A_48] : memref<147456x128xf32, #tpu.memory_space<hbm>> -> memref<128x128xf32, #tpu.memory_space<hbm>>
      %dma_wait3A_50 = arith.constant 0 : i32
      %dma_wait3A_51 = tpu.memref_slice %arg2[%add3A_45, %dma_wait3A_50] : memref<147456x128xf32, #tpu.memory_space<hbm>> -> memref<128x128xf32, #tpu.memory_space<hbm>>
      tpu.wait_dma2 semaphore(%arg13 : memref<!tpu.dma_semaphore, #tpu.memory_space<semaphore_mem>>) src(%dma_wait3A_51 : memref<128x128xf32, #tpu.memory_space<hbm>>) dst(%arg9 : memref<128x128xf32, #tpu.memory_space<vmem>>)
      %add3A_52 = arith.constant 1 : i32
      %add3A_53 = arith.addi %add3A_42, %add3A_52 : i32
      %lt3A_54 = arith.constant 36 : i32
      %lt3A_55 = arith.cmpi slt, %add3A_53, %lt3A_54 : i32
      %convert_element_type3A_56 = arith.extui %lt3A_55 : i1 to i32
      %cond3A_57 = arith.constant 0 : i32
      %cond3A_58 = arith.cmpi ne, %convert_element_type3A_56, %cond3A_57 : i32
      scf.if %cond3A_58 {
        %add3A_59 = arith.constant 1 : i32
        %add3A_60 = arith.addi %add3A_42, %add3A_59 : i32
        %mul3A_61 = arith.constant 128 : i32
        %mul3A_62 = arith.muli %add3A_60, %mul3A_61 : i32
        %add3A_63 = arith.addi %mul3A_2, %mul3A_62 : i32
        %dma_start3A_64 = tpu.memref_slice %arg3[%add3A_63] : memref<147456xi32, #tpu.memory_space<hbm>> -> memref<128xi32, #tpu.memory_space<hbm>>
        %dma_start3A_65 = tpu.memref_slice %arg3[%add3A_63] : memref<147456xi32, #tpu.memory_space<hbm>> -> memref<128xi32, #tpu.memory_space<hbm>>
        tpu.enqueue_dma source(%dma_start3A_65 : memref<128xi32, #tpu.memory_space<hbm>>) target(%arg6 : memref<128xi32, #tpu.memory_space<vmem>>) target_semaphore(%arg10 : memref<!tpu.dma_semaphore, #tpu.memory_space<semaphore_mem>>)
        %dma_start3A_66 = arith.constant 0 : i32
        %dma_start3A_67 = tpu.memref_slice %arg2[%add3A_63, %dma_start3A_66] : memref<147456x128xf32, #tpu.memory_space<hbm>> -> memref<128x128xf32, #tpu.memory_space<hbm>>
        %dma_start3A_68 = arith.constant 0 : i32
        %dma_start3A_69 = tpu.memref_slice %arg2[%add3A_63, %dma_start3A_68] : memref<147456x128xf32, #tpu.memory_space<hbm>> -> memref<128x128xf32, #tpu.memory_space<hbm>>
        tpu.enqueue_dma source(%dma_start3A_69 : memref<128x128xf32, #tpu.memory_space<hbm>>) target(%arg8 : memref<128x128xf32, #tpu.memory_space<vmem>>) target_semaphore(%arg12 : memref<!tpu.dma_semaphore, #tpu.memory_space<semaphore_mem>>)
      } else {
      }
      "tpu.region"() ({
        %run_scoped3A = tpu.sem_alloc : memref<!tpu.dma_semaphore, #tpu.memory_space<semaphore_mem>>
        %dma_start3A_59 = arith.constant 0 : i32
        %dma_start3A_60 = arith.constant 0 : i32
        %dma_start3A_61 = tpu.memref_slice %arg14[%dma_start3A_59, %dma_start3A_60] : memref<9216x128xf32, #tpu.memory_space<vmem_shared>> -> memref<9216x128xf32, #tpu.memory_space<vmem_shared>>
        tpu.enqueue_indirect_dma source(%arg9 : memref<128x128xf32, #tpu.memory_space<vmem>>) target(%dma_start3A_61 : memref<9216x128xf32, #tpu.memory_space<vmem_shared>>) offsets(%arg7 : memref<128xi32, #tpu.memory_space<vmem>>) semaphore(%run_scoped3A : memref<!tpu.dma_semaphore, #tpu.memory_space<semaphore_mem>>) {add = true}
        %dma_wait3A_62 = arith.constant 0 : i32
        %dma_wait3A_63 = arith.constant 0 : i32
        %dma_wait3A_64 = tpu.memref_slice %arg14[%dma_wait3A_62, %dma_wait3A_63] : memref<9216x128xf32, #tpu.memory_space<vmem_shared>> -> memref<9216x128xf32, #tpu.memory_space<vmem_shared>>
        tpu.wait_indirect_dma semaphore(%run_scoped3A : memref<!tpu.dma_semaphore, #tpu.memory_space<semaphore_mem>>) src(%arg9 : memref<128x128xf32, #tpu.memory_space<vmem>>) dst(%dma_wait3A_64 : memref<9216x128xf32, #tpu.memory_space<vmem_shared>>)
        tpu.yield
      }) : () -> ()
    }
    %scan3A_16 = arith.constant 18 : i32
    %barrier3A_17 = arith.constant 0 : index
    tpu.barrier barrier_id(%barrier3A_17)
    %mul3A_18 = arith.constant 576 : i32
    %mul3A_19 = arith.muli %arg1, %mul3A_18 : i32
    %mul3A_20 = arith.constant 576 : i32
    %mul3A_21 = arith.muli %arg1, %mul3A_20 : i32
    "tpu.region"() ({
      %run_scoped3A = tpu.sem_alloc : memref<!tpu.dma_semaphore, #tpu.memory_space<semaphore_mem>>
      %dma_start3A_22 = arith.constant 0 : i32
      %dma_start3A_23 = tpu.memref_slice %arg5[%arg0, %mul3A_21, %dma_start3A_22] : memref<2x9216x128xf32, #tpu.memory_space<hbm>> -> memref<1x576x128xf32, #tpu.memory_space<hbm>>
      %dma_start3A_24 = tpu.memref_squeeze %dma_start3A_23 : memref<1x576x128xf32, #tpu.memory_space<hbm>> -> memref<576x128xf32, #tpu.memory_space<hbm>>
      %dma_start3A_25 = arith.constant 0 : i32
      %dma_start3A_26 = tpu.memref_slice %arg14[%mul3A_19, %dma_start3A_25] : memref<9216x128xf32, #tpu.memory_space<vmem_shared>> -> memref<576x128xf32, #tpu.memory_space<vmem_shared>>
      tpu.enqueue_dma source(%dma_start3A_26 : memref<576x128xf32, #tpu.memory_space<vmem_shared>>) target(%dma_start3A_24 : memref<576x128xf32, #tpu.memory_space<hbm>>) target_semaphore(%run_scoped3A : memref<!tpu.dma_semaphore, #tpu.memory_space<semaphore_mem>>)
      %dma_wait3A = arith.constant 0 : i32
      %dma_wait3A_27 = tpu.memref_slice %arg5[%arg0, %mul3A_21, %dma_wait3A] : memref<2x9216x128xf32, #tpu.memory_space<hbm>> -> memref<1x576x128xf32, #tpu.memory_space<hbm>>
      %dma_wait3A_28 = tpu.memref_squeeze %dma_wait3A_27 : memref<1x576x128xf32, #tpu.memory_space<hbm>> -> memref<576x128xf32, #tpu.memory_space<hbm>>
      %dma_wait3A_29 = arith.constant 0 : i32
      %dma_wait3A_30 = tpu.memref_slice %arg14[%mul3A_19, %dma_wait3A_29] : memref<9216x128xf32, #tpu.memory_space<vmem_shared>> -> memref<576x128xf32, #tpu.memory_space<vmem_shared>>
      tpu.wait_dma2 semaphore(%run_scoped3A : memref<!tpu.dma_semaphore, #tpu.memory_space<semaphore_mem>>) src(%dma_wait3A_30 : memref<576x128xf32, #tpu.memory_space<vmem_shared>>) dst(%dma_wait3A_28 : memref<576x128xf32, #tpu.memory_space<hbm>>)
      tpu.yield
    }) : () -> ()
    return
  }
}

#map = affine_map<(d0, d1) -> (0, 0)>
#map1 = affine_map<(d0, d1) -> (0)>
#map2 = affine_map<(d0, d1) -> (0, 0, 0)>
module attributes {stable_mosaic.version = 14 : i64} {
  func.func @k(%arg0: i32, %arg1: i32, %arg2: memref<147456x128xf32, #tpu.memory_space<hbm>>, %arg3: memref<147456xi32, #tpu.memory_space<hbm>>, %arg4: memref<9216x128xf32, #tpu.memory_space<hbm>>, %arg5: memref<2x9216x128xf32, #tpu.memory_space<hbm>>, %arg6: memref<128xi32, #tpu.memory_space<vmem>>, %arg7: memref<128xi32, #tpu.memory_space<vmem>>, %arg8: memref<128x128xf32, #tpu.memory_space<vmem>>, %arg9: memref<128x128xf32, #tpu.memory_space<vmem>>, %arg10: memref<!tpu.dma_semaphore, #tpu.memory_space<semaphore_mem>>, %arg11: memref<!tpu.dma_semaphore, #tpu.memory_space<semaphore_mem>>, %arg12: memref<!tpu.dma_semaphore, #tpu.memory_space<semaphore_mem>>, %arg13: memref<!tpu.dma_semaphore, #tpu.memory_space<semaphore_mem>>, %arg14: memref<9216x128xf32, #tpu.memory_space<vmem_shared>>) attributes {dimension_semantics = [#tpu.dimension_semantics<core_parallel>, #tpu.dimension_semantics<subcore_parallel>], iteration_bounds = array<i64: 2, 16>, scalar_prefetch = 0 : i64, scratch_operands = 9 : i64, tpu.core_type = #tpu.core_type<sc_vector_subcore>, window_params = [{transform_indices = #map}, {transform_indices = #map1}, {transform_indices = #map}, {transform_indices = #map2}]} {
    %mul3A = arith.constant 2 : i32
    %mul3A_0 = arith.muli %arg1, %mul3A : i32
    %add3A = arith.addi %mul3A_0, %arg0 : i32
    %mul3A_1 = arith.constant 4608 : i32
    %mul3A_2 = arith.muli %add3A, %mul3A_1 : i32
    %dma_start3A = tpu.memref_slice %arg3[%mul3A_2] : memref<147456xi32, #tpu.memory_space<hbm>> -> memref<128xi32, #tpu.memory_space<hbm>>
    %dma_start3A_3 = tpu.memref_slice %arg3[%mul3A_2] : memref<147456xi32, #tpu.memory_space<hbm>> -> memref<128xi32, #tpu.memory_space<hbm>>
    tpu.enqueue_dma source(%dma_start3A_3 : memref<128xi32, #tpu.memory_space<hbm>>) target(%arg6 : memref<128xi32, #tpu.memory_space<vmem>>) target_semaphore(%arg10 : memref<!tpu.dma_semaphore, #tpu.memory_space<semaphore_mem>>)
    %dma_start3A_4 = arith.constant 0 : i32
    %dma_start3A_5 = tpu.memref_slice %arg2[%mul3A_2, %dma_start3A_4] : memref<147456x128xf32, #tpu.memory_space<hbm>> -> memref<128x128xf32, #tpu.memory_space<hbm>>
    %dma_start3A_6 = arith.constant 0 : i32
    %dma_start3A_7 = tpu.memref_slice %arg2[%mul3A_2, %dma_start3A_6] : memref<147456x128xf32, #tpu.memory_space<hbm>> -> memref<128x128xf32, #tpu.memory_space<hbm>>
    tpu.enqueue_dma source(%dma_start3A_7 : memref<128x128xf32, #tpu.memory_space<hbm>>) target(%arg8 : memref<128x128xf32, #tpu.memory_space<vmem>>) target_semaphore(%arg12 : memref<!tpu.dma_semaphore, #tpu.memory_space<semaphore_mem>>)
    %mul3A_8 = arith.constant 576 : i32
    %mul3A_9 = arith.muli %arg1, %mul3A_8 : i32
    %mul3A_10 = arith.constant 576 : i32
    %mul3A_11 = arith.muli %arg1, %mul3A_10 : i32
    "tpu.region"() ({
      %run_scoped3A = tpu.sem_alloc : memref<!tpu.dma_semaphore, #tpu.memory_space<semaphore_mem>>
      %dma_start3A_22 = arith.constant 0 : i32
      %dma_start3A_23 = tpu.memref_slice %arg14[%mul3A_11, %dma_start3A_22] : memref<9216x128xf32, #tpu.memory_space<vmem_shared>> -> memref<576x128xf32, #tpu.memory_space<vmem_shared>>
      %dma_start3A_24 = arith.constant 0 : i32
      %dma_start3A_25 = tpu.memref_slice %arg4[%mul3A_9, %dma_start3A_24] : memref<9216x128xf32, #tpu.memory_space<hbm>> -> memref<576x128xf32, #tpu.memory_space<hbm>>
      tpu.enqueue_dma source(%dma_start3A_25 : memref<576x128xf32, #tpu.memory_space<hbm>>) target(%dma_start3A_23 : memref<576x128xf32, #tpu.memory_space<vmem_shared>>) target_semaphore(%run_scoped3A : memref<!tpu.dma_semaphore, #tpu.memory_space<semaphore_mem>>)
      %dma_wait3A = arith.constant 0 : i32
      %dma_wait3A_26 = tpu.memref_slice %arg14[%mul3A_11, %dma_wait3A] : memref<9216x128xf32, #tpu.memory_space<vmem_shared>> -> memref<576x128xf32, #tpu.memory_space<vmem_shared>>
      %dma_wait3A_27 = arith.constant 0 : i32
      %dma_wait3A_28 = tpu.memref_slice %arg4[%mul3A_9, %dma_wait3A_27] : memref<9216x128xf32, #tpu.memory_space<hbm>> -> memref<576x128xf32, #tpu.memory_space<hbm>>
      tpu.wait_dma2 semaphore(%run_scoped3A : memref<!tpu.dma_semaphore, #tpu.memory_space<semaphore_mem>>) src(%dma_wait3A_28 : memref<576x128xf32, #tpu.memory_space<hbm>>) dst(%dma_wait3A_26 : memref<576x128xf32, #tpu.memory_space<vmem_shared>>)
      tpu.yield
    }) : () -> ()
    %barrier3A = arith.constant 0 : index
    tpu.barrier barrier_id(%barrier3A)
    %scan3A = arith.constant 0 : i32
    %scan3A_12 = arith.constant 0 : i32
    %scan3A_13 = arith.constant 18 : i32
    %scan3A_14 = arith.addi %scan3A_12, %scan3A_13 : i32
    %scan3A_15 = arith.constant 1 : i32
    scf.for %scan3A_22 = %scan3A_12 to %scan3A_14 step %scan3A_15  : i32 {
      %mul3A_23 = arith.constant 2 : i32
      %mul3A_24 = arith.muli %mul3A_23, %scan3A_22 : i32
      %add3A_25 = arith.constant 0 : i32
      %add3A_26 = arith.addi %mul3A_24, %add3A_25 : i32
      %mul3A_27 = arith.constant 128 : i32
      %mul3A_28 = arith.muli %add3A_26, %mul3A_27 : i32
      %add3A_29 = arith.addi %mul3A_2, %mul3A_28 : i32
      %dma_wait3A = tpu.memref_slice %arg3[%add3A_29] : memref<147456xi32, #tpu.memory_space<hbm>> -> memref<128xi32, #tpu.memory_space<hbm>>
      %dma_wait3A_30 = tpu.memref_slice %arg3[%add3A_29] : memref<147456xi32, #tpu.memory_space<hbm>> -> memref<128xi32, #tpu.memory_space<hbm>>
      tpu.wait_dma2 semaphore(%arg10 : memref<!tpu.dma_semaphore, #tpu.memory_space<semaphore_mem>>) src(%dma_wait3A_30 : memref<128xi32, #tpu.memory_space<hbm>>) dst(%arg6 : memref<128xi32, #tpu.memory_space<vmem>>)
      %dma_wait3A_31 = arith.constant 0 : i32
      %dma_wait3A_32 = tpu.memref_slice %arg2[%add3A_29, %dma_wait3A_31] : memref<147456x128xf32, #tpu.memory_space<hbm>> -> memref<128x128xf32, #tpu.memory_space<hbm>>
      %dma_wait3A_33 = arith.constant 0 : i32
      %dma_wait3A_34 = tpu.memref_slice %arg2[%add3A_29, %dma_wait3A_33] : memref<147456x128xf32, #tpu.memory_space<hbm>> -> memref<128x128xf32, #tpu.memory_space<hbm>>
      tpu.wait_dma2 semaphore(%arg12 : memref<!tpu.dma_semaphore, #tpu.memory_space<semaphore_mem>>) src(%dma_wait3A_34 : memref<128x128xf32, #tpu.memory_space<hbm>>) dst(%arg8 : memref<128x128xf32, #tpu.memory_space<vmem>>)
      %add3A_35 = arith.constant 1 : i32
      %add3A_36 = arith.addi %add3A_26, %add3A_35 : i32
      %lt3A = arith.constant 36 : i32
      %lt3A_37 = arith.cmpi slt, %add3A_36, %lt3A : i32
      %convert_element_type3A = arith.extui %lt3A_37 : i1 to i32
      %cond3A = arith.constant 0 : i32
      %cond3A_38 = arith.cmpi ne, %convert_element_type3A, %cond3A : i32
      scf.if %cond3A_38 {
        %add3A_59 = arith.constant 1 : i32
        %add3A_60 = arith.addi %add3A_26, %add3A_59 : i32
        %mul3A_61 = arith.constant 128 : i32
        %mul3A_62 = arith.muli %add3A_60, %mul3A_61 : i32
        %add3A_63 = arith.addi %mul3A_2, %mul3A_62 : i32
        %dma_start3A_64 = tpu.memref_slice %arg3[%add3A_63] : memref<147456xi32, #tpu.memory_space<hbm>> -> memref<128xi32, #tpu.memory_space<hbm>>
        %dma_start3A_65 = tpu.memref_slice %arg3[%add3A_63] : memref<147456xi32, #tpu.memory_space<hbm>> -> memref<128xi32, #tpu.memory_space<hbm>>
        tpu.enqueue_dma source(%dma_start3A_65 : memref<128xi32, #tpu.memory_space<hbm>>) target(%arg7 : memref<128xi32, #tpu.memory_space<vmem>>) target_semaphore(%arg11 : memref<!tpu.dma_semaphore, #tpu.memory_space<semaphore_mem>>)
        %dma_start3A_66 = arith.constant 0 : i32
        %dma_start3A_67 = tpu.memref_slice %arg2[%add3A_63, %dma_start3A_66] : memref<147456x128xf32, #tpu.memory_space<hbm>> -> memref<128x128xf32, #tpu.memory_space<hbm>>
        %dma_start3A_68 = arith.constant 0 : i32
        %dma_start3A_69 = tpu.memref_slice %arg2[%add3A_63, %dma_start3A_68] : memref<147456x128xf32, #tpu.memory_space<hbm>> -> memref<128x128xf32, #tpu.memory_space<hbm>>
        tpu.enqueue_dma source(%dma_start3A_69 : memref<128x128xf32, #tpu.memory_space<hbm>>) target(%arg9 : memref<128x128xf32, #tpu.memory_space<vmem>>) target_semaphore(%arg13 : memref<!tpu.dma_semaphore, #tpu.memory_space<semaphore_mem>>)
      } else {
      }
      "tpu.region"() ({
        %run_scoped3A = tpu.sem_alloc : memref<!tpu.dma_semaphore, #tpu.memory_space<semaphore_mem>>
        %dma_start3A_59 = arith.constant 0 : i32
        %dma_start3A_60 = arith.constant 0 : i32
        %dma_start3A_61 = tpu.memref_slice %arg14[%dma_start3A_59, %dma_start3A_60] : memref<9216x128xf32, #tpu.memory_space<vmem_shared>> -> memref<9216x128xf32, #tpu.memory_space<vmem_shared>>
        tpu.enqueue_indirect_dma source(%arg8 : memref<128x128xf32, #tpu.memory_space<vmem>>) target(%dma_start3A_61 : memref<9216x128xf32, #tpu.memory_space<vmem_shared>>) offsets(%arg6 : memref<128xi32, #tpu.memory_space<vmem>>) semaphore(%run_scoped3A : memref<!tpu.dma_semaphore, #tpu.memory_space<semaphore_mem>>) {add = true}
        %dma_wait3A_62 = arith.constant 0 : i32
        %dma_wait3A_63 = arith.constant 0 : i32
        %dma_wait3A_64 = tpu.memref_slice %arg14[%dma_wait3A_62, %dma_wait3A_63] : memref<9216x128xf32, #tpu.memory_space<vmem_shared>> -> memref<9216x128xf32, #tpu.memory_space<vmem_shared>>
        tpu.wait_indirect_dma semaphore(%run_scoped3A : memref<!tpu.dma_semaphore, #tpu.memory_space<semaphore_mem>>) src(%arg8 : memref<128x128xf32, #tpu.memory_space<vmem>>) dst(%dma_wait3A_64 : memref<9216x128xf32, #tpu.memory_space<vmem_shared>>)
        tpu.yield
      }) : () -> ()
      %mul3A_39 = arith.constant 2 : i32
      %mul3A_40 = arith.muli %mul3A_39, %scan3A_22 : i32
      %add3A_41 = arith.constant 1 : i32
      %add3A_42 = arith.addi %mul3A_40, %add3A_41 : i32
      %mul3A_43 = arith.constant 128 : i32
      %mul3A_44 = arith.muli %add3A_42, %mul3A_43 : i32
      %add3A_45 = arith.addi %mul3A_2, %mul3A_44 : i32
      %dma_wait3A_46 = tpu.memref_slice %arg3[%add3A_45] : memref<147456xi32, #tpu.memory_space<hbm>> -> memref<128xi32, #tpu.memory_space<hbm>>
      %dma_wait3A_47 = tpu.memref_slice %arg3[%add3A_45] : memref<147456xi32, #tpu.memory_space<hbm>> -> memref<128xi32, #tpu.memory_space<hbm>>
      tpu.wait_dma2 semaphore(%arg11 : memref<!tpu.dma_semaphore, #tpu.memory_space<semaphore_mem>>) src(%dma_wait3A_47 : memref<128xi32, #tpu.memory_space<hbm>>) dst(%arg7 : memref<128xi32, #tpu.memory_space<vmem>>)
      %dma_wait3A_48 = arith.constant 0 : i32
      %dma_wait3A_49 = tpu.memref_slice %arg2[%add3A_45, %dma_wait3A_48] : memref<147456x128xf32, #tpu.memory_space<hbm>> -> memref<128x128xf32, #tpu.memory_space<hbm>>
      %dma_wait3A_50 = arith.constant 0 : i32
      %dma_wait3A_51 = tpu.memref_slice %arg2[%add3A_45, %dma_wait3A_50] : memref<147456x128xf32, #tpu.memory_space<hbm>> -> memref<128x128xf32, #tpu.memory_space<hbm>>
      tpu.wait_dma2 semaphore(%arg13 : memref<!tpu.dma_semaphore, #tpu.memory_space<semaphore_mem>>) src(%dma_wait3A_51 : memref<128x128xf32, #tpu.memory_space<hbm>>) dst(%arg9 : memref<128x128xf32, #tpu.memory_space<vmem>>)
      %add3A_52 = arith.constant 1 : i32
      %add3A_53 = arith.addi %add3A_42, %add3A_52 : i32
      %lt3A_54 = arith.constant 36 : i32
      %lt3A_55 = arith.cmpi slt, %add3A_53, %lt3A_54 : i32
      %convert_element_type3A_56 = arith.extui %lt3A_55 : i1 to i32
      %cond3A_57 = arith.constant 0 : i32
      %cond3A_58 = arith.cmpi ne, %convert_element_type3A_56, %cond3A_57 : i32
      scf.if %cond3A_58 {
        %add3A_59 = arith.constant 1 : i32
        %add3A_60 = arith.addi %add3A_42, %add3A_59 : i32
        %mul3A_61 = arith.constant 128 : i32
        %mul3A_62 = arith.muli %add3A_60, %mul3A_61 : i32
        %add3A_63 = arith.addi %mul3A_2, %mul3A_62 : i32
        %dma_start3A_64 = tpu.memref_slice %arg3[%add3A_63] : memref<147456xi32, #tpu.memory_space<hbm>> -> memref<128xi32, #tpu.memory_space<hbm>>
        %dma_start3A_65 = tpu.memref_slice %arg3[%add3A_63] : memref<147456xi32, #tpu.memory_space<hbm>> -> memref<128xi32, #tpu.memory_space<hbm>>
        tpu.enqueue_dma source(%dma_start3A_65 : memref<128xi32, #tpu.memory_space<hbm>>) target(%arg6 : memref<128xi32, #tpu.memory_space<vmem>>) target_semaphore(%arg10 : memref<!tpu.dma_semaphore, #tpu.memory_space<semaphore_mem>>)
        %dma_start3A_66 = arith.constant 0 : i32
        %dma_start3A_67 = tpu.memref_slice %arg2[%add3A_63, %dma_start3A_66] : memref<147456x128xf32, #tpu.memory_space<hbm>> -> memref<128x128xf32, #tpu.memory_space<hbm>>
        %dma_start3A_68 = arith.constant 0 : i32
        %dma_start3A_69 = tpu.memref_slice %arg2[%add3A_63, %dma_start3A_68] : memref<147456x128xf32, #tpu.memory_space<hbm>> -> memref<128x128xf32, #tpu.memory_space<hbm>>
        tpu.enqueue_dma source(%dma_start3A_69 : memref<128x128xf32, #tpu.memory_space<hbm>>) target(%arg8 : memref<128x128xf32, #tpu.memory_space<vmem>>) target_semaphore(%arg12 : memref<!tpu.dma_semaphore, #tpu.memory_space<semaphore_mem>>)
      } else {
      }
      "tpu.region"() ({
        %run_scoped3A = tpu.sem_alloc : memref<!tpu.dma_semaphore, #tpu.memory_space<semaphore_mem>>
        %dma_start3A_59 = arith.constant 0 : i32
        %dma_start3A_60 = arith.constant 0 : i32
        %dma_start3A_61 = tpu.memref_slice %arg14[%dma_start3A_59, %dma_start3A_60] : memref<9216x128xf32, #tpu.memory_space<vmem_shared>> -> memref<9216x128xf32, #tpu.memory_space<vmem_shared>>
        tpu.enqueue_indirect_dma source(%arg9 : memref<128x128xf32, #tpu.memory_space<vmem>>) target(%dma_start3A_61 : memref<9216x128xf32, #tpu.memory_space<vmem_shared>>) offsets(%arg7 : memref<128xi32, #tpu.memory_space<vmem>>) semaphore(%run_scoped3A : memref<!tpu.dma_semaphore, #tpu.memory_space<semaphore_mem>>) {add = true}
        %dma_wait3A_62 = arith.constant 0 : i32
        %dma_wait3A_63 = arith.constant 0 : i32
        %dma_wait3A_64 = tpu.memref_slice %arg14[%dma_wait3A_62, %dma_wait3A_63] : memref<9216x128xf32, #tpu.memory_space<vmem_shared>> -> memref<9216x128xf32, #tpu.memory_space<vmem_shared>>
        tpu.wait_indirect_dma semaphore(%run_scoped3A : memref<!tpu.dma_semaphore, #tpu.memory_space<semaphore_mem>>) src(%arg9 : memref<128x128xf32, #tpu.memory_space<vmem>>) dst(%dma_wait3A_64 : memref<9216x128xf32, #tpu.memory_space<vmem_shared>>)
        tpu.yield
      }) : () -> ()
    }
    %scan3A_16 = arith.constant 18 : i32
    %barrier3A_17 = arith.constant 0 : index
    tpu.barrier barrier_id(%barrier3A_17)
    %mul3A_18 = arith.constant 576 : i32
    %mul3A_19 = arith.muli %arg1, %mul3A_18 : i32
    %mul3A_20 = arith.constant 576 : i32
    %mul3A_21 = arith.muli %arg1, %mul3A_20 : i32
    "tpu.region"() ({
      %run_scoped3A = tpu.sem_alloc : memref<!tpu.dma_semaphore, #tpu.memory_space<semaphore_mem>>
      %dma_start3A_22 = arith.constant 0 : i32
      %dma_start3A_23 = tpu.memref_slice %arg5[%arg0, %mul3A_21, %dma_start3A_22] : memref<2x9216x128xf32, #tpu.memory_space<hbm>> -> memref<1x576x128xf32, #tpu.memory_space<hbm>>
      %dma_start3A_24 = tpu.memref_squeeze %dma_start3A_23 : memref<1x576x128xf32, #tpu.memory_space<hbm>> -> memref<576x128xf32, #tpu.memory_space<hbm>>
      %dma_start3A_25 = arith.constant 0 : i32
      %dma_start3A_26 = tpu.memref_slice %arg14[%mul3A_19, %dma_start3A_25] : memref<9216x128xf32, #tpu.memory_space<vmem_shared>> -> memref<576x128xf32, #tpu.memory_space<vmem_shared>>
      tpu.enqueue_dma source(%dma_start3A_26 : memref<576x128xf32, #tpu.memory_space<vmem_shared>>) target(%dma_start3A_24 : memref<576x128xf32, #tpu.memory_space<hbm>>) target_semaphore(%run_scoped3A : memref<!tpu.dma_semaphore, #tpu.memory_space<semaphore_mem>>)
      %dma_wait3A = arith.constant 0 : i32
      %dma_wait3A_27 = tpu.memref_slice %arg5[%arg0, %mul3A_21, %dma_wait3A] : memref<2x9216x128xf32, #tpu.memory_space<hbm>> -> memref<1x576x128xf32, #tpu.memory_space<hbm>>
      %dma_wait3A_28 = tpu.memref_squeeze %dma_wait3A_27 : memref<1x576x128xf32, #tpu.memory_space<hbm>> -> memref<576x128xf32, #tpu.memory_space<hbm>>
      %dma_wait3A_29 = arith.constant 0 : i32
      %dma_wait3A_30 = tpu.memref_slice %arg14[%mul3A_19, %dma_wait3A_29] : memref<9216x128xf32, #tpu.memory_space<vmem_shared>> -> memref<576x128xf32, #tpu.memory_space<vmem_shared>>
      tpu.wait_dma2 semaphore(%run_scoped3A : memref<!tpu.dma_semaphore, #tpu.memory_space<semaphore_mem>>) src(%dma_wait3A_30 : memref<576x128xf32, #tpu.memory_space<vmem_shared>>) dst(%dma_wait3A_28 : memref<576x128xf32, #tpu.memory_space<hbm>>)
      tpu.yield
    }) : () -> ()
    return
  }
}

#map = affine_map<(d0, d1) -> (0, 0)>
#map1 = affine_map<(d0, d1) -> (0)>
#map2 = affine_map<(d0, d1) -> (0, 0, 0)>
module attributes {stable_mosaic.version = 14 : i64} {
  func.func @k(%arg0: i32, %arg1: i32, %arg2: memref<147456x128xf32, #tpu.memory_space<hbm>>, %arg3: memref<147456xi32, #tpu.memory_space<hbm>>, %arg4: memref<9216x128xf32, #tpu.memory_space<hbm>>, %arg5: memref<2x9216x128xf32, #tpu.memory_space<hbm>>, %arg6: memref<128xi32, #tpu.memory_space<vmem>>, %arg7: memref<128xi32, #tpu.memory_space<vmem>>, %arg8: memref<128x128xf32, #tpu.memory_space<vmem>>, %arg9: memref<128x128xf32, #tpu.memory_space<vmem>>, %arg10: memref<!tpu.dma_semaphore, #tpu.memory_space<semaphore_mem>>, %arg11: memref<!tpu.dma_semaphore, #tpu.memory_space<semaphore_mem>>, %arg12: memref<!tpu.dma_semaphore, #tpu.memory_space<semaphore_mem>>, %arg13: memref<!tpu.dma_semaphore, #tpu.memory_space<semaphore_mem>>, %arg14: memref<9216x128xf32, #tpu.memory_space<vmem_shared>>) attributes {dimension_semantics = [#tpu.dimension_semantics<core_parallel>, #tpu.dimension_semantics<subcore_parallel>], iteration_bounds = array<i64: 2, 16>, scalar_prefetch = 0 : i64, scratch_operands = 9 : i64, tpu.core_type = #tpu.core_type<sc_vector_subcore>, window_params = [{transform_indices = #map}, {transform_indices = #map1}, {transform_indices = #map}, {transform_indices = #map2}]} {
    %mul3A = arith.constant 2 : i32
    %mul3A_0 = arith.muli %arg1, %mul3A : i32
    %add3A = arith.addi %mul3A_0, %arg0 : i32
    %mul3A_1 = arith.constant 4608 : i32
    %mul3A_2 = arith.muli %add3A, %mul3A_1 : i32
    %dma_start3A = tpu.memref_slice %arg3[%mul3A_2] : memref<147456xi32, #tpu.memory_space<hbm>> -> memref<128xi32, #tpu.memory_space<hbm>>
    %dma_start3A_3 = tpu.memref_slice %arg3[%mul3A_2] : memref<147456xi32, #tpu.memory_space<hbm>> -> memref<128xi32, #tpu.memory_space<hbm>>
    tpu.enqueue_dma source(%dma_start3A_3 : memref<128xi32, #tpu.memory_space<hbm>>) target(%arg6 : memref<128xi32, #tpu.memory_space<vmem>>) target_semaphore(%arg10 : memref<!tpu.dma_semaphore, #tpu.memory_space<semaphore_mem>>)
    %dma_start3A_4 = arith.constant 0 : i32
    %dma_start3A_5 = tpu.memref_slice %arg2[%mul3A_2, %dma_start3A_4] : memref<147456x128xf32, #tpu.memory_space<hbm>> -> memref<128x128xf32, #tpu.memory_space<hbm>>
    %dma_start3A_6 = arith.constant 0 : i32
    %dma_start3A_7 = tpu.memref_slice %arg2[%mul3A_2, %dma_start3A_6] : memref<147456x128xf32, #tpu.memory_space<hbm>> -> memref<128x128xf32, #tpu.memory_space<hbm>>
    tpu.enqueue_dma source(%dma_start3A_7 : memref<128x128xf32, #tpu.memory_space<hbm>>) target(%arg8 : memref<128x128xf32, #tpu.memory_space<vmem>>) target_semaphore(%arg12 : memref<!tpu.dma_semaphore, #tpu.memory_space<semaphore_mem>>)
    %mul3A_8 = arith.constant 576 : i32
    %mul3A_9 = arith.muli %arg1, %mul3A_8 : i32
    %mul3A_10 = arith.constant 576 : i32
    %mul3A_11 = arith.muli %arg1, %mul3A_10 : i32
    "tpu.region"() ({
      %run_scoped3A = tpu.sem_alloc : memref<!tpu.dma_semaphore, #tpu.memory_space<semaphore_mem>>
      %dma_start3A_22 = arith.constant 0 : i32
      %dma_start3A_23 = tpu.memref_slice %arg14[%mul3A_11, %dma_start3A_22] : memref<9216x128xf32, #tpu.memory_space<vmem_shared>> -> memref<576x128xf32, #tpu.memory_space<vmem_shared>>
      %dma_start3A_24 = arith.constant 0 : i32
      %dma_start3A_25 = tpu.memref_slice %arg4[%mul3A_9, %dma_start3A_24] : memref<9216x128xf32, #tpu.memory_space<hbm>> -> memref<576x128xf32, #tpu.memory_space<hbm>>
      tpu.enqueue_dma source(%dma_start3A_25 : memref<576x128xf32, #tpu.memory_space<hbm>>) target(%dma_start3A_23 : memref<576x128xf32, #tpu.memory_space<vmem_shared>>) target_semaphore(%run_scoped3A : memref<!tpu.dma_semaphore, #tpu.memory_space<semaphore_mem>>)
      %dma_wait3A = arith.constant 0 : i32
      %dma_wait3A_26 = tpu.memref_slice %arg14[%mul3A_11, %dma_wait3A] : memref<9216x128xf32, #tpu.memory_space<vmem_shared>> -> memref<576x128xf32, #tpu.memory_space<vmem_shared>>
      %dma_wait3A_27 = arith.constant 0 : i32
      %dma_wait3A_28 = tpu.memref_slice %arg4[%mul3A_9, %dma_wait3A_27] : memref<9216x128xf32, #tpu.memory_space<hbm>> -> memref<576x128xf32, #tpu.memory_space<hbm>>
      tpu.wait_dma2 semaphore(%run_scoped3A : memref<!tpu.dma_semaphore, #tpu.memory_space<semaphore_mem>>) src(%dma_wait3A_28 : memref<576x128xf32, #tpu.memory_space<hbm>>) dst(%dma_wait3A_26 : memref<576x128xf32, #tpu.memory_space<vmem_shared>>)
      tpu.yield
    }) : () -> ()
    %barrier3A = arith.constant 0 : index
    tpu.barrier barrier_id(%barrier3A)
    %scan3A = arith.constant 0 : i32
    %scan3A_12 = arith.constant 0 : i32
    %scan3A_13 = arith.constant 18 : i32
    %scan3A_14 = arith.addi %scan3A_12, %scan3A_13 : i32
    %scan3A_15 = arith.constant 1 : i32
    scf.for %scan3A_22 = %scan3A_12 to %scan3A_14 step %scan3A_15  : i32 {
      %mul3A_23 = arith.constant 2 : i32
      %mul3A_24 = arith.muli %mul3A_23, %scan3A_22 : i32
      %add3A_25 = arith.constant 0 : i32
      %add3A_26 = arith.addi %mul3A_24, %add3A_25 : i32
      %mul3A_27 = arith.constant 128 : i32
      %mul3A_28 = arith.muli %add3A_26, %mul3A_27 : i32
      %add3A_29 = arith.addi %mul3A_2, %mul3A_28 : i32
      %dma_wait3A = tpu.memref_slice %arg3[%add3A_29] : memref<147456xi32, #tpu.memory_space<hbm>> -> memref<128xi32, #tpu.memory_space<hbm>>
      %dma_wait3A_30 = tpu.memref_slice %arg3[%add3A_29] : memref<147456xi32, #tpu.memory_space<hbm>> -> memref<128xi32, #tpu.memory_space<hbm>>
      tpu.wait_dma2 semaphore(%arg10 : memref<!tpu.dma_semaphore, #tpu.memory_space<semaphore_mem>>) src(%dma_wait3A_30 : memref<128xi32, #tpu.memory_space<hbm>>) dst(%arg6 : memref<128xi32, #tpu.memory_space<vmem>>)
      %dma_wait3A_31 = arith.constant 0 : i32
      %dma_wait3A_32 = tpu.memref_slice %arg2[%add3A_29, %dma_wait3A_31] : memref<147456x128xf32, #tpu.memory_space<hbm>> -> memref<128x128xf32, #tpu.memory_space<hbm>>
      %dma_wait3A_33 = arith.constant 0 : i32
      %dma_wait3A_34 = tpu.memref_slice %arg2[%add3A_29, %dma_wait3A_33] : memref<147456x128xf32, #tpu.memory_space<hbm>> -> memref<128x128xf32, #tpu.memory_space<hbm>>
      tpu.wait_dma2 semaphore(%arg12 : memref<!tpu.dma_semaphore, #tpu.memory_space<semaphore_mem>>) src(%dma_wait3A_34 : memref<128x128xf32, #tpu.memory_space<hbm>>) dst(%arg8 : memref<128x128xf32, #tpu.memory_space<vmem>>)
      %add3A_35 = arith.constant 1 : i32
      %add3A_36 = arith.addi %add3A_26, %add3A_35 : i32
      %lt3A = arith.constant 36 : i32
      %lt3A_37 = arith.cmpi slt, %add3A_36, %lt3A : i32
      %convert_element_type3A = arith.extui %lt3A_37 : i1 to i32
      %cond3A = arith.constant 0 : i32
      %cond3A_38 = arith.cmpi ne, %convert_element_type3A, %cond3A : i32
      scf.if %cond3A_38 {
        %add3A_59 = arith.constant 1 : i32
        %add3A_60 = arith.addi %add3A_26, %add3A_59 : i32
        %mul3A_61 = arith.constant 128 : i32
        %mul3A_62 = arith.muli %add3A_60, %mul3A_61 : i32
        %add3A_63 = arith.addi %mul3A_2, %mul3A_62 : i32
        %dma_start3A_64 = tpu.memref_slice %arg3[%add3A_63] : memref<147456xi32, #tpu.memory_space<hbm>> -> memref<128xi32, #tpu.memory_space<hbm>>
        %dma_start3A_65 = tpu.memref_slice %arg3[%add3A_63] : memref<147456xi32, #tpu.memory_space<hbm>> -> memref<128xi32, #tpu.memory_space<hbm>>
        tpu.enqueue_dma source(%dma_start3A_65 : memref<128xi32, #tpu.memory_space<hbm>>) target(%arg7 : memref<128xi32, #tpu.memory_space<vmem>>) target_semaphore(%arg11 : memref<!tpu.dma_semaphore, #tpu.memory_space<semaphore_mem>>)
        %dma_start3A_66 = arith.constant 0 : i32
        %dma_start3A_67 = tpu.memref_slice %arg2[%add3A_63, %dma_start3A_66] : memref<147456x128xf32, #tpu.memory_space<hbm>> -> memref<128x128xf32, #tpu.memory_space<hbm>>
        %dma_start3A_68 = arith.constant 0 : i32
        %dma_start3A_69 = tpu.memref_slice %arg2[%add3A_63, %dma_start3A_68] : memref<147456x128xf32, #tpu.memory_space<hbm>> -> memref<128x128xf32, #tpu.memory_space<hbm>>
        tpu.enqueue_dma source(%dma_start3A_69 : memref<128x128xf32, #tpu.memory_space<hbm>>) target(%arg9 : memref<128x128xf32, #tpu.memory_space<vmem>>) target_semaphore(%arg13 : memref<!tpu.dma_semaphore, #tpu.memory_space<semaphore_mem>>)
      } else {
      }
      "tpu.region"() ({
        %run_scoped3A = tpu.sem_alloc : memref<!tpu.dma_semaphore, #tpu.memory_space<semaphore_mem>>
        %dma_start3A_59 = arith.constant 0 : i32
        %dma_start3A_60 = arith.constant 0 : i32
        %dma_start3A_61 = tpu.memref_slice %arg14[%dma_start3A_59, %dma_start3A_60] : memref<9216x128xf32, #tpu.memory_space<vmem_shared>> -> memref<9216x128xf32, #tpu.memory_space<vmem_shared>>
        tpu.enqueue_indirect_dma source(%arg8 : memref<128x128xf32, #tpu.memory_space<vmem>>) target(%dma_start3A_61 : memref<9216x128xf32, #tpu.memory_space<vmem_shared>>) offsets(%arg6 : memref<128xi32, #tpu.memory_space<vmem>>) semaphore(%run_scoped3A : memref<!tpu.dma_semaphore, #tpu.memory_space<semaphore_mem>>) {add = true}
        %dma_wait3A_62 = arith.constant 0 : i32
        %dma_wait3A_63 = arith.constant 0 : i32
        %dma_wait3A_64 = tpu.memref_slice %arg14[%dma_wait3A_62, %dma_wait3A_63] : memref<9216x128xf32, #tpu.memory_space<vmem_shared>> -> memref<9216x128xf32, #tpu.memory_space<vmem_shared>>
        tpu.wait_indirect_dma semaphore(%run_scoped3A : memref<!tpu.dma_semaphore, #tpu.memory_space<semaphore_mem>>) src(%arg8 : memref<128x128xf32, #tpu.memory_space<vmem>>) dst(%dma_wait3A_64 : memref<9216x128xf32, #tpu.memory_space<vmem_shared>>)
        tpu.yield
      }) : () -> ()
      %mul3A_39 = arith.constant 2 : i32
      %mul3A_40 = arith.muli %mul3A_39, %scan3A_22 : i32
      %add3A_41 = arith.constant 1 : i32
      %add3A_42 = arith.addi %mul3A_40, %add3A_41 : i32
      %mul3A_43 = arith.constant 128 : i32
      %mul3A_44 = arith.muli %add3A_42, %mul3A_43 : i32
      %add3A_45 = arith.addi %mul3A_2, %mul3A_44 : i32
      %dma_wait3A_46 = tpu.memref_slice %arg3[%add3A_45] : memref<147456xi32, #tpu.memory_space<hbm>> -> memref<128xi32, #tpu.memory_space<hbm>>
      %dma_wait3A_47 = tpu.memref_slice %arg3[%add3A_45] : memref<147456xi32, #tpu.memory_space<hbm>> -> memref<128xi32, #tpu.memory_space<hbm>>
      tpu.wait_dma2 semaphore(%arg11 : memref<!tpu.dma_semaphore, #tpu.memory_space<semaphore_mem>>) src(%dma_wait3A_47 : memref<128xi32, #tpu.memory_space<hbm>>) dst(%arg7 : memref<128xi32, #tpu.memory_space<vmem>>)
      %dma_wait3A_48 = arith.constant 0 : i32
      %dma_wait3A_49 = tpu.memref_slice %arg2[%add3A_45, %dma_wait3A_48] : memref<147456x128xf32, #tpu.memory_space<hbm>> -> memref<128x128xf32, #tpu.memory_space<hbm>>
      %dma_wait3A_50 = arith.constant 0 : i32
      %dma_wait3A_51 = tpu.memref_slice %arg2[%add3A_45, %dma_wait3A_50] : memref<147456x128xf32, #tpu.memory_space<hbm>> -> memref<128x128xf32, #tpu.memory_space<hbm>>
      tpu.wait_dma2 semaphore(%arg13 : memref<!tpu.dma_semaphore, #tpu.memory_space<semaphore_mem>>) src(%dma_wait3A_51 : memref<128x128xf32, #tpu.memory_space<hbm>>) dst(%arg9 : memref<128x128xf32, #tpu.memory_space<vmem>>)
      %add3A_52 = arith.constant 1 : i32
      %add3A_53 = arith.addi %add3A_42, %add3A_52 : i32
      %lt3A_54 = arith.constant 36 : i32
      %lt3A_55 = arith.cmpi slt, %add3A_53, %lt3A_54 : i32
      %convert_element_type3A_56 = arith.extui %lt3A_55 : i1 to i32
      %cond3A_57 = arith.constant 0 : i32
      %cond3A_58 = arith.cmpi ne, %convert_element_type3A_56, %cond3A_57 : i32
      scf.if %cond3A_58 {
        %add3A_59 = arith.constant 1 : i32
        %add3A_60 = arith.addi %add3A_42, %add3A_59 : i32
        %mul3A_61 = arith.constant 128 : i32
        %mul3A_62 = arith.muli %add3A_60, %mul3A_61 : i32
        %add3A_63 = arith.addi %mul3A_2, %mul3A_62 : i32
        %dma_start3A_64 = tpu.memref_slice %arg3[%add3A_63] : memref<147456xi32, #tpu.memory_space<hbm>> -> memref<128xi32, #tpu.memory_space<hbm>>
        %dma_start3A_65 = tpu.memref_slice %arg3[%add3A_63] : memref<147456xi32, #tpu.memory_space<hbm>> -> memref<128xi32, #tpu.memory_space<hbm>>
        tpu.enqueue_dma source(%dma_start3A_65 : memref<128xi32, #tpu.memory_space<hbm>>) target(%arg6 : memref<128xi32, #tpu.memory_space<vmem>>) target_semaphore(%arg10 : memref<!tpu.dma_semaphore, #tpu.memory_space<semaphore_mem>>)
        %dma_start3A_66 = arith.constant 0 : i32
        %dma_start3A_67 = tpu.memref_slice %arg2[%add3A_63, %dma_start3A_66] : memref<147456x128xf32, #tpu.memory_space<hbm>> -> memref<128x128xf32, #tpu.memory_space<hbm>>
        %dma_start3A_68 = arith.constant 0 : i32
        %dma_start3A_69 = tpu.memref_slice %arg2[%add3A_63, %dma_start3A_68] : memref<147456x128xf32, #tpu.memory_space<hbm>> -> memref<128x128xf32, #tpu.memory_space<hbm>>
        tpu.enqueue_dma source(%dma_start3A_69 : memref<128x128xf32, #tpu.memory_space<hbm>>) target(%arg8 : memref<128x128xf32, #tpu.memory_space<vmem>>) target_semaphore(%arg12 : memref<!tpu.dma_semaphore, #tpu.memory_space<semaphore_mem>>)
      } else {
      }
      "tpu.region"() ({
        %run_scoped3A = tpu.sem_alloc : memref<!tpu.dma_semaphore, #tpu.memory_space<semaphore_mem>>
        %dma_start3A_59 = arith.constant 0 : i32
        %dma_start3A_60 = arith.constant 0 : i32
        %dma_start3A_61 = tpu.memref_slice %arg14[%dma_start3A_59, %dma_start3A_60] : memref<9216x128xf32, #tpu.memory_space<vmem_shared>> -> memref<9216x128xf32, #tpu.memory_space<vmem_shared>>
        tpu.enqueue_indirect_dma source(%arg9 : memref<128x128xf32, #tpu.memory_space<vmem>>) target(%dma_start3A_61 : memref<9216x128xf32, #tpu.memory_space<vmem_shared>>) offsets(%arg7 : memref<128xi32, #tpu.memory_space<vmem>>) semaphore(%run_scoped3A : memref<!tpu.dma_semaphore, #tpu.memory_space<semaphore_mem>>) {add = true}
        %dma_wait3A_62 = arith.constant 0 : i32
        %dma_wait3A_63 = arith.constant 0 : i32
        %dma_wait3A_64 = tpu.memref_slice %arg14[%dma_wait3A_62, %dma_wait3A_63] : memref<9216x128xf32, #tpu.memory_space<vmem_shared>> -> memref<9216x128xf32, #tpu.memory_space<vmem_shared>>
        tpu.wait_indirect_dma semaphore(%run_scoped3A : memref<!tpu.dma_semaphore, #tpu.memory_space<semaphore_mem>>) src(%arg9 : memref<128x128xf32, #tpu.memory_space<vmem>>) dst(%dma_wait3A_64 : memref<9216x128xf32, #tpu.memory_space<vmem_shared>>)
        tpu.yield
      }) : () -> ()
    }
    %scan3A_16 = arith.constant 18 : i32
    %barrier3A_17 = arith.constant 0 : index
    tpu.barrier barrier_id(%barrier3A_17)
    %mul3A_18 = arith.constant 576 : i32
    %mul3A_19 = arith.muli %arg1, %mul3A_18 : i32
    %mul3A_20 = arith.constant 576 : i32
    %mul3A_21 = arith.muli %arg1, %mul3A_20 : i32
    "tpu.region"() ({
      %run_scoped3A = tpu.sem_alloc : memref<!tpu.dma_semaphore, #tpu.memory_space<semaphore_mem>>
      %dma_start3A_22 = arith.constant 0 : i32
      %dma_start3A_23 = tpu.memref_slice %arg5[%arg0, %mul3A_21, %dma_start3A_22] : memref<2x9216x128xf32, #tpu.memory_space<hbm>> -> memref<1x576x128xf32, #tpu.memory_space<hbm>>
      %dma_start3A_24 = tpu.memref_squeeze %dma_start3A_23 : memref<1x576x128xf32, #tpu.memory_space<hbm>> -> memref<576x128xf32, #tpu.memory_space<hbm>>
      %dma_start3A_25 = arith.constant 0 : i32
      %dma_start3A_26 = tpu.memref_slice %arg14[%mul3A_19, %dma_start3A_25] : memref<9216x128xf32, #tpu.memory_space<vmem_shared>> -> memref<576x128xf32, #tpu.memory_space<vmem_shared>>
      tpu.enqueue_dma source(%dma_start3A_26 : memref<576x128xf32, #tpu.memory_space<vmem_shared>>) target(%dma_start3A_24 : memref<576x128xf32, #tpu.memory_space<hbm>>) target_semaphore(%run_scoped3A : memref<!tpu.dma_semaphore, #tpu.memory_space<semaphore_mem>>)
      %dma_wait3A = arith.constant 0 : i32
      %dma_wait3A_27 = tpu.memref_slice %arg5[%arg0, %mul3A_21, %dma_wait3A] : memref<2x9216x128xf32, #tpu.memory_space<hbm>> -> memref<1x576x128xf32, #tpu.memory_space<hbm>>
      %dma_wait3A_28 = tpu.memref_squeeze %dma_wait3A_27 : memref<1x576x128xf32, #tpu.memory_space<hbm>> -> memref<576x128xf32, #tpu.memory_space<hbm>>
      %dma_wait3A_29 = arith.constant 0 : i32
      %dma_wait3A_30 = tpu.memref_slice %arg14[%mul3A_19, %dma_wait3A_29] : memref<9216x128xf32, #tpu.memory_space<vmem_shared>> -> memref<576x128xf32, #tpu.memory_space<vmem_shared>>
      tpu.wait_dma2 semaphore(%run_scoped3A : memref<!tpu.dma_semaphore, #tpu.memory_space<semaphore_mem>>) src(%dma_wait3A_30 : memref<576x128xf32, #tpu.memory_space<vmem_shared>>) dst(%dma_wait3A_28 : memref<576x128xf32, #tpu.memory_space<hbm>>)
      tpu.yield
    }) : () -> ()
    return
  }
}

module attributes {stable_mosaic.version = 14 : i64} {
  func.func @_layer_pre_body(%arg0: memref<1024x128xf32, #tpu.memory_space<vmem>>, %arg1: memref<1024x1152xf32, #tpu.memory_space<vmem>>, %arg2: memref<128x128xf32, #tpu.memory_space<vmem>>, %arg3: memref<128x128xf32, #tpu.memory_space<vmem>>, %arg4: memref<1024x128xbf16, #tpu.memory_space<vmem>>, %arg5: memref<1024x128xbf16, #tpu.memory_space<vmem>>) attributes {dimension_semantics = [], scalar_prefetch = 0 : i64, scratch_operands = 0 : i64, tpu.core_type = #tpu.core_type<tc>} {
    %get3A = arith.constant 0 : index
    %get3A_0 = arith.constant 0 : index
    %get3A_1 = vector.load %arg0[%get3A, %get3A_0] : memref<1024x128xf32, #tpu.memory_space<vmem>>, vector<1024x128xf32>
    %get3A_2 = arith.constant 0 : index
    %get3A_3 = arith.constant 0 : index
    %get3A_4 = vector.load %arg2[%get3A_2, %get3A_3] : memref<128x128xf32, #tpu.memory_space<vmem>>, vector<128x128xf32>
    %convert_element_type3A = arith.truncf %get3A_1 : vector<1024x128xf32> to vector<1024x128xbf16>
    %convert_element_type3A_5 = arith.truncf %get3A_4 : vector<128x128xf32> to vector<128x128xbf16>
    %dot_general3A = arith.constant dense<0.000000e+00> : vector<1024x128xf32>
    %dot_general3A_6 = tpu.matmul %convert_element_type3A, %convert_element_type3A_5, %dot_general3A {dimension_numbers = #tpu.dot_dimension_numbers<[1], [0], [0], [1], [0, 0, 1, 1], [], []>, transpose_lhs_hint = false} : vector<1024x128xbf16>, vector<128x128xbf16>, vector<1024x128xf32> -> vector<1024x128xf32>
    %convert_element_type3A_7 = arith.truncf %dot_general3A_6 : vector<1024x128xf32> to vector<1024x128xbf16>
    %convert_element_type3A_8 = arith.extf %convert_element_type3A_7 : vector<1024x128xbf16> to vector<1024x128xf32>
    %sub3A = arith.subf %dot_general3A_6, %convert_element_type3A_8 : vector<1024x128xf32>
    %convert_element_type3A_9 = arith.truncf %sub3A : vector<1024x128xf32> to vector<1024x128xbf16>
    %swap3A = arith.constant 0 : index
    %swap3A_10 = arith.constant 0 : index
    %swap3A_11 = vector.load %arg4[%swap3A, %swap3A_10] : memref<1024x128xbf16, #tpu.memory_space<vmem>>, vector<1024x128xbf16>
    tpu.vector_store %arg4[%swap3A, %swap3A_10], %convert_element_type3A_7 {strides = array<i32>} : memref<1024x128xbf16, #tpu.memory_space<vmem>>, vector<1024x128xbf16>,
    %swap3A_12 = arith.constant 0 : index
    %swap3A_13 = arith.constant 0 : index
    %swap3A_14 = vector.load %arg5[%swap3A_12, %swap3A_13] : memref<1024x128xbf16, #tpu.memory_space<vmem>>, vector<1024x128xbf16>
    tpu.vector_store %arg5[%swap3A_12, %swap3A_13], %convert_element_type3A_9 {strides = array<i32>} : memref<1024x128xbf16, #tpu.memory_space<vmem>>, vector<1024x128xbf16>,
    return
  }
}

module attributes {stable_mosaic.version = 14 : i64} {
  func.func @_embed_body(%arg0: memref<1024xi32, #tpu.memory_space<vmem>>, %arg1: memref<128x128xf32, #tpu.memory_space<vmem>>, %arg2: memref<1024x8xf32, #tpu.memory_space<vmem>>, %arg3: memref<1024x128xf32, #tpu.memory_space<vmem>>, %arg4: memref<1024x128xbf16, #tpu.memory_space<vmem>>, %arg5: memref<1024x128xbf16, #tpu.memory_space<vmem>>, %arg6: memref<1024x24xbf16, #tpu.memory_space<vmem>>) attributes {dimension_semantics = [], scalar_prefetch = 0 : i64, scratch_operands = 0 : i64, tpu.core_type = #tpu.core_type<tc>} {
    %get3A = arith.constant 0 : index
    %get3A_0 = vector.load %arg0[%get3A] : memref<1024xi32, #tpu.memory_space<vmem>>, vector<1024xi32>
    %reshape3A = vector.shape_cast %get3A_0 : vector<1024xi32> to vector<1x1024xi32>
    %iota3A = tpu.iota {dimensions = array<i32: 0>} : vector<128x1024xi32>
    %eq3A = vector.broadcast %reshape3A : vector<1x1024xi32> to vector<128x1024xi32>
    %eq3A_1 = arith.cmpi eq, %iota3A, %eq3A : vector<128x1024xi32>
    %convert_element_type3A = arith.extui %eq3A_1 : vector<128x1024xi1> to vector<128x1024xi32>
    %convert_element_type3A_2 = arith.sitofp %convert_element_type3A : vector<128x1024xi32> to vector<128x1024xf32>
    %get3A_3 = arith.constant 0 : index
    %get3A_4 = arith.constant 0 : index
    %get3A_5 = vector.load %arg1[%get3A_3, %get3A_4] : memref<128x128xf32, #tpu.memory_space<vmem>>, vector<128x128xf32>
    %dot_general3A = arith.constant dense<0.000000e+00> : vector<1024x128xf32>
    %dot_general3A_6 = tpu.matmul %convert_element_type3A_2, %get3A_5, %dot_general3A {dimension_numbers = #tpu.dot_dimension_numbers<[0], [0], [1], [1], [0, 1, 1, 1], [], []>, precision = #tpu.contract_precision<fp32>, transpose_lhs_hint = false} : vector<128x1024xf32>, vector<128x128xf32>, vector<1024x128xf32> -> vector<1024x128xf32>
    %swap3A = arith.constant 0 : index
    %swap3A_7 = arith.constant 0 : index
    %swap3A_8 = vector.load %arg3[%swap3A, %swap3A_7] : memref<1024x128xf32, #tpu.memory_space<vmem>>, vector<1024x128xf32>
    tpu.vector_store %arg3[%swap3A, %swap3A_7], %dot_general3A_6 {strides = array<i32>} : memref<1024x128xf32, #tpu.memory_space<vmem>>, vector<1024x128xf32>,
    %convert_element_type3A_9 = arith.truncf %dot_general3A_6 : vector<1024x128xf32> to vector<1024x128xbf16>
    %convert_element_type3A_10 = arith.extf %convert_element_type3A_9 : vector<1024x128xbf16> to vector<1024x128xf32>
    %sub3A = arith.subf %dot_general3A_6, %convert_element_type3A_10 : vector<1024x128xf32>
    %convert_element_type3A_11 = arith.truncf %sub3A : vector<1024x128xf32> to vector<1024x128xbf16>
    %swap3A_12 = arith.constant 0 : index
    %swap3A_13 = arith.constant 0 : index
    %swap3A_14 = vector.load %arg4[%swap3A_12, %swap3A_13] : memref<1024x128xbf16, #tpu.memory_space<vmem>>, vector<1024x128xbf16>
    tpu.vector_store %arg4[%swap3A_12, %swap3A_13], %convert_element_type3A_9 {strides = array<i32>} : memref<1024x128xbf16, #tpu.memory_space<vmem>>, vector<1024x128xbf16>,
    %swap3A_15 = arith.constant 0 : index
    %swap3A_16 = arith.constant 0 : index
    %swap3A_17 = vector.load %arg5[%swap3A_15, %swap3A_16] : memref<1024x128xbf16, #tpu.memory_space<vmem>>, vector<1024x128xbf16>
    tpu.vector_store %arg5[%swap3A_15, %swap3A_16], %convert_element_type3A_11 {strides = array<i32>} : memref<1024x128xbf16, #tpu.memory_space<vmem>>, vector<1024x128xbf16>,
    %get3A_18 = arith.constant 0 : index
    %get3A_19 = arith.constant 0 : index
    %get3A_20 = vector.load %arg2[%get3A_18, %get3A_19] : memref<1024x8xf32, #tpu.memory_space<vmem>>, vector<1024x8xf32>
    %convert_element_type3A_21 = arith.truncf %get3A_20 : vector<1024x8xf32> to vector<1024x8xbf16>
    %convert_element_type3A_22 = arith.extf %convert_element_type3A_21 : vector<1024x8xbf16> to vector<1024x8xf32>
    %sub3A_23 = arith.subf %get3A_20, %convert_element_type3A_22 : vector<1024x8xf32>
    %convert_element_type3A_24 = arith.truncf %sub3A_23 : vector<1024x8xf32> to vector<1024x8xbf16>
    %convert_element_type3A_25 = arith.extf %convert_element_type3A_24 : vector<1024x8xbf16> to vector<1024x8xf32>
    %sub3A_26 = arith.subf %sub3A_23, %convert_element_type3A_25 : vector<1024x8xf32>
    %convert_element_type3A_27 = arith.truncf %sub3A_26 : vector<1024x8xf32> to vector<1024x8xbf16>
    %concatenate3A = tpu.concatenate %convert_element_type3A_21, %convert_element_type3A_24, %convert_element_type3A_27 in 1 : vector<1024x8xbf16>, vector<1024x8xbf16>, vector<1024x8xbf16> -> vector<1024x24xbf16>
    %swap3A_28 = arith.constant 0 : index
    %swap3A_29 = arith.constant 0 : index
    %swap3A_30 = vector.load %arg6[%swap3A_28, %swap3A_29] : memref<1024x24xbf16, #tpu.memory_space<vmem>>, vector<1024x24xbf16>
    tpu.vector_store %arg6[%swap3A_28, %swap3A_29], %concatenate3A {strides = array<i32>} : memref<1024x24xbf16, #tpu.memory_space<vmem>>, vector<1024x24xbf16>,
    return
  }
}

module attributes {stable_mosaic.version = 14 : i64} {
  func.func @_geom_e_body(%arg0: i32, %arg1: memref<1x1x2048xi32, #tpu.memory_space<vmem>>, %arg2: memref<1x1x2048xi32, #tpu.memory_space<vmem>>, %arg3: memref<1024x24xbf16, #tpu.memory_space<vmem>>, %arg4: memref<32x512xf32, #tpu.memory_space<vmem>>, %arg5: memref<1x512xf32, #tpu.memory_space<vmem>>, %arg6: memref<2048x512xf32, #tpu.memory_space<vmem>>, %arg7: memref<2048x16xf32, #tpu.memory_space<vmem>>) attributes {dimension_semantics = [#tpu.dimension_semantics<arbitrary>], iteration_bounds = array<i64: 8>, scalar_prefetch = 0 : i64, scratch_operands = 0 : i64, tpu.core_type = #tpu.core_type<tc>, window_params = [{transform_indices = @transform_0, window_bounds = array<i64: 1, 1, 2048>}, {transform_indices = @transform_1, window_bounds = array<i64: 1, 1, 2048>}, {pipeline_mode = #tpu.pipeline_mode<synchronous>, transform_indices = @transform_2, window_bounds = array<i64: 1024, 24>}, {pipeline_mode = #tpu.pipeline_mode<synchronous>, transform_indices = @transform_3, window_bounds = array<i64: 32, 512>}, {pipeline_mode = #tpu.pipeline_mode<synchronous>, transform_indices = @transform_4, window_bounds = array<i64: 1, 512>}, {transform_indices = @transform_5, window_bounds = array<i64: 2048, 512>}, {transform_indices = @transform_6, window_bounds = array<i64: 2048, 16>}]} {
    %get3A = arith.constant 0 : index
    %get3A_0 = arith.constant 0 : index
    %get3A_1 = arith.constant 0 : index
    %get3A_2 = vector.load %arg1[%get3A, %get3A_0, %get3A_1] : memref<1x1x2048xi32, #tpu.memory_space<vmem>>, vector<1x1x2048xi32>
    %get3A_3 = vector.shape_cast %get3A_2 : vector<1x1x2048xi32> to vector<1x2048xi32>
    %iota3A = tpu.iota {dimensions = array<i32: 0>} : vector<1024x2048xi32>
    %eq3A = vector.broadcast %get3A_3 : vector<1x2048xi32> to vector<1024x2048xi32>
    %eq3A_4 = arith.cmpi eq, %iota3A, %eq3A : vector<1024x2048xi32>
    %convert_element_type3A = arith.extui %eq3A_4 : vector<1024x2048xi1> to vector<1024x2048xi32>
    %convert_element_type3A_5 = arith.sitofp %convert_element_type3A : vector<1024x2048xi32> to vector<1024x2048xf32>
    %convert_element_type3A_6 = arith.truncf %convert_element_type3A_5 : vector<1024x2048xf32> to vector<1024x2048xbf16>
    %get3A_7 = arith.constant 0 : index
    %get3A_8 = arith.constant 0 : index
    %get3A_9 = arith.constant 0 : index
    %get3A_10 = vector.load %arg2[%get3A_7, %get3A_8, %get3A_9] : memref<1x1x2048xi32, #tpu.memory_space<vmem>>, vector<1x1x2048xi32>
    %get3A_11 = vector.shape_cast %get3A_10 : vector<1x1x2048xi32> to vector<1x2048xi32>
    %iota3A_12 = tpu.iota {dimensions = array<i32: 0>} : vector<1024x2048xi32>
    %eq3A_13 = vector.broadcast %get3A_11 : vector<1x2048xi32> to vector<1024x2048xi32>
    %eq3A_14 = arith.cmpi eq, %iota3A_12, %eq3A_13 : vector<1024x2048xi32>
    %convert_element_type3A_15 = arith.extui %eq3A_14 : vector<1024x2048xi1> to vector<1024x2048xi32>
    %convert_element_type3A_16 = arith.sitofp %convert_element_type3A_15 : vector<1024x2048xi32> to vector<1024x2048xf32>
    %convert_element_type3A_17 = arith.truncf %convert_element_type3A_16 : vector<1024x2048xf32> to vector<1024x2048xbf16>
    %get3A_18 = arith.constant 0 : index
    %get3A_19 = arith.constant 0 : index
    %get3A_20 = vector.load %arg3[%get3A_18, %get3A_19] : memref<1024x24xbf16, #tpu.memory_space<vmem>>, vector<1024x24xbf16>
    %sub3A = arith.subf %convert_element_type3A_17, %convert_element_type3A_6 : vector<1024x2048xbf16>
    %dot_general3A = arith.constant dense<0.000000e+00> : vector<2048x24xf32>
    %dot_general3A_21 = tpu.matmul %sub3A, %get3A_20, %dot_general3A {dimension_numbers = #tpu.dot_dimension_numbers<[0], [0], [1], [1], [0, 1, 1, 1], [], []>, transpose_lhs_hint = false} : vector<1024x2048xbf16>, vector<1024x24xbf16>, vector<2048x24xf32> -> vector<2048x24xf32>
    %slice3A = vector.extract_strided_slice %dot_general3A_21 {offsets = [0, 0], sizes = [2048, 8], strides = [1, 1]} : vector<2048x24xf32> to vector<2048x8xf32>
    %slice3A_22 = vector.extract_strided_slice %dot_general3A_21 {offsets = [0, 8], sizes = [2048, 8], strides = [1, 1]} : vector<2048x24xf32> to vector<2048x8xf32>
    %add3A = arith.addf %slice3A, %slice3A_22 : vector<2048x8xf32>
    %slice3A_23 = vector.extract_strided_slice %dot_general3A_21 {offsets = [0, 16], sizes = [2048, 8], strides = [1, 1]} : vector<2048x24xf32> to vector<2048x8xf32>
    %add3A_24 = arith.addf %add3A, %slice3A_23 : vector<2048x8xf32>
    %slice3A_25 = vector.extract_strided_slice %add3A_24 {offsets = [0, 0], sizes = [2048, 1], strides = [1, 1]} : vector<2048x8xf32> to vector<2048x1xf32>
    %slice3A_26 = vector.extract_strided_slice %add3A_24 {offsets = [0, 1], sizes = [2048, 1], strides = [1, 1]} : vector<2048x8xf32> to vector<2048x1xf32>
    %slice3A_27 = vector.extract_strided_slice %add3A_24 {offsets = [0, 2], sizes = [2048, 1], strides = [1, 1]} : vector<2048x8xf32> to vector<2048x1xf32>
    %mul3A = arith.mulf %slice3A_25, %slice3A_25 : vector<2048x1xf32>
    %mul3A_28 = arith.mulf %slice3A_26, %slice3A_26 : vector<2048x1xf32>
    %add3A_29 = arith.addf %mul3A, %mul3A_28 : vector<2048x1xf32>
    %mul3A_30 = arith.mulf %slice3A_27, %slice3A_27 : vector<2048x1xf32>
    %add3A_31 = arith.addf %add3A_29, %mul3A_30 : vector<2048x1xf32>
    %add3A_32 = arith.constant 9.99999996E-13 : f32
    %add3A_33 = vector.broadcast %add3A_32 : f32 to vector<2048x1xf32>
    %add3A_34 = arith.addf %add3A_31, %add3A_33 : vector<2048x1xf32>
    %sqrt3A = math.sqrt %add3A_34 : vector<2048x1xf32>
    %iota3A_35 = tpu.iota {dimensions = array<i32: 1>} : vector<1x32xi32>
    %convert_element_type3A_36 = arith.sitofp %iota3A_35 : vector<1x32xi32> to vector<1x32xf32>
    %add3A_37 = arith.constant 1.000000e+00 : f32
    %add3A_38 = vector.broadcast %add3A_37 : f32 to vector<1x32xf32>
    %add3A_39 = arith.addf %convert_element_type3A_36, %add3A_38 : vector<1x32xf32>
    %div3A = arith.constant 5.000000e+00 : f32
    %div3A_40 = vector.broadcast %div3A : f32 to vector<2048x1xf32>
    %div3A_41 = arith.divf %sqrt3A, %div3A_40 : vector<2048x1xf32>
    %sqrt3A_42 = arith.constant 4.000000e-01 : f32
    %sqrt3A_43 = math.sqrt %sqrt3A_42 : f32
    %mul3A_44 = arith.constant 3.14159274 : f32
    %mul3A_45 = vector.broadcast %mul3A_44 : f32 to vector<2048x1xf32>
    %mul3A_46 = arith.mulf %mul3A_45, %div3A_41 : vector<2048x1xf32>
    %mul3A_47 = vector.broadcast %add3A_39 : vector<1x32xf32> to vector<2048x32xf32>
    %mul3A_48 = vector.broadcast %mul3A_46 : vector<2048x1xf32> to vector<2048x32xf32>
    %mul3A_49 = arith.mulf %mul3A_47, %mul3A_48 : vector<2048x32xf32>
    %sin3A = math.sin %mul3A_49 : vector<2048x32xf32>
    %mul3A_50 = vector.broadcast %sqrt3A_43 : f32 to vector<2048x32xf32>
    %mul3A_51 = arith.mulf %mul3A_50, %sin3A : vector<2048x32xf32>
    %div3A_52 = vector.broadcast %sqrt3A : vector<2048x1xf32> to vector<2048x32xf32>
    %div3A_53 = arith.divf %mul3A_51, %div3A_52 : vector<2048x32xf32>
    %jit3A = arith.constant 0.000000e+00 : f32
    %jit3A_54 = arith.constant 1.000000e+00 : f32
    %max3A = vector.broadcast %jit3A : f32 to vector<2048x1xf32>
    %max3A_55 = arith.maximumf %max3A, %div3A_41 : vector<2048x1xf32>
    %min3A = vector.broadcast %jit3A_54 : f32 to vector<2048x1xf32>
    %min3A_56 = arith.minimumf %min3A, %max3A_55 : vector<2048x1xf32>
    %integer_pow3A = arith.mulf %min3A_56, %min3A_56 : vector<2048x1xf32>
    %integer_pow3A_57 = arith.mulf %min3A_56, %integer_pow3A : vector<2048x1xf32>
    %mul3A_58 = arith.constant 1.000000e+01 : f32
    %mul3A_59 = vector.broadcast %mul3A_58 : f32 to vector<2048x1xf32>
    %mul3A_60 = arith.mulf %mul3A_59, %integer_pow3A_57 : vector<2048x1xf32>
    %sub3A_61 = arith.constant 1.000000e+00 : f32
    %sub3A_62 = vector.broadcast %sub3A_61 : f32 to vector<2048x1xf32>
    %sub3A_63 = arith.subf %sub3A_62, %mul3A_60 : vector<2048x1xf32>
    %integer_pow3A_64 = arith.mulf %min3A_56, %min3A_56 : vector<2048x1xf32>
    %integer_pow3A_65 = arith.mulf %integer_pow3A_64, %integer_pow3A_64 : vector<2048x1xf32>
    %mul3A_66 = arith.constant 1.500000e+01 : f32
    %mul3A_67 = vector.broadcast %mul3A_66 : f32 to vector<2048x1xf32>
    %mul3A_68 = arith.mulf %mul3A_67, %integer_pow3A_65 : vector<2048x1xf32>
    %add3A_69 = arith.addf %sub3A_63, %mul3A_68 : vector<2048x1xf32>
    %integer_pow3A_70 = arith.mulf %min3A_56, %min3A_56 : vector<2048x1xf32>
    %integer_pow3A_71 = arith.mulf %integer_pow3A_70, %integer_pow3A_70 : vector<2048x1xf32>
    %integer_pow3A_72 = arith.mulf %min3A_56, %integer_pow3A_71 : vector<2048x1xf32>
    %mul3A_73 = arith.constant 6.000000e+00 : f32
    %mul3A_74 = vector.broadcast %mul3A_73 : f32 to vector<2048x1xf32>
    %mul3A_75 = arith.mulf %mul3A_74, %integer_pow3A_72 : vector<2048x1xf32>
    %sub3A_76 = arith.subf %add3A_69, %mul3A_75 : vector<2048x1xf32>
    %mul3A_77 = vector.broadcast %sub3A_76 : vector<2048x1xf32> to vector<2048x32xf32>
    %mul3A_78 = arith.mulf %div3A_53, %mul3A_77 : vector<2048x32xf32>
    %get3A_79 = arith.constant 0 : index
    %get3A_80 = arith.constant 0 : index
    %get3A_81 = vector.load %arg4[%get3A_79, %get3A_80] : memref<32x512xf32, #tpu.memory_space<vmem>>, vector<32x512xf32>
    %convert_element_type3A_82 = arith.truncf %mul3A_78 : vector<2048x32xf32> to vector<2048x32xbf16>
    %convert_element_type3A_83 = arith.truncf %get3A_81 : vector<32x512xf32> to vector<32x512xbf16>
    %dot_general3A_84 = arith.constant dense<0.000000e+00> : vector<2048x512xf32>
    %dot_general3A_85 = tpu.matmul %convert_element_type3A_82, %convert_element_type3A_83, %dot_general3A_84 {dimension_numbers = #tpu.dot_dimension_numbers<[1], [0], [0], [1], [0, 0, 1, 1], [], []>, transpose_lhs_hint = false} : vector<2048x32xbf16>, vector<32x512xbf16>, vector<2048x512xf32> -> vector<2048x512xf32>
    %get3A_86 = arith.constant 0 : index
    %get3A_87 = arith.constant 0 : index
    %get3A_88 = vector.load %arg5[%get3A_86, %get3A_87] : memref<1x512xf32, #tpu.memory_space<vmem>>, vector<1x512xf32>
    %add3A_89 = vector.broadcast %get3A_88 : vector<1x512xf32> to vector<2048x512xf32>
    %add3A_90 = arith.addf %dot_general3A_85, %add3A_89 : vector<2048x512xf32>
    %neg3A = arith.constant 0.000000e+00 : f32
    %neg3A_91 = vector.broadcast %neg3A : f32 to vector<2048x512xf32>
    %neg3A_92 = arith.subf %neg3A_91, %add3A_90 : vector<2048x512xf32>
    %exp3A = math.exp %neg3A_92 : vector<2048x512xf32>
    %add3A_93 = arith.constant 1.000000e+00 : f32
    %add3A_94 = vector.broadcast %add3A_93 : f32 to vector<2048x512xf32>
    %add3A_95 = arith.addf %add3A_94, %exp3A : vector<2048x512xf32>
    %div3A_96 = arith.constant 1.000000e+00 : f32
    %div3A_97 = vector.broadcast %div3A_96 : f32 to vector<2048x512xf32>
    %div3A_98 = arith.divf %div3A_97, %add3A_95 : vector<2048x512xf32>
    %mul3A_99 = arith.mulf %add3A_90, %div3A_98 : vector<2048x512xf32>
    %swap3A = arith.constant 0 : index
    %swap3A_100 = arith.constant 0 : index
    %swap3A_101 = vector.load %arg6[%swap3A, %swap3A_100] : memref<2048x512xf32, #tpu.memory_space<vmem>>, vector<2048x512xf32>
    tpu.vector_store %arg6[%swap3A, %swap3A_100], %mul3A_99 {strides = array<i32>} : memref<2048x512xf32, #tpu.memory_space<vmem>>, vector<2048x512xf32>,
    %div3A_102 = vector.broadcast %sqrt3A : vector<2048x1xf32> to vector<2048x8xf32>
    %div3A_103 = arith.divf %add3A_24, %div3A_102 : vector<2048x8xf32>
    %slice3A_104 = vector.extract_strided_slice %div3A_103 {offsets = [0, 0], sizes = [2048, 1], strides = [1, 1]} : vector<2048x8xf32> to vector<2048x1xf32>
    %slice3A_105 = vector.extract_strided_slice %div3A_103 {offsets = [0, 1], sizes = [2048, 1], strides = [1, 1]} : vector<2048x8xf32> to vector<2048x1xf32>
    %slice3A_106 = vector.extract_strided_slice %div3A_103 {offsets = [0, 2], sizes = [2048, 1], strides = [1, 1]} : vector<2048x8xf32> to vector<2048x1xf32>
    %sqrt3A_107 = arith.constant 3.000000e+00 : f32
    %sqrt3A_108 = math.sqrt %sqrt3A_107 : f32
    %broadcast_in_dim3A = arith.constant 1.000000e+00 : f32
    %broadcast_in_dim3A_109 = vector.broadcast %broadcast_in_dim3A : f32 to vector<2048x1xf32>
    %mul3A_110 = vector.broadcast %sqrt3A_108 : f32 to vector<2048x1xf32>
    %mul3A_111 = arith.mulf %mul3A_110, %slice3A_104 : vector<2048x1xf32>
    %mul3A_112 = arith.mulf %mul3A_111, %slice3A_105 : vector<2048x1xf32>
    %mul3A_113 = vector.broadcast %sqrt3A_108 : f32 to vector<2048x1xf32>
    %mul3A_114 = arith.mulf %mul3A_113, %slice3A_105 : vector<2048x1xf32>
    %mul3A_115 = arith.mulf %mul3A_114, %slice3A_106 : vector<2048x1xf32>
    %mul3A_116 = arith.constant 3.000000e+00 : f32
    %mul3A_117 = vector.broadcast %mul3A_116 : f32 to vector<2048x1xf32>
    %mul3A_118 = arith.mulf %mul3A_117, %slice3A_106 : vector<2048x1xf32>
    %mul3A_119 = arith.mulf %mul3A_118, %slice3A_106 : vector<2048x1xf32>
    %sub3A_120 = arith.constant 1.000000e+00 : f32
    %sub3A_121 = vector.broadcast %sub3A_120 : f32 to vector<2048x1xf32>
    %sub3A_122 = arith.subf %mul3A_119, %sub3A_121 : vector<2048x1xf32>
    %mul3A_123 = arith.constant 5.000000e-01 : f32
    %mul3A_124 = vector.broadcast %mul3A_123 : f32 to vector<2048x1xf32>
    %mul3A_125 = arith.mulf %mul3A_124, %sub3A_122 : vector<2048x1xf32>
    %mul3A_126 = vector.broadcast %sqrt3A_108 : f32 to vector<2048x1xf32>
    %mul3A_127 = arith.mulf %mul3A_126, %slice3A_104 : vector<2048x1xf32>
    %mul3A_128 = arith.mulf %mul3A_127, %slice3A_106 : vector<2048x1xf32>
    %mul3A_129 = arith.constant 5.000000e-01 : f32
    %mul3A_130 = arith.mulf %mul3A_129, %sqrt3A_108 : f32
    %mul3A_131 = arith.mulf %slice3A_104, %slice3A_104 : vector<2048x1xf32>
    %mul3A_132 = arith.mulf %slice3A_105, %slice3A_105 : vector<2048x1xf32>
    %sub3A_133 = arith.subf %mul3A_131, %mul3A_132 : vector<2048x1xf32>
    %mul3A_134 = vector.broadcast %mul3A_130 : f32 to vector<2048x1xf32>
    %mul3A_135 = arith.mulf %mul3A_134, %sub3A_133 : vector<2048x1xf32>
    %broadcast_in_dim3A_136 = arith.constant 0.000000e+00 : f32
    %broadcast_in_dim3A_137 = vector.broadcast %broadcast_in_dim3A_136 : f32 to vector<2048x16xf32>
    %iota3A_138 = tpu.iota {dimensions = array<i32: 1>} : vector<1x16xi32>
    %eq3A_139 = arith.constant 0 : i32
    %eq3A_140 = vector.broadcast %eq3A_139 : i32 to vector<1x16xi32>
    %eq3A_141 = arith.cmpi eq, %iota3A_138, %eq3A_140 : vector<1x16xi32>
    %convert_element_type3A_142 = arith.extui %eq3A_141 : vector<1x16xi1> to vector<1x16xi32>
    %convert_element_type3A_143 = arith.sitofp %convert_element_type3A_142 : vector<1x16xi32> to vector<1x16xf32>
    %mul3A_144 = vector.broadcast %broadcast_in_dim3A_109 : vector<2048x1xf32> to vector<2048x16xf32>
    %mul3A_145 = vector.broadcast %convert_element_type3A_143 : vector<1x16xf32> to vector<2048x16xf32>
    %mul3A_146 = arith.mulf %mul3A_144, %mul3A_145 : vector<2048x16xf32>
    %add3A_147 = arith.addf %broadcast_in_dim3A_137, %mul3A_146 : vector<2048x16xf32>
    %iota3A_148 = tpu.iota {dimensions = array<i32: 1>} : vector<1x16xi32>
    %eq3A_149 = arith.constant 1 : i32
    %eq3A_150 = vector.broadcast %eq3A_149 : i32 to vector<1x16xi32>
    %eq3A_151 = arith.cmpi eq, %iota3A_148, %eq3A_150 : vector<1x16xi32>
    %convert_element_type3A_152 = arith.extui %eq3A_151 : vector<1x16xi1> to vector<1x16xi32>
    %convert_element_type3A_153 = arith.sitofp %convert_element_type3A_152 : vector<1x16xi32> to vector<1x16xf32>
    %mul3A_154 = vector.broadcast %slice3A_104 : vector<2048x1xf32> to vector<2048x16xf32>
    %mul3A_155 = vector.broadcast %convert_element_type3A_153 : vector<1x16xf32> to vector<2048x16xf32>
    %mul3A_156 = arith.mulf %mul3A_154, %mul3A_155 : vector<2048x16xf32>
    %add3A_157 = arith.addf %add3A_147, %mul3A_156 : vector<2048x16xf32>
    %iota3A_158 = tpu.iota {dimensions = array<i32: 1>} : vector<1x16xi32>
    %eq3A_159 = arith.constant 2 : i32
    %eq3A_160 = vector.broadcast %eq3A_159 : i32 to vector<1x16xi32>
    %eq3A_161 = arith.cmpi eq, %iota3A_158, %eq3A_160 : vector<1x16xi32>
    %convert_element_type3A_162 = arith.extui %eq3A_161 : vector<1x16xi1> to vector<1x16xi32>
    %convert_element_type3A_163 = arith.sitofp %convert_element_type3A_162 : vector<1x16xi32> to vector<1x16xf32>
    %mul3A_164 = vector.broadcast %slice3A_105 : vector<2048x1xf32> to vector<2048x16xf32>
    %mul3A_165 = vector.broadcast %convert_element_type3A_163 : vector<1x16xf32> to vector<2048x16xf32>
    %mul3A_166 = arith.mulf %mul3A_164, %mul3A_165 : vector<2048x16xf32>
    %add3A_167 = arith.addf %add3A_157, %mul3A_166 : vector<2048x16xf32>
    %iota3A_168 = tpu.iota {dimensions = array<i32: 1>} : vector<1x16xi32>
    %eq3A_169 = arith.constant 3 : i32
    %eq3A_170 = vector.broadcast %eq3A_169 : i32 to vector<1x16xi32>
    %eq3A_171 = arith.cmpi eq, %iota3A_168, %eq3A_170 : vector<1x16xi32>
    %convert_element_type3A_172 = arith.extui %eq3A_171 : vector<1x16xi1> to vector<1x16xi32>
    %convert_element_type3A_173 = arith.sitofp %convert_element_type3A_172 : vector<1x16xi32> to vector<1x16xf32>
    %mul3A_174 = vector.broadcast %slice3A_106 : vector<2048x1xf32> to vector<2048x16xf32>
    %mul3A_175 = vector.broadcast %convert_element_type3A_173 : vector<1x16xf32> to vector<2048x16xf32>
    %mul3A_176 = arith.mulf %mul3A_174, %mul3A_175 : vector<2048x16xf32>
    %add3A_177 = arith.addf %add3A_167, %mul3A_176 : vector<2048x16xf32>
    %iota3A_178 = tpu.iota {dimensions = array<i32: 1>} : vector<1x16xi32>
    %eq3A_179 = arith.constant 4 : i32
    %eq3A_180 = vector.broadcast %eq3A_179 : i32 to vector<1x16xi32>
    %eq3A_181 = arith.cmpi eq, %iota3A_178, %eq3A_180 : vector<1x16xi32>
    %convert_element_type3A_182 = arith.extui %eq3A_181 : vector<1x16xi1> to vector<1x16xi32>
    %convert_element_type3A_183 = arith.sitofp %convert_element_type3A_182 : vector<1x16xi32> to vector<1x16xf32>
    %mul3A_184 = vector.broadcast %mul3A_112 : vector<2048x1xf32> to vector<2048x16xf32>
    %mul3A_185 = vector.broadcast %convert_element_type3A_183 : vector<1x16xf32> to vector<2048x16xf32>
    %mul3A_186 = arith.mulf %mul3A_184, %mul3A_185 : vector<2048x16xf32>
    %add3A_187 = arith.addf %add3A_177, %mul3A_186 : vector<2048x16xf32>
    %iota3A_188 = tpu.iota {dimensions = array<i32: 1>} : vector<1x16xi32>
    %eq3A_189 = arith.constant 5 : i32
    %eq3A_190 = vector.broadcast %eq3A_189 : i32 to vector<1x16xi32>
    %eq3A_191 = arith.cmpi eq, %iota3A_188, %eq3A_190 : vector<1x16xi32>
    %convert_element_type3A_192 = arith.extui %eq3A_191 : vector<1x16xi1> to vector<1x16xi32>
    %convert_element_type3A_193 = arith.sitofp %convert_element_type3A_192 : vector<1x16xi32> to vector<1x16xf32>
    %mul3A_194 = vector.broadcast %mul3A_115 : vector<2048x1xf32> to vector<2048x16xf32>
    %mul3A_195 = vector.broadcast %convert_element_type3A_193 : vector<1x16xf32> to vector<2048x16xf32>
    %mul3A_196 = arith.mulf %mul3A_194, %mul3A_195 : vector<2048x16xf32>
    %add3A_197 = arith.addf %add3A_187, %mul3A_196 : vector<2048x16xf32>
    %iota3A_198 = tpu.iota {dimensions = array<i32: 1>} : vector<1x16xi32>
    %eq3A_199 = arith.constant 6 : i32
    %eq3A_200 = vector.broadcast %eq3A_199 : i32 to vector<1x16xi32>
    %eq3A_201 = arith.cmpi eq, %iota3A_198, %eq3A_200 : vector<1x16xi32>
    %convert_element_type3A_202 = arith.extui %eq3A_201 : vector<1x16xi1> to vector<1x16xi32>
    %convert_element_type3A_203 = arith.sitofp %convert_element_type3A_202 : vector<1x16xi32> to vector<1x16xf32>
    %mul3A_204 = vector.broadcast %mul3A_125 : vector<2048x1xf32> to vector<2048x16xf32>
    %mul3A_205 = vector.broadcast %convert_element_type3A_203 : vector<1x16xf32> to vector<2048x16xf32>
    %mul3A_206 = arith.mulf %mul3A_204, %mul3A_205 : vector<2048x16xf32>
    %add3A_207 = arith.addf %add3A_197, %mul3A_206 : vector<2048x16xf32>
    %iota3A_208 = tpu.iota {dimensions = array<i32: 1>} : vector<1x16xi32>
    %eq3A_209 = arith.constant 7 : i32
    %eq3A_210 = vector.broadcast %eq3A_209 : i32 to vector<1x16xi32>
    %eq3A_211 = arith.cmpi eq, %iota3A_208, %eq3A_210 : vector<1x16xi32>
    %convert_element_type3A_212 = arith.extui %eq3A_211 : vector<1x16xi1> to vector<1x16xi32>
    %convert_element_type3A_213 = arith.sitofp %convert_element_type3A_212 : vector<1x16xi32> to vector<1x16xf32>
    %mul3A_214 = vector.broadcast %mul3A_128 : vector<2048x1xf32> to vector<2048x16xf32>
    %mul3A_215 = vector.broadcast %convert_element_type3A_213 : vector<1x16xf32> to vector<2048x16xf32>
    %mul3A_216 = arith.mulf %mul3A_214, %mul3A_215 : vector<2048x16xf32>
    %add3A_217 = arith.addf %add3A_207, %mul3A_216 : vector<2048x16xf32>
    %iota3A_218 = tpu.iota {dimensions = array<i32: 1>} : vector<1x16xi32>
    %eq3A_219 = arith.constant 8 : i32
    %eq3A_220 = vector.broadcast %eq3A_219 : i32 to vector<1x16xi32>
    %eq3A_221 = arith.cmpi eq, %iota3A_218, %eq3A_220 : vector<1x16xi32>
    %convert_element_type3A_222 = arith.extui %eq3A_221 : vector<1x16xi1> to vector<1x16xi32>
    %convert_element_type3A_223 = arith.sitofp %convert_element_type3A_222 : vector<1x16xi32> to vector<1x16xf32>
    %mul3A_224 = vector.broadcast %mul3A_135 : vector<2048x1xf32> to vector<2048x16xf32>
    %mul3A_225 = vector.broadcast %convert_element_type3A_223 : vector<1x16xf32> to vector<2048x16xf32>
    %mul3A_226 = arith.mulf %mul3A_224, %mul3A_225 : vector<2048x16xf32>
    %add3A_227 = arith.addf %add3A_217, %mul3A_226 : vector<2048x16xf32>
    %swap3A_228 = arith.constant 0 : index
    %swap3A_229 = arith.constant 0 : index
    %swap3A_230 = vector.load %arg7[%swap3A_228, %swap3A_229] : memref<2048x16xf32, #tpu.memory_space<vmem>>, vector<2048x16xf32>
    tpu.vector_store %arg7[%swap3A_228, %swap3A_229], %add3A_227 {strides = array<i32>} : memref<2048x16xf32, #tpu.memory_space<vmem>>, vector<2048x16xf32>,
    return
  }
  func.func @transform_0(%arg0: i32) -> (i32, i32, i32) {
    %c0_i32 = arith.constant 0 : i32
    %c0_i32_0 = arith.constant 0 : i32
    %c0_i32_1 = arith.constant 0 : i32
    return %arg0, %c0_i32, %c0_i32_0 : i32, i32, i32
  }
  func.func @transform_1(%arg0: i32) -> (i32, i32, i32) {
    %c0_i32 = arith.constant 0 : i32
    %c0_i32_0 = arith.constant 0 : i32
    %c0_i32_1 = arith.constant 0 : i32
    return %arg0, %c0_i32, %c0_i32_0 : i32, i32, i32
  }
  func.func @transform_2(%arg0: i32) -> (i32, i32) {
    %c0_i32 = arith.constant 0 : i32
    %c0_i32_0 = arith.constant 0 : i32
    %c0_i32_1 = arith.constant 0 : i32
    return %c0_i32, %c0_i32_0 : i32, i32
  }
  func.func @transform_3(%arg0: i32) -> (i32, i32) {
    %c0_i32 = arith.constant 0 : i32
    %c0_i32_0 = arith.constant 0 : i32
    %c0_i32_1 = arith.constant 0 : i32
    return %c0_i32, %c0_i32_0 : i32, i32
  }
  func.func @transform_4(%arg0: i32) -> (i32, i32) {
    %c0_i32 = arith.constant 0 : i32
    %c0_i32_0 = arith.constant 0 : i32
    %c0_i32_1 = arith.constant 0 : i32
    return %c0_i32, %c0_i32_0 : i32, i32
  }
  func.func @transform_5(%arg0: i32) -> (i32, i32) {
    %c0_i32 = arith.constant 0 : i32
    %c0_i32_0 = arith.constant 0 : i32
    return %arg0, %c0_i32 : i32, i32
  }
  func.func @transform_6(%arg0: i32) -> (i32, i32) {
    %c0_i32 = arith.constant 0 : i32
    %c0_i32_0 = arith.constant 0 : i32
    return %arg0, %c0_i32 : i32, i32
  }
}

module attributes {stable_mosaic.version = 14 : i64} {
  func.func @_edge_mv_body(%arg0: i32, %arg1: memref<1x1x2048xi32, #tpu.memory_space<vmem>>, %arg2: memref<2048x128xf32, #tpu.memory_space<vmem>>, %arg3: memref<2048x16xf32, #tpu.memory_space<vmem>>, %arg4: memref<1024x128xbf16, #tpu.memory_space<vmem>>, %arg5: memref<1024x128xbf16, #tpu.memory_space<vmem>>, %arg6: memref<2048x1152xf32, #tpu.memory_space<vmem>>) attributes {dimension_semantics = [#tpu.dimension_semantics<arbitrary>], iteration_bounds = array<i64: 8>, scalar_prefetch = 0 : i64, scratch_operands = 0 : i64, tpu.core_type = #tpu.core_type<tc>, window_params = [{transform_indices = @transform_0, window_bounds = array<i64: 1, 1, 2048>}, {transform_indices = @transform_1, window_bounds = array<i64: 2048, 128>}, {transform_indices = @transform_2, window_bounds = array<i64: 2048, 16>}, {pipeline_mode = #tpu.pipeline_mode<synchronous>, transform_indices = @transform_3, window_bounds = array<i64: 1024, 128>}, {pipeline_mode = #tpu.pipeline_mode<synchronous>, transform_indices = @transform_4, window_bounds = array<i64: 1024, 128>}, {transform_indices = @transform_5, window_bounds = array<i64: 2048, 1152>}]} {
    %get3A = arith.constant 0 : index
    %get3A_0 = arith.constant 0 : index
    %get3A_1 = arith.constant 0 : index
    %get3A_2 = vector.load %arg1[%get3A, %get3A_0, %get3A_1] : memref<1x1x2048xi32, #tpu.memory_space<vmem>>, vector<1x1x2048xi32>
    %get3A_3 = vector.shape_cast %get3A_2 : vector<1x1x2048xi32> to vector<1x2048xi32>
    %iota3A = tpu.iota {dimensions = array<i32: 0>} : vector<1024x2048xi32>
    %eq3A = vector.broadcast %get3A_3 : vector<1x2048xi32> to vector<1024x2048xi32>
    %eq3A_4 = arith.cmpi eq, %iota3A, %eq3A : vector<1024x2048xi32>
    %convert_element_type3A = arith.extui %eq3A_4 : vector<1024x2048xi1> to vector<1024x2048xi32>
    %convert_element_type3A_5 = arith.sitofp %convert_element_type3A : vector<1024x2048xi32> to vector<1024x2048xf32>
    %convert_element_type3A_6 = arith.truncf %convert_element_type3A_5 : vector<1024x2048xf32> to vector<1024x2048xbf16>
    %get3A_7 = arith.constant 0 : index
    %get3A_8 = arith.constant 0 : index
    %get3A_9 = vector.load %arg4[%get3A_7, %get3A_8] : memref<1024x128xbf16, #tpu.memory_space<vmem>>, vector<1024x128xbf16>
    %get3A_10 = arith.constant 0 : index
    %get3A_11 = arith.constant 0 : index
    %get3A_12 = vector.load %arg5[%get3A_10, %get3A_11] : memref<1024x128xbf16, #tpu.memory_space<vmem>>, vector<1024x128xbf16>
    %dot_general3A = arith.constant dense<0.000000e+00> : vector<2048x128xf32>
    %dot_general3A_13 = tpu.matmul %convert_element_type3A_6, %get3A_9, %dot_general3A {dimension_numbers = #tpu.dot_dimension_numbers<[0], [0], [1], [1], [0, 1, 1, 1], [], []>, transpose_lhs_hint = false} : vector<1024x2048xbf16>, vector<1024x128xbf16>, vector<2048x128xf32> -> vector<2048x128xf32>
    %dot_general3A_14 = arith.constant dense<0.000000e+00> : vector<2048x128xf32>
    %dot_general3A_15 = tpu.matmul %convert_element_type3A_6, %get3A_12, %dot_general3A_14 {dimension_numbers = #tpu.dot_dimension_numbers<[0], [0], [1], [1], [0, 1, 1, 1], [], []>, transpose_lhs_hint = false} : vector<1024x2048xbf16>, vector<1024x128xbf16>, vector<2048x128xf32> -> vector<2048x128xf32>
    %add3A = arith.addf %dot_general3A_13, %dot_general3A_15 : vector<2048x128xf32>
    %get3A_16 = arith.constant 0 : index
    %get3A_17 = arith.constant 0 : index
    %get3A_18 = vector.load %arg2[%get3A_16, %get3A_17] : memref<2048x128xf32, #tpu.memory_space<vmem>>, vector<2048x128xf32>
    %mul3A = arith.mulf %get3A_18, %add3A : vector<2048x128xf32>
    %get3A_19 = arith.constant 0 : index
    %get3A_20 = arith.constant 0 : index
    %get3A_21 = vector.load %arg3[%get3A_19, %get3A_20] : memref<2048x16xf32, #tpu.memory_space<vmem>>, vector<2048x16xf32>
    %slice3A = vector.extract_strided_slice %get3A_21 {offsets = [0, 1], sizes = [2048, 1], strides = [1, 1]} : vector<2048x16xf32> to vector<2048x1xf32>
    %mul3A_22 = vector.broadcast %slice3A : vector<2048x1xf32> to vector<2048x128xf32>
    %mul3A_23 = arith.mulf %mul3A, %mul3A_22 : vector<2048x128xf32>
    %slice3A_24 = vector.extract_strided_slice %get3A_21 {offsets = [0, 2], sizes = [2048, 1], strides = [1, 1]} : vector<2048x16xf32> to vector<2048x1xf32>
    %mul3A_25 = vector.broadcast %slice3A_24 : vector<2048x1xf32> to vector<2048x128xf32>
    %mul3A_26 = arith.mulf %mul3A, %mul3A_25 : vector<2048x128xf32>
    %slice3A_27 = vector.extract_strided_slice %get3A_21 {offsets = [0, 3], sizes = [2048, 1], strides = [1, 1]} : vector<2048x16xf32> to vector<2048x1xf32>
    %mul3A_28 = vector.broadcast %slice3A_27 : vector<2048x1xf32> to vector<2048x128xf32>
    %mul3A_29 = arith.mulf %mul3A, %mul3A_28 : vector<2048x128xf32>
    %slice3A_30 = vector.extract_strided_slice %get3A_21 {offsets = [0, 4], sizes = [2048, 1], strides = [1, 1]} : vector<2048x16xf32> to vector<2048x1xf32>
    %mul3A_31 = vector.broadcast %slice3A_30 : vector<2048x1xf32> to vector<2048x128xf32>
    %mul3A_32 = arith.mulf %mul3A, %mul3A_31 : vector<2048x128xf32>
    %slice3A_33 = vector.extract_strided_slice %get3A_21 {offsets = [0, 5], sizes = [2048, 1], strides = [1, 1]} : vector<2048x16xf32> to vector<2048x1xf32>
    %mul3A_34 = vector.broadcast %slice3A_33 : vector<2048x1xf32> to vector<2048x128xf32>
    %mul3A_35 = arith.mulf %mul3A, %mul3A_34 : vector<2048x128xf32>
    %slice3A_36 = vector.extract_strided_slice %get3A_21 {offsets = [0, 6], sizes = [2048, 1], strides = [1, 1]} : vector<2048x16xf32> to vector<2048x1xf32>
    %mul3A_37 = vector.broadcast %slice3A_36 : vector<2048x1xf32> to vector<2048x128xf32>
    %mul3A_38 = arith.mulf %mul3A, %mul3A_37 : vector<2048x128xf32>
    %slice3A_39 = vector.extract_strided_slice %get3A_21 {offsets = [0, 7], sizes = [2048, 1], strides = [1, 1]} : vector<2048x16xf32> to vector<2048x1xf32>
    %mul3A_40 = vector.broadcast %slice3A_39 : vector<2048x1xf32> to vector<2048x128xf32>
    %mul3A_41 = arith.mulf %mul3A, %mul3A_40 : vector<2048x128xf32>
    %slice3A_42 = vector.extract_strided_slice %get3A_21 {offsets = [0, 8], sizes = [2048, 1], strides = [1, 1]} : vector<2048x16xf32> to vector<2048x1xf32>
    %mul3A_43 = vector.broadcast %slice3A_42 : vector<2048x1xf32> to vector<2048x128xf32>
    %mul3A_44 = arith.mulf %mul3A, %mul3A_43 : vector<2048x128xf32>
    %concatenate3A = tpu.concatenate %mul3A, %mul3A_23, %mul3A_26, %mul3A_29, %mul3A_32, %mul3A_35, %mul3A_38, %mul3A_41, %mul3A_44 in 1 : vector<2048x128xf32>, vector<2048x128xf32>, vector<2048x128xf32>, vector<2048x128xf32>, vector<2048x128xf32>, vector<2048x128xf32>, vector<2048x128xf32>, vector<2048x128xf32>, vector<2048x128xf32> -> vector<2048x1152xf32>
    %swap3A = arith.constant 0 : index
    %swap3A_45 = arith.constant 0 : index
    %swap3A_46 = vector.load %arg6[%swap3A, %swap3A_45] : memref<2048x1152xf32, #tpu.memory_space<vmem>>, vector<2048x1152xf32>
    tpu.vector_store %arg6[%swap3A, %swap3A_45], %concatenate3A {strides = array<i32>} : memref<2048x1152xf32, #tpu.memory_space<vmem>>, vector<2048x1152xf32>,
    return
  }
  func.func @transform_0(%arg0: i32) -> (i32, i32, i32) {
    %c0_i32 = arith.constant 0 : i32
    %c0_i32_0 = arith.constant 0 : i32
    %c0_i32_1 = arith.constant 0 : i32
    return %arg0, %c0_i32, %c0_i32_0 : i32, i32, i32
  }
  func.func @transform_1(%arg0: i32) -> (i32, i32) {
    %c0_i32 = arith.constant 0 : i32
    %c0_i32_0 = arith.constant 0 : i32
    return %arg0, %c0_i32 : i32, i32
  }
  func.func @transform_2(%arg0: i32) -> (i32, i32) {
    %c0_i32 = arith.constant 0 : i32
    %c0_i32_0 = arith.constant 0 : i32
    return %arg0, %c0_i32 : i32, i32
  }
  func.func @transform_3(%arg0: i32) -> (i32, i32) {
    %c0_i32 = arith.constant 0 : i32
    %c0_i32_0 = arith.constant 0 : i32
    %c0_i32_1 = arith.constant 0 : i32
    return %c0_i32, %c0_i32_0 : i32, i32
  }
  func.func @transform_4(%arg0: i32) -> (i32, i32) {
    %c0_i32 = arith.constant 0 : i32
    %c0_i32_0 = arith.constant 0 : i32
    %c0_i32_1 = arith.constant 0 : i32
    return %c0_i32, %c0_i32_0 : i32, i32
  }
  func.func @transform_5(%arg0: i32) -> (i32, i32) {
    %c0_i32 = arith.constant 0 : i32
    %c0_i32_0 = arith.constant 0 : i32
    return %arg0, %c0_i32 : i32, i32
  }
}

module attributes {stable_mosaic.version = 14 : i64} {
  func.func @_layer_post_body(%arg0: memref<1024x128xf32, #tpu.memory_space<vmem>>, %arg1: memref<1024x1152xf32, #tpu.memory_space<vmem>>, %arg2: memref<1024x1152xf32, #tpu.memory_space<vmem>>, %arg3: memref<1024x1152xf32, #tpu.memory_space<vmem>>, %arg4: memref<128x128xf32, #tpu.memory_space<vmem>>, %arg5: memref<128x128xf32, #tpu.memory_space<vmem>>, %arg6: memref<128x256xf32, #tpu.memory_space<vmem>>, %arg7: memref<128x128xf32, #tpu.memory_space<vmem>>, %arg8: memref<128x288xf32, #tpu.memory_space<vmem>>, %arg9: memref<1024x128xf32, #tpu.memory_space<vmem>>, %arg10: memref<1024x1152xf32, #tpu.memory_space<vmem>>) attributes {dimension_semantics = [], scalar_prefetch = 0 : i64, scratch_operands = 0 : i64, tpu.core_type = #tpu.core_type<tc>} {
    %get3A = arith.constant 0 : index
    %get3A_0 = arith.constant 0 : index
    %get3A_1 = vector.load %arg2[%get3A, %get3A_0] : memref<1024x1152xf32, #tpu.memory_space<vmem>>, vector<1024x128xf32>
    %get3A_2 = arith.constant 0 : index
    %get3A_3 = arith.constant 0 : index
    %get3A_4 = vector.load %arg3[%get3A_2, %get3A_3] : memref<1024x1152xf32, #tpu.memory_space<vmem>>, vector<1024x128xf32>
    %add3A = arith.addf %get3A_1, %get3A_4 : vector<1024x128xf32>
    %get3A_5 = arith.constant 0 : index
    %get3A_6 = arith.constant 0 : index
    %get3A_7 = vector.load %arg1[%get3A_5, %get3A_6] : memref<1024x1152xf32, #tpu.memory_space<vmem>>, vector<1024x1152xf32>
    %get3A_8 = arith.constant 0 : index
    %get3A_9 = arith.constant 0 : index
    %get3A_10 = vector.load %arg2[%get3A_8, %get3A_9] : memref<1024x1152xf32, #tpu.memory_space<vmem>>, vector<1024x1152xf32>
    %get3A_11 = arith.constant 0 : index
    %get3A_12 = arith.constant 0 : index
    %get3A_13 = vector.load %arg3[%get3A_11, %get3A_12] : memref<1024x1152xf32, #tpu.memory_space<vmem>>, vector<1024x1152xf32>
    %add3A_14 = arith.addf %get3A_10, %get3A_13 : vector<1024x1152xf32>
    %add3A_15 = arith.addf %get3A_7, %add3A_14 : vector<1024x1152xf32>
    %swap3A = arith.constant 0 : index
    %swap3A_16 = arith.constant 0 : index
    %swap3A_17 = vector.load %arg10[%swap3A, %swap3A_16] : memref<1024x1152xf32, #tpu.memory_space<vmem>>, vector<1024x1152xf32>
    tpu.vector_store %arg10[%swap3A, %swap3A_16], %add3A_15 {strides = array<i32>} : memref<1024x1152xf32, #tpu.memory_space<vmem>>, vector<1024x1152xf32>,
    %get3A_18 = arith.constant 0 : index
    %get3A_19 = arith.constant 0 : index
    %get3A_20 = vector.load %arg4[%get3A_18, %get3A_19] : memref<128x128xf32, #tpu.memory_space<vmem>>, vector<128x128xf32>
    %convert_element_type3A = arith.truncf %add3A : vector<1024x128xf32> to vector<1024x128xbf16>
    %convert_element_type3A_21 = arith.truncf %get3A_20 : vector<128x128xf32> to vector<128x128xbf16>
    %dot_general3A = arith.constant dense<0.000000e+00> : vector<1024x128xf32>
    %dot_general3A_22 = tpu.matmul %convert_element_type3A, %convert_element_type3A_21, %dot_general3A {dimension_numbers = #tpu.dot_dimension_numbers<[1], [0], [0], [1], [0, 0, 1, 1], [], []>, transpose_lhs_hint = false} : vector<1024x128xbf16>, vector<128x128xbf16>, vector<1024x128xf32> -> vector<1024x128xf32>
    %neg3A = arith.constant 0.000000e+00 : f32
    %neg3A_23 = vector.broadcast %neg3A : f32 to vector<1024x128xf32>
    %neg3A_24 = arith.subf %neg3A_23, %dot_general3A_22 : vector<1024x128xf32>
    %exp3A = math.exp %neg3A_24 : vector<1024x128xf32>
    %add3A_25 = arith.constant 1.000000e+00 : f32
    %add3A_26 = vector.broadcast %add3A_25 : f32 to vector<1024x128xf32>
    %add3A_27 = arith.addf %add3A_26, %exp3A : vector<1024x128xf32>
    %div3A = arith.constant 1.000000e+00 : f32
    %div3A_28 = vector.broadcast %div3A : f32 to vector<1024x128xf32>
    %div3A_29 = arith.divf %div3A_28, %add3A_27 : vector<1024x128xf32>
    %mul3A = arith.mulf %dot_general3A_22, %div3A_29 : vector<1024x128xf32>
    %get3A_30 = arith.constant 0 : index
    %get3A_31 = arith.constant 0 : index
    %get3A_32 = vector.load %arg0[%get3A_30, %get3A_31] : memref<1024x128xf32, #tpu.memory_space<vmem>>, vector<1024x128xf32>
    %get3A_33 = arith.constant 0 : index
    %get3A_34 = arith.constant 0 : index
    %get3A_35 = vector.load %arg5[%get3A_33, %get3A_34] : memref<128x128xf32, #tpu.memory_space<vmem>>, vector<128x128xf32>
    %convert_element_type3A_36 = arith.truncf %mul3A : vector<1024x128xf32> to vector<1024x128xbf16>
    %convert_element_type3A_37 = arith.truncf %get3A_35 : vector<128x128xf32> to vector<128x128xbf16>
    %dot_general3A_38 = arith.constant dense<0.000000e+00> : vector<1024x128xf32>
    %dot_general3A_39 = tpu.matmul %convert_element_type3A_36, %convert_element_type3A_37, %dot_general3A_38 {dimension_numbers = #tpu.dot_dimension_numbers<[1], [0], [0], [1], [0, 0, 1, 1], [], []>, transpose_lhs_hint = false} : vector<1024x128xbf16>, vector<128x128xbf16>, vector<1024x128xf32> -> vector<1024x128xf32>
    %add3A_40 = arith.addf %get3A_32, %dot_general3A_39 : vector<1024x128xf32>
    %swap3A_41 = arith.constant 0 : index
    %swap3A_42 = arith.constant 0 : index
    %swap3A_43 = vector.load %arg9[%swap3A_41, %swap3A_42] : memref<1024x128xf32, #tpu.memory_space<vmem>>, vector<1024x128xf32>
    tpu.vector_store %arg9[%swap3A_41, %swap3A_42], %add3A_40 {strides = array<i32>} : memref<1024x128xf32, #tpu.memory_space<vmem>>, vector<1024x128xf32>,
    return
  }
}

module attributes {stable_mosaic.version = 14 : i64} {
  func.func @_layer_pre_body(%arg0: memref<1024x128xf32, #tpu.memory_space<vmem>>, %arg1: memref<1024x1152xf32, #tpu.memory_space<vmem>>, %arg2: memref<128x128xf32, #tpu.memory_space<vmem>>, %arg3: memref<128x128xf32, #tpu.memory_space<vmem>>, %arg4: memref<1024x128xbf16, #tpu.memory_space<vmem>>, %arg5: memref<1024x128xbf16, #tpu.memory_space<vmem>>) attributes {dimension_semantics = [], scalar_prefetch = 0 : i64, scratch_operands = 0 : i64, tpu.core_type = #tpu.core_type<tc>} {
    %get3A = arith.constant 0 : index
    %get3A_0 = arith.constant 0 : index
    %get3A_1 = vector.load %arg0[%get3A, %get3A_0] : memref<1024x128xf32, #tpu.memory_space<vmem>>, vector<1024x128xf32>
    %get3A_2 = arith.constant 0 : index
    %get3A_3 = arith.constant 0 : index
    %get3A_4 = vector.load %arg2[%get3A_2, %get3A_3] : memref<128x128xf32, #tpu.memory_space<vmem>>, vector<128x128xf32>
    %convert_element_type3A = arith.truncf %get3A_1 : vector<1024x128xf32> to vector<1024x128xbf16>
    %convert_element_type3A_5 = arith.truncf %get3A_4 : vector<128x128xf32> to vector<128x128xbf16>
    %dot_general3A = arith.constant dense<0.000000e+00> : vector<1024x128xf32>
    %dot_general3A_6 = tpu.matmul %convert_element_type3A, %convert_element_type3A_5, %dot_general3A {dimension_numbers = #tpu.dot_dimension_numbers<[1], [0], [0], [1], [0, 0, 1, 1], [], []>, transpose_lhs_hint = false} : vector<1024x128xbf16>, vector<128x128xbf16>, vector<1024x128xf32> -> vector<1024x128xf32>
    %broadcast_in_dim3A = arith.constant 0.000000e+00 : f32
    %broadcast_in_dim3A_7 = vector.broadcast %broadcast_in_dim3A : f32 to vector<1024x128xf32>
    %get3A_8 = arith.constant 0 : index
    %get3A_9 = arith.constant 0 : index
    %get3A_10 = vector.load %arg1[%get3A_8, %get3A_9] : memref<1024x1152xf32, #tpu.memory_space<vmem>>, vector<1024x128xf32>
    %mul3A = arith.mulf %get3A_10, %get3A_10 : vector<1024x128xf32>
    %add3A = arith.addf %broadcast_in_dim3A_7, %mul3A : vector<1024x128xf32>
    %get3A_11 = arith.constant 0 : index
    %get3A_12 = arith.constant 128 : index
    %get3A_13 = vector.load %arg1[%get3A_11, %get3A_12] : memref<1024x1152xf32, #tpu.memory_space<vmem>>, vector<1024x128xf32>
    %mul3A_14 = arith.mulf %get3A_13, %get3A_13 : vector<1024x128xf32>
    %add3A_15 = arith.addf %add3A, %mul3A_14 : vector<1024x128xf32>
    %get3A_16 = arith.constant 0 : index
    %get3A_17 = arith.constant 256 : index
    %get3A_18 = vector.load %arg1[%get3A_16, %get3A_17] : memref<1024x1152xf32, #tpu.memory_space<vmem>>, vector<1024x128xf32>
    %mul3A_19 = arith.mulf %get3A_18, %get3A_18 : vector<1024x128xf32>
    %add3A_20 = arith.addf %add3A_15, %mul3A_19 : vector<1024x128xf32>
    %get3A_21 = arith.constant 0 : index
    %get3A_22 = arith.constant 384 : index
    %get3A_23 = vector.load %arg1[%get3A_21, %get3A_22] : memref<1024x1152xf32, #tpu.memory_space<vmem>>, vector<1024x128xf32>
    %mul3A_24 = arith.mulf %get3A_23, %get3A_23 : vector<1024x128xf32>
    %add3A_25 = arith.addf %add3A_20, %mul3A_24 : vector<1024x128xf32>
    %get3A_26 = arith.constant 0 : index
    %get3A_27 = arith.constant 512 : index
    %get3A_28 = vector.load %arg1[%get3A_26, %get3A_27] : memref<1024x1152xf32, #tpu.memory_space<vmem>>, vector<1024x128xf32>
    %mul3A_29 = arith.mulf %get3A_28, %get3A_28 : vector<1024x128xf32>
    %add3A_30 = arith.addf %add3A_25, %mul3A_29 : vector<1024x128xf32>
    %get3A_31 = arith.constant 0 : index
    %get3A_32 = arith.constant 640 : index
    %get3A_33 = vector.load %arg1[%get3A_31, %get3A_32] : memref<1024x1152xf32, #tpu.memory_space<vmem>>, vector<1024x128xf32>
    %mul3A_34 = arith.mulf %get3A_33, %get3A_33 : vector<1024x128xf32>
    %add3A_35 = arith.addf %add3A_30, %mul3A_34 : vector<1024x128xf32>
    %get3A_36 = arith.constant 0 : index
    %get3A_37 = arith.constant 768 : index
    %get3A_38 = vector.load %arg1[%get3A_36, %get3A_37] : memref<1024x1152xf32, #tpu.memory_space<vmem>>, vector<1024x128xf32>
    %mul3A_39 = arith.mulf %get3A_38, %get3A_38 : vector<1024x128xf32>
    %add3A_40 = arith.addf %add3A_35, %mul3A_39 : vector<1024x128xf32>
    %get3A_41 = arith.constant 0 : index
    %get3A_42 = arith.constant 896 : index
    %get3A_43 = vector.load %arg1[%get3A_41, %get3A_42] : memref<1024x1152xf32, #tpu.memory_space<vmem>>, vector<1024x128xf32>
    %mul3A_44 = arith.mulf %get3A_43, %get3A_43 : vector<1024x128xf32>
    %add3A_45 = arith.addf %add3A_40, %mul3A_44 : vector<1024x128xf32>
    %get3A_46 = arith.constant 0 : index
    %get3A_47 = arith.constant 1024 : index
    %get3A_48 = vector.load %arg1[%get3A_46, %get3A_47] : memref<1024x1152xf32, #tpu.memory_space<vmem>>, vector<1024x128xf32>
    %mul3A_49 = arith.mulf %get3A_48, %get3A_48 : vector<1024x128xf32>
    %add3A_50 = arith.addf %add3A_45, %mul3A_49 : vector<1024x128xf32>
    %add3A_51 = arith.constant 9.99999997E-7 : f32
    %add3A_52 = vector.broadcast %add3A_51 : f32 to vector<1024x128xf32>
    %add3A_53 = arith.addf %add3A_50, %add3A_52 : vector<1024x128xf32>
    %sqrt3A = math.sqrt %add3A_53 : vector<1024x128xf32>
    %get3A_54 = arith.constant 0 : index
    %get3A_55 = arith.constant 0 : index
    %get3A_56 = vector.load %arg3[%get3A_54, %get3A_55] : memref<128x128xf32, #tpu.memory_space<vmem>>, vector<128x128xf32>
    %convert_element_type3A_57 = arith.truncf %sqrt3A : vector<1024x128xf32> to vector<1024x128xbf16>
    %convert_element_type3A_58 = arith.truncf %get3A_56 : vector<128x128xf32> to vector<128x128xbf16>
    %dot_general3A_59 = arith.constant dense<0.000000e+00> : vector<1024x128xf32>
    %dot_general3A_60 = tpu.matmul %convert_element_type3A_57, %convert_element_type3A_58, %dot_general3A_59 {dimension_numbers = #tpu.dot_dimension_numbers<[1], [0], [0], [1], [0, 0, 1, 1], [], []>, transpose_lhs_hint = false} : vector<1024x128xbf16>, vector<128x128xbf16>, vector<1024x128xf32> -> vector<1024x128xf32>
    %neg3A = arith.constant 0.000000e+00 : f32
    %neg3A_61 = vector.broadcast %neg3A : f32 to vector<1024x128xf32>
    %neg3A_62 = arith.subf %neg3A_61, %dot_general3A_60 : vector<1024x128xf32>
    %exp3A = math.exp %neg3A_62 : vector<1024x128xf32>
    %add3A_63 = arith.constant 1.000000e+00 : f32
    %add3A_64 = vector.broadcast %add3A_63 : f32 to vector<1024x128xf32>
    %add3A_65 = arith.addf %add3A_64, %exp3A : vector<1024x128xf32>
    %div3A = arith.constant 1.000000e+00 : f32
    %div3A_66 = vector.broadcast %div3A : f32 to vector<1024x128xf32>
    %div3A_67 = arith.divf %div3A_66, %add3A_65 : vector<1024x128xf32>
    %mul3A_68 = arith.mulf %dot_general3A_6, %div3A_67 : vector<1024x128xf32>
    %convert_element_type3A_69 = arith.truncf %mul3A_68 : vector<1024x128xf32> to vector<1024x128xbf16>
    %convert_element_type3A_70 = arith.extf %convert_element_type3A_69 : vector<1024x128xbf16> to vector<1024x128xf32>
    %sub3A = arith.subf %mul3A_68, %convert_element_type3A_70 : vector<1024x128xf32>
    %convert_element_type3A_71 = arith.truncf %sub3A : vector<1024x128xf32> to vector<1024x128xbf16>
    %swap3A = arith.constant 0 : index
    %swap3A_72 = arith.constant 0 : index
    %swap3A_73 = vector.load %arg4[%swap3A, %swap3A_72] : memref<1024x128xbf16, #tpu.memory_space<vmem>>, vector<1024x128xbf16>
    tpu.vector_store %arg4[%swap3A, %swap3A_72], %convert_element_type3A_69 {strides = array<i32>} : memref<1024x128xbf16, #tpu.memory_space<vmem>>, vector<1024x128xbf16>,
    %swap3A_74 = arith.constant 0 : index
    %swap3A_75 = arith.constant 0 : index
    %swap3A_76 = vector.load %arg5[%swap3A_74, %swap3A_75] : memref<1024x128xbf16, #tpu.memory_space<vmem>>, vector<1024x128xbf16>
    tpu.vector_store %arg5[%swap3A_74, %swap3A_75], %convert_element_type3A_71 {strides = array<i32>} : memref<1024x128xbf16, #tpu.memory_space<vmem>>, vector<1024x128xbf16>,
    return
  }
}

module attributes {stable_mosaic.version = 14 : i64} {
  func.func @_edge_mv_body(%arg0: i32, %arg1: memref<1x1x2048xi32, #tpu.memory_space<vmem>>, %arg2: memref<2048x128xf32, #tpu.memory_space<vmem>>, %arg3: memref<2048x16xf32, #tpu.memory_space<vmem>>, %arg4: memref<1024x128xbf16, #tpu.memory_space<vmem>>, %arg5: memref<1024x128xbf16, #tpu.memory_space<vmem>>, %arg6: memref<2048x1152xf32, #tpu.memory_space<vmem>>) attributes {dimension_semantics = [#tpu.dimension_semantics<arbitrary>], iteration_bounds = array<i64: 8>, scalar_prefetch = 0 : i64, scratch_operands = 0 : i64, tpu.core_type = #tpu.core_type<tc>, window_params = [{transform_indices = @transform_0, window_bounds = array<i64: 1, 1, 2048>}, {transform_indices = @transform_1, window_bounds = array<i64: 2048, 128>}, {transform_indices = @transform_2, window_bounds = array<i64: 2048, 16>}, {pipeline_mode = #tpu.pipeline_mode<synchronous>, transform_indices = @transform_3, window_bounds = array<i64: 1024, 128>}, {pipeline_mode = #tpu.pipeline_mode<synchronous>, transform_indices = @transform_4, window_bounds = array<i64: 1024, 128>}, {transform_indices = @transform_5, window_bounds = array<i64: 2048, 1152>}]} {
    %get3A = arith.constant 0 : index
    %get3A_0 = arith.constant 0 : index
    %get3A_1 = arith.constant 0 : index
    %get3A_2 = vector.load %arg1[%get3A, %get3A_0, %get3A_1] : memref<1x1x2048xi32, #tpu.memory_space<vmem>>, vector<1x1x2048xi32>
    %get3A_3 = vector.shape_cast %get3A_2 : vector<1x1x2048xi32> to vector<1x2048xi32>
    %iota3A = tpu.iota {dimensions = array<i32: 0>} : vector<1024x2048xi32>
    %eq3A = vector.broadcast %get3A_3 : vector<1x2048xi32> to vector<1024x2048xi32>
    %eq3A_4 = arith.cmpi eq, %iota3A, %eq3A : vector<1024x2048xi32>
    %convert_element_type3A = arith.extui %eq3A_4 : vector<1024x2048xi1> to vector<1024x2048xi32>
    %convert_element_type3A_5 = arith.sitofp %convert_element_type3A : vector<1024x2048xi32> to vector<1024x2048xf32>
    %convert_element_type3A_6 = arith.truncf %convert_element_type3A_5 : vector<1024x2048xf32> to vector<1024x2048xbf16>
    %get3A_7 = arith.constant 0 : index
    %get3A_8 = arith.constant 0 : index
    %get3A_9 = vector.load %arg4[%get3A_7, %get3A_8] : memref<1024x128xbf16, #tpu.memory_space<vmem>>, vector<1024x128xbf16>
    %get3A_10 = arith.constant 0 : index
    %get3A_11 = arith.constant 0 : index
    %get3A_12 = vector.load %arg5[%get3A_10, %get3A_11] : memref<1024x128xbf16, #tpu.memory_space<vmem>>, vector<1024x128xbf16>
    %dot_general3A = arith.constant dense<0.000000e+00> : vector<2048x128xf32>
    %dot_general3A_13 = tpu.matmul %convert_element_type3A_6, %get3A_9, %dot_general3A {dimension_numbers = #tpu.dot_dimension_numbers<[0], [0], [1], [1], [0, 1, 1, 1], [], []>, transpose_lhs_hint = false} : vector<1024x2048xbf16>, vector<1024x128xbf16>, vector<2048x128xf32> -> vector<2048x128xf32>
    %dot_general3A_14 = arith.constant dense<0.000000e+00> : vector<2048x128xf32>
    %dot_general3A_15 = tpu.matmul %convert_element_type3A_6, %get3A_12, %dot_general3A_14 {dimension_numbers = #tpu.dot_dimension_numbers<[0], [0], [1], [1], [0, 1, 1, 1], [], []>, transpose_lhs_hint = false} : vector<1024x2048xbf16>, vector<1024x128xbf16>, vector<2048x128xf32> -> vector<2048x128xf32>
    %add3A = arith.addf %dot_general3A_13, %dot_general3A_15 : vector<2048x128xf32>
    %get3A_16 = arith.constant 0 : index
    %get3A_17 = arith.constant 0 : index
    %get3A_18 = vector.load %arg2[%get3A_16, %get3A_17] : memref<2048x128xf32, #tpu.memory_space<vmem>>, vector<2048x128xf32>
    %mul3A = arith.mulf %get3A_18, %add3A : vector<2048x128xf32>
    %get3A_19 = arith.constant 0 : index
    %get3A_20 = arith.constant 0 : index
    %get3A_21 = vector.load %arg3[%get3A_19, %get3A_20] : memref<2048x16xf32, #tpu.memory_space<vmem>>, vector<2048x16xf32>
    %slice3A = vector.extract_strided_slice %get3A_21 {offsets = [0, 1], sizes = [2048, 1], strides = [1, 1]} : vector<2048x16xf32> to vector<2048x1xf32>
    %mul3A_22 = vector.broadcast %slice3A : vector<2048x1xf32> to vector<2048x128xf32>
    %mul3A_23 = arith.mulf %mul3A, %mul3A_22 : vector<2048x128xf32>
    %slice3A_24 = vector.extract_strided_slice %get3A_21 {offsets = [0, 2], sizes = [2048, 1], strides = [1, 1]} : vector<2048x16xf32> to vector<2048x1xf32>
    %mul3A_25 = vector.broadcast %slice3A_24 : vector<2048x1xf32> to vector<2048x128xf32>
    %mul3A_26 = arith.mulf %mul3A, %mul3A_25 : vector<2048x128xf32>
    %slice3A_27 = vector.extract_strided_slice %get3A_21 {offsets = [0, 3], sizes = [2048, 1], strides = [1, 1]} : vector<2048x16xf32> to vector<2048x1xf32>
    %mul3A_28 = vector.broadcast %slice3A_27 : vector<2048x1xf32> to vector<2048x128xf32>
    %mul3A_29 = arith.mulf %mul3A, %mul3A_28 : vector<2048x128xf32>
    %slice3A_30 = vector.extract_strided_slice %get3A_21 {offsets = [0, 4], sizes = [2048, 1], strides = [1, 1]} : vector<2048x16xf32> to vector<2048x1xf32>
    %mul3A_31 = vector.broadcast %slice3A_30 : vector<2048x1xf32> to vector<2048x128xf32>
    %mul3A_32 = arith.mulf %mul3A, %mul3A_31 : vector<2048x128xf32>
    %slice3A_33 = vector.extract_strided_slice %get3A_21 {offsets = [0, 5], sizes = [2048, 1], strides = [1, 1]} : vector<2048x16xf32> to vector<2048x1xf32>
    %mul3A_34 = vector.broadcast %slice3A_33 : vector<2048x1xf32> to vector<2048x128xf32>
    %mul3A_35 = arith.mulf %mul3A, %mul3A_34 : vector<2048x128xf32>
    %slice3A_36 = vector.extract_strided_slice %get3A_21 {offsets = [0, 6], sizes = [2048, 1], strides = [1, 1]} : vector<2048x16xf32> to vector<2048x1xf32>
    %mul3A_37 = vector.broadcast %slice3A_36 : vector<2048x1xf32> to vector<2048x128xf32>
    %mul3A_38 = arith.mulf %mul3A, %mul3A_37 : vector<2048x128xf32>
    %slice3A_39 = vector.extract_strided_slice %get3A_21 {offsets = [0, 7], sizes = [2048, 1], strides = [1, 1]} : vector<2048x16xf32> to vector<2048x1xf32>
    %mul3A_40 = vector.broadcast %slice3A_39 : vector<2048x1xf32> to vector<2048x128xf32>
    %mul3A_41 = arith.mulf %mul3A, %mul3A_40 : vector<2048x128xf32>
    %slice3A_42 = vector.extract_strided_slice %get3A_21 {offsets = [0, 8], sizes = [2048, 1], strides = [1, 1]} : vector<2048x16xf32> to vector<2048x1xf32>
    %mul3A_43 = vector.broadcast %slice3A_42 : vector<2048x1xf32> to vector<2048x128xf32>
    %mul3A_44 = arith.mulf %mul3A, %mul3A_43 : vector<2048x128xf32>
    %concatenate3A = tpu.concatenate %mul3A, %mul3A_23, %mul3A_26, %mul3A_29, %mul3A_32, %mul3A_35, %mul3A_38, %mul3A_41, %mul3A_44 in 1 : vector<2048x128xf32>, vector<2048x128xf32>, vector<2048x128xf32>, vector<2048x128xf32>, vector<2048x128xf32>, vector<2048x128xf32>, vector<2048x128xf32>, vector<2048x128xf32>, vector<2048x128xf32> -> vector<2048x1152xf32>
    %swap3A = arith.constant 0 : index
    %swap3A_45 = arith.constant 0 : index
    %swap3A_46 = vector.load %arg6[%swap3A, %swap3A_45] : memref<2048x1152xf32, #tpu.memory_space<vmem>>, vector<2048x1152xf32>
    tpu.vector_store %arg6[%swap3A, %swap3A_45], %concatenate3A {strides = array<i32>} : memref<2048x1152xf32, #tpu.memory_space<vmem>>, vector<2048x1152xf32>,
    return
  }
  func.func @transform_0(%arg0: i32) -> (i32, i32, i32) {
    %c0_i32 = arith.constant 0 : i32
    %c0_i32_0 = arith.constant 0 : i32
    %c0_i32_1 = arith.constant 0 : i32
    return %arg0, %c0_i32, %c0_i32_0 : i32, i32, i32
  }
  func.func @transform_1(%arg0: i32) -> (i32, i32) {
    %c1_i32 = arith.constant 1 : i32
    %c0_i32 = arith.constant 0 : i32
    return %arg0, %c1_i32 : i32, i32
  }
  func.func @transform_2(%arg0: i32) -> (i32, i32) {
    %c0_i32 = arith.constant 0 : i32
    %c0_i32_0 = arith.constant 0 : i32
    return %arg0, %c0_i32 : i32, i32
  }
  func.func @transform_3(%arg0: i32) -> (i32, i32) {
    %c0_i32 = arith.constant 0 : i32
    %c0_i32_0 = arith.constant 0 : i32
    %c0_i32_1 = arith.constant 0 : i32
    return %c0_i32, %c0_i32_0 : i32, i32
  }
  func.func @transform_4(%arg0: i32) -> (i32, i32) {
    %c0_i32 = arith.constant 0 : i32
    %c0_i32_0 = arith.constant 0 : i32
    %c0_i32_1 = arith.constant 0 : i32
    return %c0_i32, %c0_i32_0 : i32, i32
  }
  func.func @transform_5(%arg0: i32) -> (i32, i32) {
    %c0_i32 = arith.constant 0 : i32
    %c0_i32_0 = arith.constant 0 : i32
    return %arg0, %c0_i32 : i32, i32
  }
}

module attributes {stable_mosaic.version = 14 : i64} {
  func.func @_edge_mv_body(%arg0: i32, %arg1: memref<1x1x2048xi32, #tpu.memory_space<vmem>>, %arg2: memref<2048x128xf32, #tpu.memory_space<vmem>>, %arg3: memref<2048x16xf32, #tpu.memory_space<vmem>>, %arg4: memref<1024x128xbf16, #tpu.memory_space<vmem>>, %arg5: memref<1024x128xbf16, #tpu.memory_space<vmem>>, %arg6: memref<2048x1152xf32, #tpu.memory_space<vmem>>) attributes {dimension_semantics = [#tpu.dimension_semantics<arbitrary>], iteration_bounds = array<i64: 8>, scalar_prefetch = 0 : i64, scratch_operands = 0 : i64, tpu.core_type = #tpu.core_type<tc>, window_params = [{transform_indices = @transform_0, window_bounds = array<i64: 1, 1, 2048>}, {transform_indices = @transform_1, window_bounds = array<i64: 2048, 128>}, {transform_indices = @transform_2, window_bounds = array<i64: 2048, 16>}, {pipeline_mode = #tpu.pipeline_mode<synchronous>, transform_indices = @transform_3, window_bounds = array<i64: 1024, 128>}, {pipeline_mode = #tpu.pipeline_mode<synchronous>, transform_indices = @transform_4, window_bounds = array<i64: 1024, 128>}, {transform_indices = @transform_5, window_bounds = array<i64: 2048, 1152>}]} {
    %get3A = arith.constant 0 : index
    %get3A_0 = arith.constant 0 : index
    %get3A_1 = arith.constant 0 : index
    %get3A_2 = vector.load %arg1[%get3A, %get3A_0, %get3A_1] : memref<1x1x2048xi32, #tpu.memory_space<vmem>>, vector<1x1x2048xi32>
    %get3A_3 = vector.shape_cast %get3A_2 : vector<1x1x2048xi32> to vector<1x2048xi32>
    %iota3A = tpu.iota {dimensions = array<i32: 0>} : vector<1024x2048xi32>
    %eq3A = vector.broadcast %get3A_3 : vector<1x2048xi32> to vector<1024x2048xi32>
    %eq3A_4 = arith.cmpi eq, %iota3A, %eq3A : vector<1024x2048xi32>
    %convert_element_type3A = arith.extui %eq3A_4 : vector<1024x2048xi1> to vector<1024x2048xi32>
    %convert_element_type3A_5 = arith.sitofp %convert_element_type3A : vector<1024x2048xi32> to vector<1024x2048xf32>
    %convert_element_type3A_6 = arith.truncf %convert_element_type3A_5 : vector<1024x2048xf32> to vector<1024x2048xbf16>
    %get3A_7 = arith.constant 0 : index
    %get3A_8 = arith.constant 0 : index
    %get3A_9 = vector.load %arg4[%get3A_7, %get3A_8] : memref<1024x128xbf16, #tpu.memory_space<vmem>>, vector<1024x128xbf16>
    %get3A_10 = arith.constant 0 : index
    %get3A_11 = arith.constant 0 : index
    %get3A_12 = vector.load %arg5[%get3A_10, %get3A_11] : memref<1024x128xbf16, #tpu.memory_space<vmem>>, vector<1024x128xbf16>
    %dot_general3A = arith.constant dense<0.000000e+00> : vector<2048x128xf32>
    %dot_general3A_13 = tpu.matmul %convert_element_type3A_6, %get3A_9, %dot_general3A {dimension_numbers = #tpu.dot_dimension_numbers<[0], [0], [1], [1], [0, 1, 1, 1], [], []>, transpose_lhs_hint = false} : vector<1024x2048xbf16>, vector<1024x128xbf16>, vector<2048x128xf32> -> vector<2048x128xf32>
    %dot_general3A_14 = arith.constant dense<0.000000e+00> : vector<2048x128xf32>
    %dot_general3A_15 = tpu.matmul %convert_element_type3A_6, %get3A_12, %dot_general3A_14 {dimension_numbers = #tpu.dot_dimension_numbers<[0], [0], [1], [1], [0, 1, 1, 1], [], []>, transpose_lhs_hint = false} : vector<1024x2048xbf16>, vector<1024x128xbf16>, vector<2048x128xf32> -> vector<2048x128xf32>
    %add3A = arith.addf %dot_general3A_13, %dot_general3A_15 : vector<2048x128xf32>
    %get3A_16 = arith.constant 0 : index
    %get3A_17 = arith.constant 0 : index
    %get3A_18 = vector.load %arg2[%get3A_16, %get3A_17] : memref<2048x128xf32, #tpu.memory_space<vmem>>, vector<2048x128xf32>
    %mul3A = arith.mulf %get3A_18, %add3A : vector<2048x128xf32>
    %get3A_19 = arith.constant 0 : index
    %get3A_20 = arith.constant 0 : index
    %get3A_21 = vector.load %arg3[%get3A_19, %get3A_20] : memref<2048x16xf32, #tpu.memory_space<vmem>>, vector<2048x16xf32>
    %slice3A = vector.extract_strided_slice %get3A_21 {offsets = [0, 1], sizes = [2048, 1], strides = [1, 1]} : vector<2048x16xf32> to vector<2048x1xf32>
    %mul3A_22 = vector.broadcast %slice3A : vector<2048x1xf32> to vector<2048x128xf32>
    %mul3A_23 = arith.mulf %mul3A, %mul3A_22 : vector<2048x128xf32>
    %slice3A_24 = vector.extract_strided_slice %get3A_21 {offsets = [0, 2], sizes = [2048, 1], strides = [1, 1]} : vector<2048x16xf32> to vector<2048x1xf32>
    %mul3A_25 = vector.broadcast %slice3A_24 : vector<2048x1xf32> to vector<2048x128xf32>
    %mul3A_26 = arith.mulf %mul3A, %mul3A_25 : vector<2048x128xf32>
    %slice3A_27 = vector.extract_strided_slice %get3A_21 {offsets = [0, 3], sizes = [2048, 1], strides = [1, 1]} : vector<2048x16xf32> to vector<2048x1xf32>
    %mul3A_28 = vector.broadcast %slice3A_27 : vector<2048x1xf32> to vector<2048x128xf32>
    %mul3A_29 = arith.mulf %mul3A, %mul3A_28 : vector<2048x128xf32>
    %slice3A_30 = vector.extract_strided_slice %get3A_21 {offsets = [0, 4], sizes = [2048, 1], strides = [1, 1]} : vector<2048x16xf32> to vector<2048x1xf32>
    %mul3A_31 = vector.broadcast %slice3A_30 : vector<2048x1xf32> to vector<2048x128xf32>
    %mul3A_32 = arith.mulf %mul3A, %mul3A_31 : vector<2048x128xf32>
    %slice3A_33 = vector.extract_strided_slice %get3A_21 {offsets = [0, 5], sizes = [2048, 1], strides = [1, 1]} : vector<2048x16xf32> to vector<2048x1xf32>
    %mul3A_34 = vector.broadcast %slice3A_33 : vector<2048x1xf32> to vector<2048x128xf32>
    %mul3A_35 = arith.mulf %mul3A, %mul3A_34 : vector<2048x128xf32>
    %slice3A_36 = vector.extract_strided_slice %get3A_21 {offsets = [0, 6], sizes = [2048, 1], strides = [1, 1]} : vector<2048x16xf32> to vector<2048x1xf32>
    %mul3A_37 = vector.broadcast %slice3A_36 : vector<2048x1xf32> to vector<2048x128xf32>
    %mul3A_38 = arith.mulf %mul3A, %mul3A_37 : vector<2048x128xf32>
    %slice3A_39 = vector.extract_strided_slice %get3A_21 {offsets = [0, 7], sizes = [2048, 1], strides = [1, 1]} : vector<2048x16xf32> to vector<2048x1xf32>
    %mul3A_40 = vector.broadcast %slice3A_39 : vector<2048x1xf32> to vector<2048x128xf32>
    %mul3A_41 = arith.mulf %mul3A, %mul3A_40 : vector<2048x128xf32>
    %slice3A_42 = vector.extract_strided_slice %get3A_21 {offsets = [0, 8], sizes = [2048, 1], strides = [1, 1]} : vector<2048x16xf32> to vector<2048x1xf32>
    %mul3A_43 = vector.broadcast %slice3A_42 : vector<2048x1xf32> to vector<2048x128xf32>
    %mul3A_44 = arith.mulf %mul3A, %mul3A_43 : vector<2048x128xf32>
    %concatenate3A = tpu.concatenate %mul3A, %mul3A_23, %mul3A_26, %mul3A_29, %mul3A_32, %mul3A_35, %mul3A_38, %mul3A_41, %mul3A_44 in 1 : vector<2048x128xf32>, vector<2048x128xf32>, vector<2048x128xf32>, vector<2048x128xf32>, vector<2048x128xf32>, vector<2048x128xf32>, vector<2048x128xf32>, vector<2048x128xf32>, vector<2048x128xf32> -> vector<2048x1152xf32>
    %swap3A = arith.constant 0 : index
    %swap3A_45 = arith.constant 0 : index
    %swap3A_46 = vector.load %arg6[%swap3A, %swap3A_45] : memref<2048x1152xf32, #tpu.memory_space<vmem>>, vector<2048x1152xf32>
    tpu.vector_store %arg6[%swap3A, %swap3A_45], %concatenate3A {strides = array<i32>} : memref<2048x1152xf32, #tpu.memory_space<vmem>>, vector<2048x1152xf32>,
    return
  }
  func.func @transform_0(%arg0: i32) -> (i32, i32, i32) {
    %c0_i32 = arith.constant 0 : i32
    %c0_i32_0 = arith.constant 0 : i32
    %c0_i32_1 = arith.constant 0 : i32
    return %arg0, %c0_i32, %c0_i32_0 : i32, i32, i32
  }
  func.func @transform_1(%arg0: i32) -> (i32, i32) {
    %c2_i32 = arith.constant 2 : i32
    %c0_i32 = arith.constant 0 : i32
    return %arg0, %c2_i32 : i32, i32
  }
  func.func @transform_2(%arg0: i32) -> (i32, i32) {
    %c0_i32 = arith.constant 0 : i32
    %c0_i32_0 = arith.constant 0 : i32
    return %arg0, %c0_i32 : i32, i32
  }
  func.func @transform_3(%arg0: i32) -> (i32, i32) {
    %c0_i32 = arith.constant 0 : i32
    %c0_i32_0 = arith.constant 0 : i32
    %c0_i32_1 = arith.constant 0 : i32
    return %c0_i32, %c0_i32_0 : i32, i32
  }
  func.func @transform_4(%arg0: i32) -> (i32, i32) {
    %c0_i32 = arith.constant 0 : i32
    %c0_i32_0 = arith.constant 0 : i32
    %c0_i32_1 = arith.constant 0 : i32
    return %c0_i32, %c0_i32_0 : i32, i32
  }
  func.func @transform_5(%arg0: i32) -> (i32, i32) {
    %c0_i32 = arith.constant 0 : i32
    %c0_i32_0 = arith.constant 0 : i32
    return %arg0, %c0_i32 : i32, i32
  }
}

module attributes {stable_mosaic.version = 14 : i64} {
  func.func @_layer_post_body(%arg0: memref<1024x128xf32, #tpu.memory_space<vmem>>, %arg1: memref<1024x1152xf32, #tpu.memory_space<vmem>>, %arg2: memref<1024x1152xf32, #tpu.memory_space<vmem>>, %arg3: memref<1024x1152xf32, #tpu.memory_space<vmem>>, %arg4: memref<128x128xf32, #tpu.memory_space<vmem>>, %arg5: memref<128x128xf32, #tpu.memory_space<vmem>>, %arg6: memref<128x256xf32, #tpu.memory_space<vmem>>, %arg7: memref<128x128xf32, #tpu.memory_space<vmem>>, %arg8: memref<128x288xf32, #tpu.memory_space<vmem>>, %arg9: memref<1024x128xf32, #tpu.memory_space<vmem>>, %arg10: memref<1024x1152xf32, #tpu.memory_space<vmem>>, %arg11: memref<1024x256xbf16, #tpu.memory_space<vmem>>, %arg12: memref<1024x256xbf16, #tpu.memory_space<vmem>>, %arg13: memref<1024x288xf32, #tpu.memory_space<vmem>>) attributes {dimension_semantics = [], scalar_prefetch = 0 : i64, scratch_operands = 0 : i64, tpu.core_type = #tpu.core_type<tc>} {
    %get3A = arith.constant 0 : index
    %get3A_0 = arith.constant 0 : index
    %get3A_1 = vector.load %arg2[%get3A, %get3A_0] : memref<1024x1152xf32, #tpu.memory_space<vmem>>, vector<1024x128xf32>
    %get3A_2 = arith.constant 0 : index
    %get3A_3 = arith.constant 0 : index
    %get3A_4 = vector.load %arg3[%get3A_2, %get3A_3] : memref<1024x1152xf32, #tpu.memory_space<vmem>>, vector<1024x128xf32>
    %add3A = arith.addf %get3A_1, %get3A_4 : vector<1024x128xf32>
    %get3A_5 = arith.constant 0 : index
    %get3A_6 = arith.constant 0 : index
    %get3A_7 = vector.load %arg1[%get3A_5, %get3A_6] : memref<1024x1152xf32, #tpu.memory_space<vmem>>, vector<1024x1152xf32>
    %get3A_8 = arith.constant 0 : index
    %get3A_9 = arith.constant 0 : index
    %get3A_10 = vector.load %arg2[%get3A_8, %get3A_9] : memref<1024x1152xf32, #tpu.memory_space<vmem>>, vector<1024x1152xf32>
    %get3A_11 = arith.constant 0 : index
    %get3A_12 = arith.constant 0 : index
    %get3A_13 = vector.load %arg3[%get3A_11, %get3A_12] : memref<1024x1152xf32, #tpu.memory_space<vmem>>, vector<1024x1152xf32>
    %add3A_14 = arith.addf %get3A_10, %get3A_13 : vector<1024x1152xf32>
    %add3A_15 = arith.addf %get3A_7, %add3A_14 : vector<1024x1152xf32>
    %swap3A = arith.constant 0 : index
    %swap3A_16 = arith.constant 0 : index
    %swap3A_17 = vector.load %arg10[%swap3A, %swap3A_16] : memref<1024x1152xf32, #tpu.memory_space<vmem>>, vector<1024x1152xf32>
    tpu.vector_store %arg10[%swap3A, %swap3A_16], %add3A_15 {strides = array<i32>} : memref<1024x1152xf32, #tpu.memory_space<vmem>>, vector<1024x1152xf32>,
    %get3A_18 = arith.constant 0 : index
    %get3A_19 = arith.constant 0 : index
    %get3A_20 = vector.load %arg4[%get3A_18, %get3A_19] : memref<128x128xf32, #tpu.memory_space<vmem>>, vector<128x128xf32>
    %convert_element_type3A = arith.truncf %add3A : vector<1024x128xf32> to vector<1024x128xbf16>
    %convert_element_type3A_21 = arith.truncf %get3A_20 : vector<128x128xf32> to vector<128x128xbf16>
    %dot_general3A = arith.constant dense<0.000000e+00> : vector<1024x128xf32>
    %dot_general3A_22 = tpu.matmul %convert_element_type3A, %convert_element_type3A_21, %dot_general3A {dimension_numbers = #tpu.dot_dimension_numbers<[1], [0], [0], [1], [0, 0, 1, 1], [], []>, transpose_lhs_hint = false} : vector<1024x128xbf16>, vector<128x128xbf16>, vector<1024x128xf32> -> vector<1024x128xf32>
    %neg3A = arith.constant 0.000000e+00 : f32
    %neg3A_23 = vector.broadcast %neg3A : f32 to vector<1024x128xf32>
    %neg3A_24 = arith.subf %neg3A_23, %dot_general3A_22 : vector<1024x128xf32>
    %exp3A = math.exp %neg3A_24 : vector<1024x128xf32>
    %add3A_25 = arith.constant 1.000000e+00 : f32
    %add3A_26 = vector.broadcast %add3A_25 : f32 to vector<1024x128xf32>
    %add3A_27 = arith.addf %add3A_26, %exp3A : vector<1024x128xf32>
    %div3A = arith.constant 1.000000e+00 : f32
    %div3A_28 = vector.broadcast %div3A : f32 to vector<1024x128xf32>
    %div3A_29 = arith.divf %div3A_28, %add3A_27 : vector<1024x128xf32>
    %mul3A = arith.mulf %dot_general3A_22, %div3A_29 : vector<1024x128xf32>
    %get3A_30 = arith.constant 0 : index
    %get3A_31 = arith.constant 0 : index
    %get3A_32 = vector.load %arg0[%get3A_30, %get3A_31] : memref<1024x128xf32, #tpu.memory_space<vmem>>, vector<1024x128xf32>
    %get3A_33 = arith.constant 0 : index
    %get3A_34 = arith.constant 0 : index
    %get3A_35 = vector.load %arg5[%get3A_33, %get3A_34] : memref<128x128xf32, #tpu.memory_space<vmem>>, vector<128x128xf32>
    %convert_element_type3A_36 = arith.truncf %mul3A : vector<1024x128xf32> to vector<1024x128xbf16>
    %convert_element_type3A_37 = arith.truncf %get3A_35 : vector<128x128xf32> to vector<128x128xbf16>
    %dot_general3A_38 = arith.constant dense<0.000000e+00> : vector<1024x128xf32>
    %dot_general3A_39 = tpu.matmul %convert_element_type3A_36, %convert_element_type3A_37, %dot_general3A_38 {dimension_numbers = #tpu.dot_dimension_numbers<[1], [0], [0], [1], [0, 0, 1, 1], [], []>, transpose_lhs_hint = false} : vector<1024x128xbf16>, vector<128x128xbf16>, vector<1024x128xf32> -> vector<1024x128xf32>
    %add3A_40 = arith.addf %get3A_32, %dot_general3A_39 : vector<1024x128xf32>
    %swap3A_41 = arith.constant 0 : index
    %swap3A_42 = arith.constant 0 : index
    %swap3A_43 = vector.load %arg9[%swap3A_41, %swap3A_42] : memref<1024x128xf32, #tpu.memory_space<vmem>>, vector<1024x128xf32>
    tpu.vector_store %arg9[%swap3A_41, %swap3A_42], %add3A_40 {strides = array<i32>} : memref<1024x128xf32, #tpu.memory_space<vmem>>, vector<1024x128xf32>,
    %get3A_44 = arith.constant 0 : index
    %get3A_45 = arith.constant 0 : index
    %get3A_46 = vector.load %arg6[%get3A_44, %get3A_45] : memref<128x256xf32, #tpu.memory_space<vmem>>, vector<128x256xf32>
    %convert_element_type3A_47 = arith.truncf %add3A_40 : vector<1024x128xf32> to vector<1024x128xbf16>
    %convert_element_type3A_48 = arith.truncf %get3A_46 : vector<128x256xf32> to vector<128x256xbf16>
    %dot_general3A_49 = arith.constant dense<0.000000e+00> : vector<1024x256xf32>
    %dot_general3A_50 = tpu.matmul %convert_element_type3A_47, %convert_element_type3A_48, %dot_general3A_49 {dimension_numbers = #tpu.dot_dimension_numbers<[1], [0], [0], [1], [0, 0, 1, 1], [], []>, transpose_lhs_hint = false} : vector<1024x128xbf16>, vector<128x256xbf16>, vector<1024x256xf32> -> vector<1024x256xf32>
    %convert_element_type3A_51 = arith.truncf %dot_general3A_50 : vector<1024x256xf32> to vector<1024x256xbf16>
    %convert_element_type3A_52 = arith.extf %convert_element_type3A_51 : vector<1024x256xbf16> to vector<1024x256xf32>
    %sub3A = arith.subf %dot_general3A_50, %convert_element_type3A_52 : vector<1024x256xf32>
    %convert_element_type3A_53 = arith.truncf %sub3A : vector<1024x256xf32> to vector<1024x256xbf16>
    %swap3A_54 = arith.constant 0 : index
    %swap3A_55 = arith.constant 0 : index
    %swap3A_56 = vector.load %arg11[%swap3A_54, %swap3A_55] : memref<1024x256xbf16, #tpu.memory_space<vmem>>, vector<1024x256xbf16>
    tpu.vector_store %arg11[%swap3A_54, %swap3A_55], %convert_element_type3A_51 {strides = array<i32>} : memref<1024x256xbf16, #tpu.memory_space<vmem>>, vector<1024x256xbf16>,
    %swap3A_57 = arith.constant 0 : index
    %swap3A_58 = arith.constant 0 : index
    %swap3A_59 = vector.load %arg12[%swap3A_57, %swap3A_58] : memref<1024x256xbf16, #tpu.memory_space<vmem>>, vector<1024x256xbf16>
    tpu.vector_store %arg12[%swap3A_57, %swap3A_58], %convert_element_type3A_53 {strides = array<i32>} : memref<1024x256xbf16, #tpu.memory_space<vmem>>, vector<1024x256xbf16>,
    %get3A_60 = arith.constant 0 : index
    %get3A_61 = arith.constant 0 : index
    %get3A_62 = vector.load %arg7[%get3A_60, %get3A_61] : memref<128x128xf32, #tpu.memory_space<vmem>>, vector<128x128xf32>
    %convert_element_type3A_63 = arith.truncf %add3A_40 : vector<1024x128xf32> to vector<1024x128xbf16>
    %convert_element_type3A_64 = arith.truncf %get3A_62 : vector<128x128xf32> to vector<128x128xbf16>
    %dot_general3A_65 = arith.constant dense<0.000000e+00> : vector<1024x128xf32>
    %dot_general3A_66 = tpu.matmul %convert_element_type3A_63, %convert_element_type3A_64, %dot_general3A_65 {dimension_numbers = #tpu.dot_dimension_numbers<[1], [0], [0], [1], [0, 0, 1, 1], [], []>, transpose_lhs_hint = false} : vector<1024x128xbf16>, vector<128x128xbf16>, vector<1024x128xf32> -> vector<1024x128xf32>
    %neg3A_67 = arith.constant 0.000000e+00 : f32
    %neg3A_68 = vector.broadcast %neg3A_67 : f32 to vector<1024x128xf32>
    %neg3A_69 = arith.subf %neg3A_68, %dot_general3A_66 : vector<1024x128xf32>
    %exp3A_70 = math.exp %neg3A_69 : vector<1024x128xf32>
    %add3A_71 = arith.constant 1.000000e+00 : f32
    %add3A_72 = vector.broadcast %add3A_71 : f32 to vector<1024x128xf32>
    %add3A_73 = arith.addf %add3A_72, %exp3A_70 : vector<1024x128xf32>
    %div3A_74 = arith.constant 1.000000e+00 : f32
    %div3A_75 = vector.broadcast %div3A_74 : f32 to vector<1024x128xf32>
    %div3A_76 = arith.divf %div3A_75, %add3A_73 : vector<1024x128xf32>
    %mul3A_77 = arith.mulf %dot_general3A_66, %div3A_76 : vector<1024x128xf32>
    %get3A_78 = arith.constant 0 : index
    %get3A_79 = arith.constant 0 : index
    %get3A_80 = vector.load %arg8[%get3A_78, %get3A_79] : memref<128x288xf32, #tpu.memory_space<vmem>>, vector<128x288xf32>
    %convert_element_type3A_81 = arith.truncf %mul3A_77 : vector<1024x128xf32> to vector<1024x128xbf16>
    %convert_element_type3A_82 = arith.truncf %get3A_80 : vector<128x288xf32> to vector<128x288xbf16>
    %dot_general3A_83 = arith.constant dense<0.000000e+00> : vector<1024x288xf32>
    %dot_general3A_84 = tpu.matmul %convert_element_type3A_81, %convert_element_type3A_82, %dot_general3A_83 {dimension_numbers = #tpu.dot_dimension_numbers<[1], [0], [0], [1], [0, 0, 1, 1], [], []>, transpose_lhs_hint = false} : vector<1024x128xbf16>, vector<128x288xbf16>, vector<1024x288xf32> -> vector<1024x288xf32>
    %swap3A_85 = arith.constant 0 : index
    %swap3A_86 = arith.constant 0 : index
    %swap3A_87 = vector.load %arg13[%swap3A_85, %swap3A_86] : memref<1024x288xf32, #tpu.memory_space<vmem>>, vector<1024x288xf32>
    tpu.vector_store %arg13[%swap3A_85, %swap3A_86], %dot_general3A_84 {strides = array<i32>} : memref<1024x288xf32, #tpu.memory_space<vmem>>, vector<1024x288xf32>,
    return
  }
}

module attributes {stable_mosaic.version = 14 : i64} {
  func.func @_edge_mv_body(%arg0: i32, %arg1: memref<1x1x2048xi32, #tpu.memory_space<vmem>>, %arg2: memref<2048x128xf32, #tpu.memory_space<vmem>>, %arg3: memref<2048x16xf32, #tpu.memory_space<vmem>>, %arg4: memref<1024x128xbf16, #tpu.memory_space<vmem>>, %arg5: memref<1024x128xbf16, #tpu.memory_space<vmem>>, %arg6: memref<2048x128xf32, #tpu.memory_space<vmem>>) attributes {dimension_semantics = [#tpu.dimension_semantics<arbitrary>], iteration_bounds = array<i64: 8>, scalar_prefetch = 0 : i64, scratch_operands = 0 : i64, tpu.core_type = #tpu.core_type<tc>, window_params = [{transform_indices = @transform_0, window_bounds = array<i64: 1, 1, 2048>}, {transform_indices = @transform_1, window_bounds = array<i64: 2048, 128>}, {transform_indices = @transform_2, window_bounds = array<i64: 2048, 16>}, {pipeline_mode = #tpu.pipeline_mode<synchronous>, transform_indices = @transform_3, window_bounds = array<i64: 1024, 128>}, {pipeline_mode = #tpu.pipeline_mode<synchronous>, transform_indices = @transform_4, window_bounds = array<i64: 1024, 128>}, {transform_indices = @transform_5, window_bounds = array<i64: 2048, 128>}]} {
    %get3A = arith.constant 0 : index
    %get3A_0 = arith.constant 0 : index
    %get3A_1 = arith.constant 0 : index
    %get3A_2 = vector.load %arg1[%get3A, %get3A_0, %get3A_1] : memref<1x1x2048xi32, #tpu.memory_space<vmem>>, vector<1x1x2048xi32>
    %get3A_3 = vector.shape_cast %get3A_2 : vector<1x1x2048xi32> to vector<1x2048xi32>
    %iota3A = tpu.iota {dimensions = array<i32: 0>} : vector<1024x2048xi32>
    %eq3A = vector.broadcast %get3A_3 : vector<1x2048xi32> to vector<1024x2048xi32>
    %eq3A_4 = arith.cmpi eq, %iota3A, %eq3A : vector<1024x2048xi32>
    %convert_element_type3A = arith.extui %eq3A_4 : vector<1024x2048xi1> to vector<1024x2048xi32>
    %convert_element_type3A_5 = arith.sitofp %convert_element_type3A : vector<1024x2048xi32> to vector<1024x2048xf32>
    %convert_element_type3A_6 = arith.truncf %convert_element_type3A_5 : vector<1024x2048xf32> to vector<1024x2048xbf16>
    %get3A_7 = arith.constant 0 : index
    %get3A_8 = arith.constant 0 : index
    %get3A_9 = vector.load %arg4[%get3A_7, %get3A_8] : memref<1024x128xbf16, #tpu.memory_space<vmem>>, vector<1024x128xbf16>
    %get3A_10 = arith.constant 0 : index
    %get3A_11 = arith.constant 0 : index
    %get3A_12 = vector.load %arg5[%get3A_10, %get3A_11] : memref<1024x128xbf16, #tpu.memory_space<vmem>>, vector<1024x128xbf16>
    %dot_general3A = arith.constant dense<0.000000e+00> : vector<2048x128xf32>
    %dot_general3A_13 = tpu.matmul %convert_element_type3A_6, %get3A_9, %dot_general3A {dimension_numbers = #tpu.dot_dimension_numbers<[0], [0], [1], [1], [0, 1, 1, 1], [], []>, transpose_lhs_hint = false} : vector<1024x2048xbf16>, vector<1024x128xbf16>, vector<2048x128xf32> -> vector<2048x128xf32>
    %dot_general3A_14 = arith.constant dense<0.000000e+00> : vector<2048x128xf32>
    %dot_general3A_15 = tpu.matmul %convert_element_type3A_6, %get3A_12, %dot_general3A_14 {dimension_numbers = #tpu.dot_dimension_numbers<[0], [0], [1], [1], [0, 1, 1, 1], [], []>, transpose_lhs_hint = false} : vector<1024x2048xbf16>, vector<1024x128xbf16>, vector<2048x128xf32> -> vector<2048x128xf32>
    %add3A = arith.addf %dot_general3A_13, %dot_general3A_15 : vector<2048x128xf32>
    %get3A_16 = arith.constant 0 : index
    %get3A_17 = arith.constant 0 : index
    %get3A_18 = vector.load %arg2[%get3A_16, %get3A_17] : memref<2048x128xf32, #tpu.memory_space<vmem>>, vector<2048x128xf32>
    %mul3A = arith.mulf %get3A_18, %add3A : vector<2048x128xf32>
    %swap3A = arith.constant 0 : index
    %swap3A_19 = arith.constant 0 : index
    %swap3A_20 = vector.load %arg6[%swap3A, %swap3A_19] : memref<2048x128xf32, #tpu.memory_space<vmem>>, vector<2048x128xf32>
    tpu.vector_store %arg6[%swap3A, %swap3A_19], %mul3A {strides = array<i32>} : memref<2048x128xf32, #tpu.memory_space<vmem>>, vector<2048x128xf32>,
    return
  }
  func.func @transform_0(%arg0: i32) -> (i32, i32, i32) {
    %c0_i32 = arith.constant 0 : i32
    %c0_i32_0 = arith.constant 0 : i32
    %c0_i32_1 = arith.constant 0 : i32
    return %arg0, %c0_i32, %c0_i32_0 : i32, i32, i32
  }
  func.func @transform_1(%arg0: i32) -> (i32, i32) {
    %c3_i32 = arith.constant 3 : i32
    %c0_i32 = arith.constant 0 : i32
    return %arg0, %c3_i32 : i32, i32
  }
  func.func @transform_2(%arg0: i32) -> (i32, i32) {
    %c0_i32 = arith.constant 0 : i32
    %c0_i32_0 = arith.constant 0 : i32
    return %arg0, %c0_i32 : i32, i32
  }
  func.func @transform_3(%arg0: i32) -> (i32, i32) {
    %c0_i32 = arith.constant 0 : i32
    %c0_i32_0 = arith.constant 0 : i32
    %c0_i32_1 = arith.constant 0 : i32
    return %c0_i32, %c0_i32_0 : i32, i32
  }
  func.func @transform_4(%arg0: i32) -> (i32, i32) {
    %c0_i32 = arith.constant 0 : i32
    %c0_i32_0 = arith.constant 0 : i32
    %c0_i32_1 = arith.constant 0 : i32
    return %c0_i32, %c0_i32_0 : i32, i32
  }
  func.func @transform_5(%arg0: i32) -> (i32, i32) {
    %c0_i32 = arith.constant 0 : i32
    %c0_i32_0 = arith.constant 0 : i32
    return %arg0, %c0_i32 : i32, i32
  }
}

module attributes {stable_mosaic.version = 14 : i64} {
  func.func @_geom_ef_body(%arg0: i32, %arg1: memref<1x1x2048xi32, #tpu.memory_space<vmem>>, %arg2: memref<1x1x2048xi32, #tpu.memory_space<vmem>>, %arg3: memref<1024x24xbf16, #tpu.memory_space<vmem>>, %arg4: memref<1024x128xbf16, #tpu.memory_space<vmem>>, %arg5: memref<32x256xf32, #tpu.memory_space<vmem>>, %arg6: memref<128x288xf32, #tpu.memory_space<vmem>>, %arg7: memref<2048x256xf32, #tpu.memory_space<vmem>>, %arg8: memref<2048x16xf32, #tpu.memory_space<vmem>>, %arg9: memref<2048x288xf32, #tpu.memory_space<vmem>>) attributes {dimension_semantics = [#tpu.dimension_semantics<arbitrary>], iteration_bounds = array<i64: 32>, scalar_prefetch = 0 : i64, scratch_operands = 0 : i64, tpu.core_type = #tpu.core_type<tc>, window_params = [{transform_indices = @transform_0, window_bounds = array<i64: 1, 1, 2048>}, {transform_indices = @transform_1, window_bounds = array<i64: 1, 1, 2048>}, {pipeline_mode = #tpu.pipeline_mode<synchronous>, transform_indices = @transform_2, window_bounds = array<i64: 1024, 24>}, {pipeline_mode = #tpu.pipeline_mode<synchronous>, transform_indices = @transform_3, window_bounds = array<i64: 1024, 128>}, {pipeline_mode = #tpu.pipeline_mode<synchronous>, transform_indices = @transform_4, window_bounds = array<i64: 32, 256>}, {pipeline_mode = #tpu.pipeline_mode<synchronous>, transform_indices = @transform_5, window_bounds = array<i64: 128, 288>}, {transform_indices = @transform_6, window_bounds = array<i64: 2048, 256>}, {transform_indices = @transform_7, window_bounds = array<i64: 2048, 16>}, {transform_indices = @transform_8, window_bounds = array<i64: 2048, 288>}]} {
    %get3A = arith.constant 0 : index
    %get3A_0 = arith.constant 0 : index
    %get3A_1 = arith.constant 0 : index
    %get3A_2 = vector.load %arg1[%get3A, %get3A_0, %get3A_1] : memref<1x1x2048xi32, #tpu.memory_space<vmem>>, vector<1x1x2048xi32>
    %get3A_3 = vector.shape_cast %get3A_2 : vector<1x1x2048xi32> to vector<1x2048xi32>
    %iota3A = tpu.iota {dimensions = array<i32: 0>} : vector<1024x2048xi32>
    %eq3A = vector.broadcast %get3A_3 : vector<1x2048xi32> to vector<1024x2048xi32>
    %eq3A_4 = arith.cmpi eq, %iota3A, %eq3A : vector<1024x2048xi32>
    %convert_element_type3A = arith.extui %eq3A_4 : vector<1024x2048xi1> to vector<1024x2048xi32>
    %convert_element_type3A_5 = arith.sitofp %convert_element_type3A : vector<1024x2048xi32> to vector<1024x2048xf32>
    %convert_element_type3A_6 = arith.truncf %convert_element_type3A_5 : vector<1024x2048xf32> to vector<1024x2048xbf16>
    %get3A_7 = arith.constant 0 : index
    %get3A_8 = arith.constant 0 : index
    %get3A_9 = arith.constant 0 : index
    %get3A_10 = vector.load %arg2[%get3A_7, %get3A_8, %get3A_9] : memref<1x1x2048xi32, #tpu.memory_space<vmem>>, vector<1x1x2048xi32>
    %get3A_11 = vector.shape_cast %get3A_10 : vector<1x1x2048xi32> to vector<1x2048xi32>
    %iota3A_12 = tpu.iota {dimensions = array<i32: 0>} : vector<1024x2048xi32>
    %eq3A_13 = vector.broadcast %get3A_11 : vector<1x2048xi32> to vector<1024x2048xi32>
    %eq3A_14 = arith.cmpi eq, %iota3A_12, %eq3A_13 : vector<1024x2048xi32>
    %convert_element_type3A_15 = arith.extui %eq3A_14 : vector<1024x2048xi1> to vector<1024x2048xi32>
    %convert_element_type3A_16 = arith.sitofp %convert_element_type3A_15 : vector<1024x2048xi32> to vector<1024x2048xf32>
    %convert_element_type3A_17 = arith.truncf %convert_element_type3A_16 : vector<1024x2048xf32> to vector<1024x2048xbf16>
    %get3A_18 = arith.constant 0 : index
    %get3A_19 = arith.constant 0 : index
    %get3A_20 = vector.load %arg3[%get3A_18, %get3A_19] : memref<1024x24xbf16, #tpu.memory_space<vmem>>, vector<1024x24xbf16>
    %sub3A = arith.subf %convert_element_type3A_17, %convert_element_type3A_6 : vector<1024x2048xbf16>
    %dot_general3A = arith.constant dense<0.000000e+00> : vector<2048x24xf32>
    %dot_general3A_21 = tpu.matmul %sub3A, %get3A_20, %dot_general3A {dimension_numbers = #tpu.dot_dimension_numbers<[0], [0], [1], [1], [0, 1, 1, 1], [], []>, transpose_lhs_hint = false} : vector<1024x2048xbf16>, vector<1024x24xbf16>, vector<2048x24xf32> -> vector<2048x24xf32>
    %slice3A = vector.extract_strided_slice %dot_general3A_21 {offsets = [0, 0], sizes = [2048, 8], strides = [1, 1]} : vector<2048x24xf32> to vector<2048x8xf32>
    %slice3A_22 = vector.extract_strided_slice %dot_general3A_21 {offsets = [0, 8], sizes = [2048, 8], strides = [1, 1]} : vector<2048x24xf32> to vector<2048x8xf32>
    %add3A = arith.addf %slice3A, %slice3A_22 : vector<2048x8xf32>
    %slice3A_23 = vector.extract_strided_slice %dot_general3A_21 {offsets = [0, 16], sizes = [2048, 8], strides = [1, 1]} : vector<2048x24xf32> to vector<2048x8xf32>
    %add3A_24 = arith.addf %add3A, %slice3A_23 : vector<2048x8xf32>
    %slice3A_25 = vector.extract_strided_slice %add3A_24 {offsets = [0, 0], sizes = [2048, 1], strides = [1, 1]} : vector<2048x8xf32> to vector<2048x1xf32>
    %slice3A_26 = vector.extract_strided_slice %add3A_24 {offsets = [0, 1], sizes = [2048, 1], strides = [1, 1]} : vector<2048x8xf32> to vector<2048x1xf32>
    %slice3A_27 = vector.extract_strided_slice %add3A_24 {offsets = [0, 2], sizes = [2048, 1], strides = [1, 1]} : vector<2048x8xf32> to vector<2048x1xf32>
    %mul3A = arith.mulf %slice3A_25, %slice3A_25 : vector<2048x1xf32>
    %mul3A_28 = arith.mulf %slice3A_26, %slice3A_26 : vector<2048x1xf32>
    %add3A_29 = arith.addf %mul3A, %mul3A_28 : vector<2048x1xf32>
    %mul3A_30 = arith.mulf %slice3A_27, %slice3A_27 : vector<2048x1xf32>
    %add3A_31 = arith.addf %add3A_29, %mul3A_30 : vector<2048x1xf32>
    %add3A_32 = arith.constant 9.99999996E-13 : f32
    %add3A_33 = vector.broadcast %add3A_32 : f32 to vector<2048x1xf32>
    %add3A_34 = arith.addf %add3A_31, %add3A_33 : vector<2048x1xf32>
    %sqrt3A = math.sqrt %add3A_34 : vector<2048x1xf32>
    %iota3A_35 = tpu.iota {dimensions = array<i32: 1>} : vector<1x32xi32>
    %convert_element_type3A_36 = arith.sitofp %iota3A_35 : vector<1x32xi32> to vector<1x32xf32>
    %add3A_37 = arith.constant 1.000000e+00 : f32
    %add3A_38 = vector.broadcast %add3A_37 : f32 to vector<1x32xf32>
    %add3A_39 = arith.addf %convert_element_type3A_36, %add3A_38 : vector<1x32xf32>
    %div3A = arith.constant 5.000000e+00 : f32
    %div3A_40 = vector.broadcast %div3A : f32 to vector<2048x1xf32>
    %div3A_41 = arith.divf %sqrt3A, %div3A_40 : vector<2048x1xf32>
    %sqrt3A_42 = arith.constant 4.000000e-01 : f32
    %sqrt3A_43 = math.sqrt %sqrt3A_42 : f32
    %mul3A_44 = arith.constant 3.14159274 : f32
    %mul3A_45 = vector.broadcast %mul3A_44 : f32 to vector<2048x1xf32>
    %mul3A_46 = arith.mulf %mul3A_45, %div3A_41 : vector<2048x1xf32>
    %mul3A_47 = vector.broadcast %add3A_39 : vector<1x32xf32> to vector<2048x32xf32>
    %mul3A_48 = vector.broadcast %mul3A_46 : vector<2048x1xf32> to vector<2048x32xf32>
    %mul3A_49 = arith.mulf %mul3A_47, %mul3A_48 : vector<2048x32xf32>
    %sin3A = math.sin %mul3A_49 : vector<2048x32xf32>
    %mul3A_50 = vector.broadcast %sqrt3A_43 : f32 to vector<2048x32xf32>
    %mul3A_51 = arith.mulf %mul3A_50, %sin3A : vector<2048x32xf32>
    %div3A_52 = vector.broadcast %sqrt3A : vector<2048x1xf32> to vector<2048x32xf32>
    %div3A_53 = arith.divf %mul3A_51, %div3A_52 : vector<2048x32xf32>
    %jit3A = arith.constant 0.000000e+00 : f32
    %jit3A_54 = arith.constant 1.000000e+00 : f32
    %max3A = vector.broadcast %jit3A : f32 to vector<2048x1xf32>
    %max3A_55 = arith.maximumf %max3A, %div3A_41 : vector<2048x1xf32>
    %min3A = vector.broadcast %jit3A_54 : f32 to vector<2048x1xf32>
    %min3A_56 = arith.minimumf %min3A, %max3A_55 : vector<2048x1xf32>
    %integer_pow3A = arith.mulf %min3A_56, %min3A_56 : vector<2048x1xf32>
    %integer_pow3A_57 = arith.mulf %min3A_56, %integer_pow3A : vector<2048x1xf32>
    %mul3A_58 = arith.constant 1.000000e+01 : f32
    %mul3A_59 = vector.broadcast %mul3A_58 : f32 to vector<2048x1xf32>
    %mul3A_60 = arith.mulf %mul3A_59, %integer_pow3A_57 : vector<2048x1xf32>
    %sub3A_61 = arith.constant 1.000000e+00 : f32
    %sub3A_62 = vector.broadcast %sub3A_61 : f32 to vector<2048x1xf32>
    %sub3A_63 = arith.subf %sub3A_62, %mul3A_60 : vector<2048x1xf32>
    %integer_pow3A_64 = arith.mulf %min3A_56, %min3A_56 : vector<2048x1xf32>
    %integer_pow3A_65 = arith.mulf %integer_pow3A_64, %integer_pow3A_64 : vector<2048x1xf32>
    %mul3A_66 = arith.constant 1.500000e+01 : f32
    %mul3A_67 = vector.broadcast %mul3A_66 : f32 to vector<2048x1xf32>
    %mul3A_68 = arith.mulf %mul3A_67, %integer_pow3A_65 : vector<2048x1xf32>
    %add3A_69 = arith.addf %sub3A_63, %mul3A_68 : vector<2048x1xf32>
    %integer_pow3A_70 = arith.mulf %min3A_56, %min3A_56 : vector<2048x1xf32>
    %integer_pow3A_71 = arith.mulf %integer_pow3A_70, %integer_pow3A_70 : vector<2048x1xf32>
    %integer_pow3A_72 = arith.mulf %min3A_56, %integer_pow3A_71 : vector<2048x1xf32>
    %mul3A_73 = arith.constant 6.000000e+00 : f32
    %mul3A_74 = vector.broadcast %mul3A_73 : f32 to vector<2048x1xf32>
    %mul3A_75 = arith.mulf %mul3A_74, %integer_pow3A_72 : vector<2048x1xf32>
    %sub3A_76 = arith.subf %add3A_69, %mul3A_75 : vector<2048x1xf32>
    %mul3A_77 = vector.broadcast %sub3A_76 : vector<2048x1xf32> to vector<2048x32xf32>
    %mul3A_78 = arith.mulf %div3A_53, %mul3A_77 : vector<2048x32xf32>
    %get3A_79 = arith.constant 0 : index
    %get3A_80 = arith.constant 0 : index
    %get3A_81 = vector.load %arg5[%get3A_79, %get3A_80] : memref<32x256xf32, #tpu.memory_space<vmem>>, vector<32x256xf32>
    %convert_element_type3A_82 = arith.truncf %mul3A_78 : vector<2048x32xf32> to vector<2048x32xbf16>
    %convert_element_type3A_83 = arith.truncf %get3A_81 : vector<32x256xf32> to vector<32x256xbf16>
    %dot_general3A_84 = arith.constant dense<0.000000e+00> : vector<2048x256xf32>
    %dot_general3A_85 = tpu.matmul %convert_element_type3A_82, %convert_element_type3A_83, %dot_general3A_84 {dimension_numbers = #tpu.dot_dimension_numbers<[1], [0], [0], [1], [0, 0, 1, 1], [], []>, transpose_lhs_hint = false} : vector<2048x32xbf16>, vector<32x256xbf16>, vector<2048x256xf32> -> vector<2048x256xf32>
    %swap3A = arith.constant 0 : index
    %swap3A_86 = arith.constant 0 : index
    %swap3A_87 = vector.load %arg7[%swap3A, %swap3A_86] : memref<2048x256xf32, #tpu.memory_space<vmem>>, vector<2048x256xf32>
    tpu.vector_store %arg7[%swap3A, %swap3A_86], %dot_general3A_85 {strides = array<i32>} : memref<2048x256xf32, #tpu.memory_space<vmem>>, vector<2048x256xf32>,
    %div3A_88 = vector.broadcast %sqrt3A : vector<2048x1xf32> to vector<2048x8xf32>
    %div3A_89 = arith.divf %add3A_24, %div3A_88 : vector<2048x8xf32>
    %slice3A_90 = vector.extract_strided_slice %div3A_89 {offsets = [0, 0], sizes = [2048, 1], strides = [1, 1]} : vector<2048x8xf32> to vector<2048x1xf32>
    %slice3A_91 = vector.extract_strided_slice %div3A_89 {offsets = [0, 1], sizes = [2048, 1], strides = [1, 1]} : vector<2048x8xf32> to vector<2048x1xf32>
    %slice3A_92 = vector.extract_strided_slice %div3A_89 {offsets = [0, 2], sizes = [2048, 1], strides = [1, 1]} : vector<2048x8xf32> to vector<2048x1xf32>
    %sqrt3A_93 = arith.constant 3.000000e+00 : f32
    %sqrt3A_94 = math.sqrt %sqrt3A_93 : f32
    %broadcast_in_dim3A = arith.constant 1.000000e+00 : f32
    %broadcast_in_dim3A_95 = vector.broadcast %broadcast_in_dim3A : f32 to vector<2048x1xf32>
    %mul3A_96 = vector.broadcast %sqrt3A_94 : f32 to vector<2048x1xf32>
    %mul3A_97 = arith.mulf %mul3A_96, %slice3A_90 : vector<2048x1xf32>
    %mul3A_98 = arith.mulf %mul3A_97, %slice3A_91 : vector<2048x1xf32>
    %mul3A_99 = vector.broadcast %sqrt3A_94 : f32 to vector<2048x1xf32>
    %mul3A_100 = arith.mulf %mul3A_99, %slice3A_91 : vector<2048x1xf32>
    %mul3A_101 = arith.mulf %mul3A_100, %slice3A_92 : vector<2048x1xf32>
    %mul3A_102 = arith.constant 3.000000e+00 : f32
    %mul3A_103 = vector.broadcast %mul3A_102 : f32 to vector<2048x1xf32>
    %mul3A_104 = arith.mulf %mul3A_103, %slice3A_92 : vector<2048x1xf32>
    %mul3A_105 = arith.mulf %mul3A_104, %slice3A_92 : vector<2048x1xf32>
    %sub3A_106 = arith.constant 1.000000e+00 : f32
    %sub3A_107 = vector.broadcast %sub3A_106 : f32 to vector<2048x1xf32>
    %sub3A_108 = arith.subf %mul3A_105, %sub3A_107 : vector<2048x1xf32>
    %mul3A_109 = arith.constant 5.000000e-01 : f32
    %mul3A_110 = vector.broadcast %mul3A_109 : f32 to vector<2048x1xf32>
    %mul3A_111 = arith.mulf %mul3A_110, %sub3A_108 : vector<2048x1xf32>
    %mul3A_112 = vector.broadcast %sqrt3A_94 : f32 to vector<2048x1xf32>
    %mul3A_113 = arith.mulf %mul3A_112, %slice3A_90 : vector<2048x1xf32>
    %mul3A_114 = arith.mulf %mul3A_113, %slice3A_92 : vector<2048x1xf32>
    %mul3A_115 = arith.constant 5.000000e-01 : f32
    %mul3A_116 = arith.mulf %mul3A_115, %sqrt3A_94 : f32
    %mul3A_117 = arith.mulf %slice3A_90, %slice3A_90 : vector<2048x1xf32>
    %mul3A_118 = arith.mulf %slice3A_91, %slice3A_91 : vector<2048x1xf32>
    %sub3A_119 = arith.subf %mul3A_117, %mul3A_118 : vector<2048x1xf32>
    %mul3A_120 = vector.broadcast %mul3A_116 : f32 to vector<2048x1xf32>
    %mul3A_121 = arith.mulf %mul3A_120, %sub3A_119 : vector<2048x1xf32>
    %broadcast_in_dim3A_122 = arith.constant 0.000000e+00 : f32
    %broadcast_in_dim3A_123 = vector.broadcast %broadcast_in_dim3A_122 : f32 to vector<2048x16xf32>
    %iota3A_124 = tpu.iota {dimensions = array<i32: 1>} : vector<1x16xi32>
    %eq3A_125 = arith.constant 0 : i32
    %eq3A_126 = vector.broadcast %eq3A_125 : i32 to vector<1x16xi32>
    %eq3A_127 = arith.cmpi eq, %iota3A_124, %eq3A_126 : vector<1x16xi32>
    %convert_element_type3A_128 = arith.extui %eq3A_127 : vector<1x16xi1> to vector<1x16xi32>
    %convert_element_type3A_129 = arith.sitofp %convert_element_type3A_128 : vector<1x16xi32> to vector<1x16xf32>
    %mul3A_130 = vector.broadcast %broadcast_in_dim3A_95 : vector<2048x1xf32> to vector<2048x16xf32>
    %mul3A_131 = vector.broadcast %convert_element_type3A_129 : vector<1x16xf32> to vector<2048x16xf32>
    %mul3A_132 = arith.mulf %mul3A_130, %mul3A_131 : vector<2048x16xf32>
    %add3A_133 = arith.addf %broadcast_in_dim3A_123, %mul3A_132 : vector<2048x16xf32>
    %iota3A_134 = tpu.iota {dimensions = array<i32: 1>} : vector<1x16xi32>
    %eq3A_135 = arith.constant 1 : i32
    %eq3A_136 = vector.broadcast %eq3A_135 : i32 to vector<1x16xi32>
    %eq3A_137 = arith.cmpi eq, %iota3A_134, %eq3A_136 : vector<1x16xi32>
    %convert_element_type3A_138 = arith.extui %eq3A_137 : vector<1x16xi1> to vector<1x16xi32>
    %convert_element_type3A_139 = arith.sitofp %convert_element_type3A_138 : vector<1x16xi32> to vector<1x16xf32>
    %mul3A_140 = vector.broadcast %slice3A_90 : vector<2048x1xf32> to vector<2048x16xf32>
    %mul3A_141 = vector.broadcast %convert_element_type3A_139 : vector<1x16xf32> to vector<2048x16xf32>
    %mul3A_142 = arith.mulf %mul3A_140, %mul3A_141 : vector<2048x16xf32>
    %add3A_143 = arith.addf %add3A_133, %mul3A_142 : vector<2048x16xf32>
    %iota3A_144 = tpu.iota {dimensions = array<i32: 1>} : vector<1x16xi32>
    %eq3A_145 = arith.constant 2 : i32
    %eq3A_146 = vector.broadcast %eq3A_145 : i32 to vector<1x16xi32>
    %eq3A_147 = arith.cmpi eq, %iota3A_144, %eq3A_146 : vector<1x16xi32>
    %convert_element_type3A_148 = arith.extui %eq3A_147 : vector<1x16xi1> to vector<1x16xi32>
    %convert_element_type3A_149 = arith.sitofp %convert_element_type3A_148 : vector<1x16xi32> to vector<1x16xf32>
    %mul3A_150 = vector.broadcast %slice3A_91 : vector<2048x1xf32> to vector<2048x16xf32>
    %mul3A_151 = vector.broadcast %convert_element_type3A_149 : vector<1x16xf32> to vector<2048x16xf32>
    %mul3A_152 = arith.mulf %mul3A_150, %mul3A_151 : vector<2048x16xf32>
    %add3A_153 = arith.addf %add3A_143, %mul3A_152 : vector<2048x16xf32>
    %iota3A_154 = tpu.iota {dimensions = array<i32: 1>} : vector<1x16xi32>
    %eq3A_155 = arith.constant 3 : i32
    %eq3A_156 = vector.broadcast %eq3A_155 : i32 to vector<1x16xi32>
    %eq3A_157 = arith.cmpi eq, %iota3A_154, %eq3A_156 : vector<1x16xi32>
    %convert_element_type3A_158 = arith.extui %eq3A_157 : vector<1x16xi1> to vector<1x16xi32>
    %convert_element_type3A_159 = arith.sitofp %convert_element_type3A_158 : vector<1x16xi32> to vector<1x16xf32>
    %mul3A_160 = vector.broadcast %slice3A_92 : vector<2048x1xf32> to vector<2048x16xf32>
    %mul3A_161 = vector.broadcast %convert_element_type3A_159 : vector<1x16xf32> to vector<2048x16xf32>
    %mul3A_162 = arith.mulf %mul3A_160, %mul3A_161 : vector<2048x16xf32>
    %add3A_163 = arith.addf %add3A_153, %mul3A_162 : vector<2048x16xf32>
    %iota3A_164 = tpu.iota {dimensions = array<i32: 1>} : vector<1x16xi32>
    %eq3A_165 = arith.constant 4 : i32
    %eq3A_166 = vector.broadcast %eq3A_165 : i32 to vector<1x16xi32>
    %eq3A_167 = arith.cmpi eq, %iota3A_164, %eq3A_166 : vector<1x16xi32>
    %convert_element_type3A_168 = arith.extui %eq3A_167 : vector<1x16xi1> to vector<1x16xi32>
    %convert_element_type3A_169 = arith.sitofp %convert_element_type3A_168 : vector<1x16xi32> to vector<1x16xf32>
    %mul3A_170 = vector.broadcast %mul3A_98 : vector<2048x1xf32> to vector<2048x16xf32>
    %mul3A_171 = vector.broadcast %convert_element_type3A_169 : vector<1x16xf32> to vector<2048x16xf32>
    %mul3A_172 = arith.mulf %mul3A_170, %mul3A_171 : vector<2048x16xf32>
    %add3A_173 = arith.addf %add3A_163, %mul3A_172 : vector<2048x16xf32>
    %iota3A_174 = tpu.iota {dimensions = array<i32: 1>} : vector<1x16xi32>
    %eq3A_175 = arith.constant 5 : i32
    %eq3A_176 = vector.broadcast %eq3A_175 : i32 to vector<1x16xi32>
    %eq3A_177 = arith.cmpi eq, %iota3A_174, %eq3A_176 : vector<1x16xi32>
    %convert_element_type3A_178 = arith.extui %eq3A_177 : vector<1x16xi1> to vector<1x16xi32>
    %convert_element_type3A_179 = arith.sitofp %convert_element_type3A_178 : vector<1x16xi32> to vector<1x16xf32>
    %mul3A_180 = vector.broadcast %mul3A_101 : vector<2048x1xf32> to vector<2048x16xf32>
    %mul3A_181 = vector.broadcast %convert_element_type3A_179 : vector<1x16xf32> to vector<2048x16xf32>
    %mul3A_182 = arith.mulf %mul3A_180, %mul3A_181 : vector<2048x16xf32>
    %add3A_183 = arith.addf %add3A_173, %mul3A_182 : vector<2048x16xf32>
    %iota3A_184 = tpu.iota {dimensions = array<i32: 1>} : vector<1x16xi32>
    %eq3A_185 = arith.constant 6 : i32
    %eq3A_186 = vector.broadcast %eq3A_185 : i32 to vector<1x16xi32>
    %eq3A_187 = arith.cmpi eq, %iota3A_184, %eq3A_186 : vector<1x16xi32>
    %convert_element_type3A_188 = arith.extui %eq3A_187 : vector<1x16xi1> to vector<1x16xi32>
    %convert_element_type3A_189 = arith.sitofp %convert_element_type3A_188 : vector<1x16xi32> to vector<1x16xf32>
    %mul3A_190 = vector.broadcast %mul3A_111 : vector<2048x1xf32> to vector<2048x16xf32>
    %mul3A_191 = vector.broadcast %convert_element_type3A_189 : vector<1x16xf32> to vector<2048x16xf32>
    %mul3A_192 = arith.mulf %mul3A_190, %mul3A_191 : vector<2048x16xf32>
    %add3A_193 = arith.addf %add3A_183, %mul3A_192 : vector<2048x16xf32>
    %iota3A_194 = tpu.iota {dimensions = array<i32: 1>} : vector<1x16xi32>
    %eq3A_195 = arith.constant 7 : i32
    %eq3A_196 = vector.broadcast %eq3A_195 : i32 to vector<1x16xi32>
    %eq3A_197 = arith.cmpi eq, %iota3A_194, %eq3A_196 : vector<1x16xi32>
    %convert_element_type3A_198 = arith.extui %eq3A_197 : vector<1x16xi1> to vector<1x16xi32>
    %convert_element_type3A_199 = arith.sitofp %convert_element_type3A_198 : vector<1x16xi32> to vector<1x16xf32>
    %mul3A_200 = vector.broadcast %mul3A_114 : vector<2048x1xf32> to vector<2048x16xf32>
    %mul3A_201 = vector.broadcast %convert_element_type3A_199 : vector<1x16xf32> to vector<2048x16xf32>
    %mul3A_202 = arith.mulf %mul3A_200, %mul3A_201 : vector<2048x16xf32>
    %add3A_203 = arith.addf %add3A_193, %mul3A_202 : vector<2048x16xf32>
    %iota3A_204 = tpu.iota {dimensions = array<i32: 1>} : vector<1x16xi32>
    %eq3A_205 = arith.constant 8 : i32
    %eq3A_206 = vector.broadcast %eq3A_205 : i32 to vector<1x16xi32>
    %eq3A_207 = arith.cmpi eq, %iota3A_204, %eq3A_206 : vector<1x16xi32>
    %convert_element_type3A_208 = arith.extui %eq3A_207 : vector<1x16xi1> to vector<1x16xi32>
    %convert_element_type3A_209 = arith.sitofp %convert_element_type3A_208 : vector<1x16xi32> to vector<1x16xf32>
    %mul3A_210 = vector.broadcast %mul3A_121 : vector<2048x1xf32> to vector<2048x16xf32>
    %mul3A_211 = vector.broadcast %convert_element_type3A_209 : vector<1x16xf32> to vector<2048x16xf32>
    %mul3A_212 = arith.mulf %mul3A_210, %mul3A_211 : vector<2048x16xf32>
    %add3A_213 = arith.addf %add3A_203, %mul3A_212 : vector<2048x16xf32>
    %swap3A_214 = arith.constant 0 : index
    %swap3A_215 = arith.constant 0 : index
    %swap3A_216 = vector.load %arg8[%swap3A_214, %swap3A_215] : memref<2048x16xf32, #tpu.memory_space<vmem>>, vector<2048x16xf32>
    tpu.vector_store %arg8[%swap3A_214, %swap3A_215], %add3A_213 {strides = array<i32>} : memref<2048x16xf32, #tpu.memory_space<vmem>>, vector<2048x16xf32>,
    %add3A_217 = arith.addf %convert_element_type3A_6, %convert_element_type3A_17 : vector<1024x2048xbf16>
    %get3A_218 = arith.constant 0 : index
    %get3A_219 = arith.constant 0 : index
    %get3A_220 = vector.load %arg4[%get3A_218, %get3A_219] : memref<1024x128xbf16, #tpu.memory_space<vmem>>, vector<1024x128xbf16>
    %dot_general3A_221 = arith.constant dense<0.000000e+00> : vector<2048x128xf32>
    %dot_general3A_222 = tpu.matmul %add3A_217, %get3A_220, %dot_general3A_221 {dimension_numbers = #tpu.dot_dimension_numbers<[0], [0], [1], [1], [0, 1, 1, 1], [], []>, transpose_lhs_hint = false} : vector<1024x2048xbf16>, vector<1024x128xbf16>, vector<2048x128xf32> -> vector<2048x128xf32>
    %get3A_223 = arith.constant 0 : index
    %get3A_224 = arith.constant 0 : index
    %get3A_225 = vector.load %arg6[%get3A_223, %get3A_224] : memref<128x288xf32, #tpu.memory_space<vmem>>, vector<128x288xf32>
    %convert_element_type3A_226 = arith.truncf %dot_general3A_222 : vector<2048x128xf32> to vector<2048x128xbf16>
    %convert_element_type3A_227 = arith.truncf %get3A_225 : vector<128x288xf32> to vector<128x288xbf16>
    %dot_general3A_228 = arith.constant dense<0.000000e+00> : vector<2048x288xf32>
    %dot_general3A_229 = tpu.matmul %convert_element_type3A_226, %convert_element_type3A_227, %dot_general3A_228 {dimension_numbers = #tpu.dot_dimension_numbers<[1], [0], [0], [1], [0, 0, 1, 1], [], []>, transpose_lhs_hint = false} : vector<2048x128xbf16>, vector<128x288xbf16>, vector<2048x288xf32> -> vector<2048x288xf32>
    %neg3A = arith.constant 0.000000e+00 : f32
    %neg3A_230 = vector.broadcast %neg3A : f32 to vector<2048x288xf32>
    %neg3A_231 = arith.subf %neg3A_230, %dot_general3A_229 : vector<2048x288xf32>
    %exp3A = math.exp %neg3A_231 : vector<2048x288xf32>
    %add3A_232 = arith.constant 1.000000e+00 : f32
    %add3A_233 = vector.broadcast %add3A_232 : f32 to vector<2048x288xf32>
    %add3A_234 = arith.addf %add3A_233, %exp3A : vector<2048x288xf32>
    %div3A_235 = arith.constant 1.000000e+00 : f32
    %div3A_236 = vector.broadcast %div3A_235 : f32 to vector<2048x288xf32>
    %div3A_237 = arith.divf %div3A_236, %add3A_234 : vector<2048x288xf32>
    %mul3A_238 = arith.mulf %dot_general3A_229, %div3A_237 : vector<2048x288xf32>
    %swap3A_239 = arith.constant 0 : index
    %swap3A_240 = arith.constant 0 : index
    %swap3A_241 = vector.load %arg9[%swap3A_239, %swap3A_240] : memref<2048x288xf32, #tpu.memory_space<vmem>>, vector<2048x288xf32>
    tpu.vector_store %arg9[%swap3A_239, %swap3A_240], %mul3A_238 {strides = array<i32>} : memref<2048x288xf32, #tpu.memory_space<vmem>>, vector<2048x288xf32>,
    return
  }
  func.func @transform_0(%arg0: i32) -> (i32, i32, i32) {
    %c0_i32 = arith.constant 0 : i32
    %c0_i32_0 = arith.constant 0 : i32
    %c0_i32_1 = arith.constant 0 : i32
    return %arg0, %c0_i32, %c0_i32_0 : i32, i32, i32
  }
  func.func @transform_1(%arg0: i32) -> (i32, i32, i32) {
    %c0_i32 = arith.constant 0 : i32
    %c0_i32_0 = arith.constant 0 : i32
    %c0_i32_1 = arith.constant 0 : i32
    return %arg0, %c0_i32, %c0_i32_0 : i32, i32, i32
  }
  func.func @transform_2(%arg0: i32) -> (i32, i32) {
    %c0_i32 = arith.constant 0 : i32
    %c0_i32_0 = arith.constant 0 : i32
    %c0_i32_1 = arith.constant 0 : i32
    return %c0_i32, %c0_i32_0 : i32, i32
  }
  func.func @transform_3(%arg0: i32) -> (i32, i32) {
    %c0_i32 = arith.constant 0 : i32
    %c0_i32_0 = arith.constant 0 : i32
    %c0_i32_1 = arith.constant 0 : i32
    return %c0_i32, %c0_i32_0 : i32, i32
  }
  func.func @transform_4(%arg0: i32) -> (i32, i32) {
    %c0_i32 = arith.constant 0 : i32
    %c0_i32_0 = arith.constant 0 : i32
    %c0_i32_1 = arith.constant 0 : i32
    return %c0_i32, %c0_i32_0 : i32, i32
  }
  func.func @transform_5(%arg0: i32) -> (i32, i32) {
    %c0_i32 = arith.constant 0 : i32
    %c0_i32_0 = arith.constant 0 : i32
    %c0_i32_1 = arith.constant 0 : i32
    return %c0_i32, %c0_i32_0 : i32, i32
  }
  func.func @transform_6(%arg0: i32) -> (i32, i32) {
    %c0_i32 = arith.constant 0 : i32
    %c0_i32_0 = arith.constant 0 : i32
    return %arg0, %c0_i32 : i32, i32
  }
  func.func @transform_7(%arg0: i32) -> (i32, i32) {
    %c0_i32 = arith.constant 0 : i32
    %c0_i32_0 = arith.constant 0 : i32
    return %arg0, %c0_i32 : i32, i32
  }
  func.func @transform_8(%arg0: i32) -> (i32, i32) {
    %c0_i32 = arith.constant 0 : i32
    %c0_i32_0 = arith.constant 0 : i32
    return %arg0, %c0_i32 : i32, i32
  }
}

module attributes {stable_mosaic.version = 14 : i64} {
  func.func @_layer_post_body(%arg0: memref<1024x128xf32, #tpu.memory_space<vmem>>, %arg1: memref<1024x1152xf32, #tpu.memory_space<vmem>>, %arg2: memref<1024x128xf32, #tpu.memory_space<vmem>>, %arg3: memref<1024x128xf32, #tpu.memory_space<vmem>>, %arg4: memref<128x128xf32, #tpu.memory_space<vmem>>, %arg5: memref<128x128xf32, #tpu.memory_space<vmem>>, %arg6: memref<128x256xf32, #tpu.memory_space<vmem>>, %arg7: memref<128x128xf32, #tpu.memory_space<vmem>>, %arg8: memref<128x288xf32, #tpu.memory_space<vmem>>, %arg9: memref<1024x128xf32, #tpu.memory_space<vmem>>, %arg10: memref<1024x256xbf16, #tpu.memory_space<vmem>>, %arg11: memref<1024x256xbf16, #tpu.memory_space<vmem>>, %arg12: memref<1024x288xf32, #tpu.memory_space<vmem>>) attributes {dimension_semantics = [], scalar_prefetch = 0 : i64, scratch_operands = 0 : i64, tpu.core_type = #tpu.core_type<tc>} {
    %get3A = arith.constant 0 : index
    %get3A_0 = arith.constant 0 : index
    %get3A_1 = vector.load %arg2[%get3A, %get3A_0] : memref<1024x128xf32, #tpu.memory_space<vmem>>, vector<1024x128xf32>
    %get3A_2 = arith.constant 0 : index
    %get3A_3 = arith.constant 0 : index
    %get3A_4 = vector.load %arg3[%get3A_2, %get3A_3] : memref<1024x128xf32, #tpu.memory_space<vmem>>, vector<1024x128xf32>
    %add3A = arith.addf %get3A_1, %get3A_4 : vector<1024x128xf32>
    %get3A_5 = arith.constant 0 : index
    %get3A_6 = arith.constant 0 : index
    %get3A_7 = vector.load %arg4[%get3A_5, %get3A_6] : memref<128x128xf32, #tpu.memory_space<vmem>>, vector<128x128xf32>
    %convert_element_type3A = arith.truncf %add3A : vector<1024x128xf32> to vector<1024x128xbf16>
    %convert_element_type3A_8 = arith.truncf %get3A_7 : vector<128x128xf32> to vector<128x128xbf16>
    %dot_general3A = arith.constant dense<0.000000e+00> : vector<1024x128xf32>
    %dot_general3A_9 = tpu.matmul %convert_element_type3A, %convert_element_type3A_8, %dot_general3A {dimension_numbers = #tpu.dot_dimension_numbers<[1], [0], [0], [1], [0, 0, 1, 1], [], []>, transpose_lhs_hint = false} : vector<1024x128xbf16>, vector<128x128xbf16>, vector<1024x128xf32> -> vector<1024x128xf32>
    %neg3A = arith.constant 0.000000e+00 : f32
    %neg3A_10 = vector.broadcast %neg3A : f32 to vector<1024x128xf32>
    %neg3A_11 = arith.subf %neg3A_10, %dot_general3A_9 : vector<1024x128xf32>
    %exp3A = math.exp %neg3A_11 : vector<1024x128xf32>
    %add3A_12 = arith.constant 1.000000e+00 : f32
    %add3A_13 = vector.broadcast %add3A_12 : f32 to vector<1024x128xf32>
    %add3A_14 = arith.addf %add3A_13, %exp3A : vector<1024x128xf32>
    %div3A = arith.constant 1.000000e+00 : f32
    %div3A_15 = vector.broadcast %div3A : f32 to vector<1024x128xf32>
    %div3A_16 = arith.divf %div3A_15, %add3A_14 : vector<1024x128xf32>
    %mul3A = arith.mulf %dot_general3A_9, %div3A_16 : vector<1024x128xf32>
    %get3A_17 = arith.constant 0 : index
    %get3A_18 = arith.constant 0 : index
    %get3A_19 = vector.load %arg0[%get3A_17, %get3A_18] : memref<1024x128xf32, #tpu.memory_space<vmem>>, vector<1024x128xf32>
    %get3A_20 = arith.constant 0 : index
    %get3A_21 = arith.constant 0 : index
    %get3A_22 = vector.load %arg5[%get3A_20, %get3A_21] : memref<128x128xf32, #tpu.memory_space<vmem>>, vector<128x128xf32>
    %convert_element_type3A_23 = arith.truncf %mul3A : vector<1024x128xf32> to vector<1024x128xbf16>
    %convert_element_type3A_24 = arith.truncf %get3A_22 : vector<128x128xf32> to vector<128x128xbf16>
    %dot_general3A_25 = arith.constant dense<0.000000e+00> : vector<1024x128xf32>
    %dot_general3A_26 = tpu.matmul %convert_element_type3A_23, %convert_element_type3A_24, %dot_general3A_25 {dimension_numbers = #tpu.dot_dimension_numbers<[1], [0], [0], [1], [0, 0, 1, 1], [], []>, transpose_lhs_hint = false} : vector<1024x128xbf16>, vector<128x128xbf16>, vector<1024x128xf32> -> vector<1024x128xf32>
    %add3A_27 = arith.addf %get3A_19, %dot_general3A_26 : vector<1024x128xf32>
    %swap3A = arith.constant 0 : index
    %swap3A_28 = arith.constant 0 : index
    %swap3A_29 = vector.load %arg9[%swap3A, %swap3A_28] : memref<1024x128xf32, #tpu.memory_space<vmem>>, vector<1024x128xf32>
    tpu.vector_store %arg9[%swap3A, %swap3A_28], %add3A_27 {strides = array<i32>} : memref<1024x128xf32, #tpu.memory_space<vmem>>, vector<1024x128xf32>,
    %get3A_30 = arith.constant 0 : index
    %get3A_31 = arith.constant 0 : index
    %get3A_32 = vector.load %arg6[%get3A_30, %get3A_31] : memref<128x256xf32, #tpu.memory_space<vmem>>, vector<128x256xf32>
    %convert_element_type3A_33 = arith.truncf %add3A_27 : vector<1024x128xf32> to vector<1024x128xbf16>
    %convert_element_type3A_34 = arith.truncf %get3A_32 : vector<128x256xf32> to vector<128x256xbf16>
    %dot_general3A_35 = arith.constant dense<0.000000e+00> : vector<1024x256xf32>
    %dot_general3A_36 = tpu.matmul %convert_element_type3A_33, %convert_element_type3A_34, %dot_general3A_35 {dimension_numbers = #tpu.dot_dimension_numbers<[1], [0], [0], [1], [0, 0, 1, 1], [], []>, transpose_lhs_hint = false} : vector<1024x128xbf16>, vector<128x256xbf16>, vector<1024x256xf32> -> vector<1024x256xf32>
    %convert_element_type3A_37 = arith.truncf %dot_general3A_36 : vector<1024x256xf32> to vector<1024x256xbf16>
    %convert_element_type3A_38 = arith.extf %convert_element_type3A_37 : vector<1024x256xbf16> to vector<1024x256xf32>
    %sub3A = arith.subf %dot_general3A_36, %convert_element_type3A_38 : vector<1024x256xf32>
    %convert_element_type3A_39 = arith.truncf %sub3A : vector<1024x256xf32> to vector<1024x256xbf16>
    %swap3A_40 = arith.constant 0 : index
    %swap3A_41 = arith.constant 0 : index
    %swap3A_42 = vector.load %arg10[%swap3A_40, %swap3A_41] : memref<1024x256xbf16, #tpu.memory_space<vmem>>, vector<1024x256xbf16>
    tpu.vector_store %arg10[%swap3A_40, %swap3A_41], %convert_element_type3A_37 {strides = array<i32>} : memref<1024x256xbf16, #tpu.memory_space<vmem>>, vector<1024x256xbf16>,
    %swap3A_43 = arith.constant 0 : index
    %swap3A_44 = arith.constant 0 : index
    %swap3A_45 = vector.load %arg11[%swap3A_43, %swap3A_44] : memref<1024x256xbf16, #tpu.memory_space<vmem>>, vector<1024x256xbf16>
    tpu.vector_store %arg11[%swap3A_43, %swap3A_44], %convert_element_type3A_39 {strides = array<i32>} : memref<1024x256xbf16, #tpu.memory_space<vmem>>, vector<1024x256xbf16>,
    %get3A_46 = arith.constant 0 : index
    %get3A_47 = arith.constant 0 : index
    %get3A_48 = vector.load %arg7[%get3A_46, %get3A_47] : memref<128x128xf32, #tpu.memory_space<vmem>>, vector<128x128xf32>
    %convert_element_type3A_49 = arith.truncf %add3A_27 : vector<1024x128xf32> to vector<1024x128xbf16>
    %convert_element_type3A_50 = arith.truncf %get3A_48 : vector<128x128xf32> to vector<128x128xbf16>
    %dot_general3A_51 = arith.constant dense<0.000000e+00> : vector<1024x128xf32>
    %dot_general3A_52 = tpu.matmul %convert_element_type3A_49, %convert_element_type3A_50, %dot_general3A_51 {dimension_numbers = #tpu.dot_dimension_numbers<[1], [0], [0], [1], [0, 0, 1, 1], [], []>, transpose_lhs_hint = false} : vector<1024x128xbf16>, vector<128x128xbf16>, vector<1024x128xf32> -> vector<1024x128xf32>
    %neg3A_53 = arith.constant 0.000000e+00 : f32
    %neg3A_54 = vector.broadcast %neg3A_53 : f32 to vector<1024x128xf32>
    %neg3A_55 = arith.subf %neg3A_54, %dot_general3A_52 : vector<1024x128xf32>
    %exp3A_56 = math.exp %neg3A_55 : vector<1024x128xf32>
    %add3A_57 = arith.constant 1.000000e+00 : f32
    %add3A_58 = vector.broadcast %add3A_57 : f32 to vector<1024x128xf32>
    %add3A_59 = arith.addf %add3A_58, %exp3A_56 : vector<1024x128xf32>
    %div3A_60 = arith.constant 1.000000e+00 : f32
    %div3A_61 = vector.broadcast %div3A_60 : f32 to vector<1024x128xf32>
    %div3A_62 = arith.divf %div3A_61, %add3A_59 : vector<1024x128xf32>
    %mul3A_63 = arith.mulf %dot_general3A_52, %div3A_62 : vector<1024x128xf32>
    %get3A_64 = arith.constant 0 : index
    %get3A_65 = arith.constant 0 : index
    %get3A_66 = vector.load %arg8[%get3A_64, %get3A_65] : memref<128x288xf32, #tpu.memory_space<vmem>>, vector<128x288xf32>
    %convert_element_type3A_67 = arith.truncf %mul3A_63 : vector<1024x128xf32> to vector<1024x128xbf16>
    %convert_element_type3A_68 = arith.truncf %get3A_66 : vector<128x288xf32> to vector<128x288xbf16>
    %dot_general3A_69 = arith.constant dense<0.000000e+00> : vector<1024x288xf32>
    %dot_general3A_70 = tpu.matmul %convert_element_type3A_67, %convert_element_type3A_68, %dot_general3A_69 {dimension_numbers = #tpu.dot_dimension_numbers<[1], [0], [0], [1], [0, 0, 1, 1], [], []>, transpose_lhs_hint = false} : vector<1024x128xbf16>, vector<128x288xbf16>, vector<1024x288xf32> -> vector<1024x288xf32>
    %swap3A_71 = arith.constant 0 : index
    %swap3A_72 = arith.constant 0 : index
    %swap3A_73 = vector.load %arg12[%swap3A_71, %swap3A_72] : memref<1024x288xf32, #tpu.memory_space<vmem>>, vector<1024x288xf32>
    tpu.vector_store %arg12[%swap3A_71, %swap3A_72], %dot_general3A_70 {strides = array<i32>} : memref<1024x288xf32, #tpu.memory_space<vmem>>, vector<1024x288xf32>,
    return
  }
}

module attributes {stable_mosaic.version = 14 : i64} {
  func.func @_edge_he_body(%arg0: i32, %arg1: memref<1x1x2048xi32, #tpu.memory_space<vmem>>, %arg2: memref<1x1x2048xi32, #tpu.memory_space<vmem>>, %arg3: memref<2048x256xf32, #tpu.memory_space<vmem>>, %arg4: memref<2048x16xf32, #tpu.memory_space<vmem>>, %arg5: memref<2048x288xf32, #tpu.memory_space<vmem>>, %arg6: memref<1024x256xbf16, #tpu.memory_space<vmem>>, %arg7: memref<1024x256xbf16, #tpu.memory_space<vmem>>, %arg8: memref<128x288xf32, #tpu.memory_space<vmem>>, %arg9: memref<128x288xf32, #tpu.memory_space<vmem>>, %arg10: memref<288x256xf32, #tpu.memory_space<vmem>>, %arg11: memref<2048x256xf32, #tpu.memory_space<vmem>>, %arg12: memref<1024x288xf32, #tpu.memory_space<vmem>>) attributes {dimension_semantics = [#tpu.dimension_semantics<arbitrary>], iteration_bounds = array<i64: 32>, scalar_prefetch = 0 : i64, scratch_operands = 0 : i64, tpu.core_type = #tpu.core_type<tc>, window_params = [{transform_indices = @transform_0, window_bounds = array<i64: 1, 1, 2048>}, {transform_indices = @transform_1, window_bounds = array<i64: 1, 1, 2048>}, {transform_indices = @transform_2, window_bounds = array<i64: 2048, 256>}, {transform_indices = @transform_3, window_bounds = array<i64: 2048, 16>}, {transform_indices = @transform_4, window_bounds = array<i64: 2048, 288>}, {pipeline_mode = #tpu.pipeline_mode<synchronous>, transform_indices = @transform_5, window_bounds = array<i64: 1024, 256>}, {pipeline_mode = #tpu.pipeline_mode<synchronous>, transform_indices = @transform_6, window_bounds = array<i64: 1024, 256>}, {pipeline_mode = #tpu.pipeline_mode<synchronous>, transform_indices = @transform_7, window_bounds = array<i64: 128, 288>}, {pipeline_mode = #tpu.pipeline_mode<synchronous>, transform_indices = @transform_8, window_bounds = array<i64: 128, 288>}, {pipeline_mode = #tpu.pipeline_mode<synchronous>, transform_indices = @transform_9, window_bounds = array<i64: 288, 256>}, {transform_indices = @transform_10, window_bounds = array<i64: 2048, 256>}, {pipeline_mode = #tpu.pipeline_mode<synchronous>, transform_indices = @transform_11, window_bounds = array<i64: 1024, 288>}]} {
    %get3A = arith.constant 0 : index
    %get3A_0 = arith.constant 0 : index
    %get3A_1 = arith.constant 0 : index
    %get3A_2 = vector.load %arg1[%get3A, %get3A_0, %get3A_1] : memref<1x1x2048xi32, #tpu.memory_space<vmem>>, vector<1x1x2048xi32>
    %get3A_3 = vector.shape_cast %get3A_2 : vector<1x1x2048xi32> to vector<1x2048xi32>
    %iota3A = tpu.iota {dimensions = array<i32: 0>} : vector<1024x2048xi32>
    %eq3A = vector.broadcast %get3A_3 : vector<1x2048xi32> to vector<1024x2048xi32>
    %eq3A_4 = arith.cmpi eq, %iota3A, %eq3A : vector<1024x2048xi32>
    %convert_element_type3A = arith.extui %eq3A_4 : vector<1024x2048xi1> to vector<1024x2048xi32>
    %convert_element_type3A_5 = arith.sitofp %convert_element_type3A : vector<1024x2048xi32> to vector<1024x2048xf32>
    %convert_element_type3A_6 = arith.truncf %convert_element_type3A_5 : vector<1024x2048xf32> to vector<1024x2048xbf16>
    %get3A_7 = arith.constant 0 : index
    %get3A_8 = arith.constant 0 : index
    %get3A_9 = arith.constant 0 : index
    %get3A_10 = vector.load %arg2[%get3A_7, %get3A_8, %get3A_9] : memref<1x1x2048xi32, #tpu.memory_space<vmem>>, vector<1x1x2048xi32>
    %get3A_11 = vector.shape_cast %get3A_10 : vector<1x1x2048xi32> to vector<1x2048xi32>
    %iota3A_12 = tpu.iota {dimensions = array<i32: 0>} : vector<1024x2048xi32>
    %eq3A_13 = vector.broadcast %get3A_11 : vector<1x2048xi32> to vector<1024x2048xi32>
    %eq3A_14 = arith.cmpi eq, %iota3A_12, %eq3A_13 : vector<1024x2048xi32>
    %convert_element_type3A_15 = arith.extui %eq3A_14 : vector<1024x2048xi1> to vector<1024x2048xi32>
    %convert_element_type3A_16 = arith.sitofp %convert_element_type3A_15 : vector<1024x2048xi32> to vector<1024x2048xf32>
    %convert_element_type3A_17 = arith.truncf %convert_element_type3A_16 : vector<1024x2048xf32> to vector<1024x2048xbf16>
    %get3A_18 = arith.constant 0 : index
    %get3A_19 = arith.constant 0 : index
    %get3A_20 = vector.load %arg6[%get3A_18, %get3A_19] : memref<1024x256xbf16, #tpu.memory_space<vmem>>, vector<1024x256xbf16>
    %dot_general3A = arith.constant dense<0.000000e+00> : vector<2048x256xf32>
    %dot_general3A_21 = tpu.matmul %convert_element_type3A_6, %get3A_20, %dot_general3A {dimension_numbers = #tpu.dot_dimension_numbers<[0], [0], [1], [1], [0, 1, 1, 1], [], []>, transpose_lhs_hint = false} : vector<1024x2048xbf16>, vector<1024x256xbf16>, vector<2048x256xf32> -> vector<2048x256xf32>
    %get3A_22 = arith.constant 0 : index
    %get3A_23 = arith.constant 0 : index
    %get3A_24 = vector.load %arg7[%get3A_22, %get3A_23] : memref<1024x256xbf16, #tpu.memory_space<vmem>>, vector<1024x256xbf16>
    %dot_general3A_25 = arith.constant dense<0.000000e+00> : vector<2048x256xf32>
    %dot_general3A_26 = tpu.matmul %convert_element_type3A_17, %get3A_24, %dot_general3A_25 {dimension_numbers = #tpu.dot_dimension_numbers<[0], [0], [1], [1], [0, 1, 1, 1], [], []>, transpose_lhs_hint = false} : vector<1024x2048xbf16>, vector<1024x256xbf16>, vector<2048x256xf32> -> vector<2048x256xf32>
    %get3A_27 = arith.constant 0 : index
    %get3A_28 = arith.constant 0 : index
    %get3A_29 = vector.load %arg3[%get3A_27, %get3A_28] : memref<2048x256xf32, #tpu.memory_space<vmem>>, vector<2048x256xf32>
    %slice3A = vector.extract_strided_slice %dot_general3A_21 {offsets = [0, 0], sizes = [2048, 128], strides = [1, 1]} : vector<2048x256xf32> to vector<2048x128xf32>
    %slice3A_30 = vector.extract_strided_slice %dot_general3A_26 {offsets = [0, 0], sizes = [2048, 128], strides = [1, 1]} : vector<2048x256xf32> to vector<2048x128xf32>
    %add3A = arith.addf %slice3A, %slice3A_30 : vector<2048x128xf32>
    %slice3A_31 = vector.extract_strided_slice %get3A_29 {offsets = [0, 0], sizes = [2048, 128], strides = [1, 1]} : vector<2048x256xf32> to vector<2048x128xf32>
    %add3A_32 = arith.addf %add3A, %slice3A_31 : vector<2048x128xf32>
    %slice3A_33 = vector.extract_strided_slice %dot_general3A_21 {offsets = [0, 128], sizes = [2048, 128], strides = [1, 1]} : vector<2048x256xf32> to vector<2048x128xf32>
    %slice3A_34 = vector.extract_strided_slice %dot_general3A_26 {offsets = [0, 128], sizes = [2048, 128], strides = [1, 1]} : vector<2048x256xf32> to vector<2048x128xf32>
    %add3A_35 = arith.addf %slice3A_33, %slice3A_34 : vector<2048x128xf32>
    %slice3A_36 = vector.extract_strided_slice %get3A_29 {offsets = [0, 128], sizes = [2048, 128], strides = [1, 1]} : vector<2048x256xf32> to vector<2048x128xf32>
    %add3A_37 = arith.addf %add3A_35, %slice3A_36 : vector<2048x128xf32>
    %neg3A = arith.constant 0.000000e+00 : f32
    %neg3A_38 = vector.broadcast %neg3A : f32 to vector<2048x128xf32>
    %neg3A_39 = arith.subf %neg3A_38, %add3A_32 : vector<2048x128xf32>
    %exp3A = math.exp %neg3A_39 : vector<2048x128xf32>
    %add3A_40 = arith.constant 1.000000e+00 : f32
    %add3A_41 = vector.broadcast %add3A_40 : f32 to vector<2048x128xf32>
    %add3A_42 = arith.addf %add3A_41, %exp3A : vector<2048x128xf32>
    %div3A = arith.constant 1.000000e+00 : f32
    %div3A_43 = vector.broadcast %div3A : f32 to vector<2048x128xf32>
    %div3A_44 = arith.divf %div3A_43, %add3A_42 : vector<2048x128xf32>
    %mul3A = arith.mulf %add3A_32, %div3A_44 : vector<2048x128xf32>
    %get3A_45 = arith.constant 0 : index
    %get3A_46 = arith.constant 0 : index
    %get3A_47 = vector.load %arg8[%get3A_45, %get3A_46] : memref<128x288xf32, #tpu.memory_space<vmem>>, vector<128x288xf32>
    %convert_element_type3A_48 = arith.truncf %mul3A : vector<2048x128xf32> to vector<2048x128xbf16>
    %convert_element_type3A_49 = arith.truncf %get3A_47 : vector<128x288xf32> to vector<128x288xbf16>
    %dot_general3A_50 = arith.constant dense<0.000000e+00> : vector<2048x288xf32>
    %dot_general3A_51 = tpu.matmul %convert_element_type3A_48, %convert_element_type3A_49, %dot_general3A_50 {dimension_numbers = #tpu.dot_dimension_numbers<[1], [0], [0], [1], [0, 0, 1, 1], [], []>, transpose_lhs_hint = false} : vector<2048x128xbf16>, vector<128x288xbf16>, vector<2048x288xf32> -> vector<2048x288xf32>
    %neg3A_52 = arith.constant 0.000000e+00 : f32
    %neg3A_53 = vector.broadcast %neg3A_52 : f32 to vector<2048x128xf32>
    %neg3A_54 = arith.subf %neg3A_53, %add3A_37 : vector<2048x128xf32>
    %exp3A_55 = math.exp %neg3A_54 : vector<2048x128xf32>
    %add3A_56 = arith.constant 1.000000e+00 : f32
    %add3A_57 = vector.broadcast %add3A_56 : f32 to vector<2048x128xf32>
    %add3A_58 = arith.addf %add3A_57, %exp3A_55 : vector<2048x128xf32>
    %div3A_59 = arith.constant 1.000000e+00 : f32
    %div3A_60 = vector.broadcast %div3A_59 : f32 to vector<2048x128xf32>
    %div3A_61 = arith.divf %div3A_60, %add3A_58 : vector<2048x128xf32>
    %mul3A_62 = arith.mulf %add3A_37, %div3A_61 : vector<2048x128xf32>
    %get3A_63 = arith.constant 0 : index
    %get3A_64 = arith.constant 0 : index
    %get3A_65 = vector.load %arg9[%get3A_63, %get3A_64] : memref<128x288xf32, #tpu.memory_space<vmem>>, vector<128x288xf32>
    %convert_element_type3A_66 = arith.truncf %mul3A_62 : vector<2048x128xf32> to vector<2048x128xbf16>
    %convert_element_type3A_67 = arith.truncf %get3A_65 : vector<128x288xf32> to vector<128x288xbf16>
    %dot_general3A_68 = arith.constant dense<0.000000e+00> : vector<2048x288xf32>
    %dot_general3A_69 = tpu.matmul %convert_element_type3A_66, %convert_element_type3A_67, %dot_general3A_68 {dimension_numbers = #tpu.dot_dimension_numbers<[1], [0], [0], [1], [0, 0, 1, 1], [], []>, transpose_lhs_hint = false} : vector<2048x128xbf16>, vector<128x288xbf16>, vector<2048x288xf32> -> vector<2048x288xf32>
    %add3A_70 = arith.addf %dot_general3A_51, %dot_general3A_69 : vector<2048x288xf32>
    %get3A_71 = arith.constant 0 : index
    %get3A_72 = arith.constant 0 : index
    %get3A_73 = vector.load %arg4[%get3A_71, %get3A_72] : memref<2048x16xf32, #tpu.memory_space<vmem>>, vector<2048x16xf32>
    %slice3A_74 = vector.extract_strided_slice %add3A_70 {offsets = [0, 0], sizes = [2048, 32], strides = [1, 1]} : vector<2048x288xf32> to vector<2048x32xf32>
    %slice3A_75 = vector.extract_strided_slice %get3A_73 {offsets = [0, 0], sizes = [2048, 1], strides = [1, 1]} : vector<2048x16xf32> to vector<2048x1xf32>
    %mul3A_76 = vector.broadcast %slice3A_75 : vector<2048x1xf32> to vector<2048x32xf32>
    %mul3A_77 = arith.mulf %slice3A_74, %mul3A_76 : vector<2048x32xf32>
    %slice3A_78 = vector.extract_strided_slice %add3A_70 {offsets = [0, 32], sizes = [2048, 32], strides = [1, 1]} : vector<2048x288xf32> to vector<2048x32xf32>
    %slice3A_79 = vector.extract_strided_slice %get3A_73 {offsets = [0, 1], sizes = [2048, 1], strides = [1, 1]} : vector<2048x16xf32> to vector<2048x1xf32>
    %mul3A_80 = vector.broadcast %slice3A_79 : vector<2048x1xf32> to vector<2048x32xf32>
    %mul3A_81 = arith.mulf %slice3A_78, %mul3A_80 : vector<2048x32xf32>
    %slice3A_82 = vector.extract_strided_slice %add3A_70 {offsets = [0, 64], sizes = [2048, 32], strides = [1, 1]} : vector<2048x288xf32> to vector<2048x32xf32>
    %slice3A_83 = vector.extract_strided_slice %get3A_73 {offsets = [0, 2], sizes = [2048, 1], strides = [1, 1]} : vector<2048x16xf32> to vector<2048x1xf32>
    %mul3A_84 = vector.broadcast %slice3A_83 : vector<2048x1xf32> to vector<2048x32xf32>
    %mul3A_85 = arith.mulf %slice3A_82, %mul3A_84 : vector<2048x32xf32>
    %slice3A_86 = vector.extract_strided_slice %add3A_70 {offsets = [0, 96], sizes = [2048, 32], strides = [1, 1]} : vector<2048x288xf32> to vector<2048x32xf32>
    %slice3A_87 = vector.extract_strided_slice %get3A_73 {offsets = [0, 3], sizes = [2048, 1], strides = [1, 1]} : vector<2048x16xf32> to vector<2048x1xf32>
    %mul3A_88 = vector.broadcast %slice3A_87 : vector<2048x1xf32> to vector<2048x32xf32>
    %mul3A_89 = arith.mulf %slice3A_86, %mul3A_88 : vector<2048x32xf32>
    %slice3A_90 = vector.extract_strided_slice %add3A_70 {offsets = [0, 128], sizes = [2048, 32], strides = [1, 1]} : vector<2048x288xf32> to vector<2048x32xf32>
    %slice3A_91 = vector.extract_strided_slice %get3A_73 {offsets = [0, 4], sizes = [2048, 1], strides = [1, 1]} : vector<2048x16xf32> to vector<2048x1xf32>
    %mul3A_92 = vector.broadcast %slice3A_91 : vector<2048x1xf32> to vector<2048x32xf32>
    %mul3A_93 = arith.mulf %slice3A_90, %mul3A_92 : vector<2048x32xf32>
    %slice3A_94 = vector.extract_strided_slice %add3A_70 {offsets = [0, 160], sizes = [2048, 32], strides = [1, 1]} : vector<2048x288xf32> to vector<2048x32xf32>
    %slice3A_95 = vector.extract_strided_slice %get3A_73 {offsets = [0, 5], sizes = [2048, 1], strides = [1, 1]} : vector<2048x16xf32> to vector<2048x1xf32>
    %mul3A_96 = vector.broadcast %slice3A_95 : vector<2048x1xf32> to vector<2048x32xf32>
    %mul3A_97 = arith.mulf %slice3A_94, %mul3A_96 : vector<2048x32xf32>
    %slice3A_98 = vector.extract_strided_slice %add3A_70 {offsets = [0, 192], sizes = [2048, 32], strides = [1, 1]} : vector<2048x288xf32> to vector<2048x32xf32>
    %slice3A_99 = vector.extract_strided_slice %get3A_73 {offsets = [0, 6], sizes = [2048, 1], strides = [1, 1]} : vector<2048x16xf32> to vector<2048x1xf32>
    %mul3A_100 = vector.broadcast %slice3A_99 : vector<2048x1xf32> to vector<2048x32xf32>
    %mul3A_101 = arith.mulf %slice3A_98, %mul3A_100 : vector<2048x32xf32>
    %slice3A_102 = vector.extract_strided_slice %add3A_70 {offsets = [0, 224], sizes = [2048, 32], strides = [1, 1]} : vector<2048x288xf32> to vector<2048x32xf32>
    %slice3A_103 = vector.extract_strided_slice %get3A_73 {offsets = [0, 7], sizes = [2048, 1], strides = [1, 1]} : vector<2048x16xf32> to vector<2048x1xf32>
    %mul3A_104 = vector.broadcast %slice3A_103 : vector<2048x1xf32> to vector<2048x32xf32>
    %mul3A_105 = arith.mulf %slice3A_102, %mul3A_104 : vector<2048x32xf32>
    %slice3A_106 = vector.extract_strided_slice %add3A_70 {offsets = [0, 256], sizes = [2048, 32], strides = [1, 1]} : vector<2048x288xf32> to vector<2048x32xf32>
    %slice3A_107 = vector.extract_strided_slice %get3A_73 {offsets = [0, 8], sizes = [2048, 1], strides = [1, 1]} : vector<2048x16xf32> to vector<2048x1xf32>
    %mul3A_108 = vector.broadcast %slice3A_107 : vector<2048x1xf32> to vector<2048x32xf32>
    %mul3A_109 = arith.mulf %slice3A_106, %mul3A_108 : vector<2048x32xf32>
    %concatenate3A = tpu.concatenate %mul3A_77, %mul3A_81, %mul3A_85, %mul3A_89, %mul3A_93, %mul3A_97, %mul3A_101, %mul3A_105, %mul3A_109 in 1 : vector<2048x32xf32>, vector<2048x32xf32>, vector<2048x32xf32>, vector<2048x32xf32>, vector<2048x32xf32>, vector<2048x32xf32>, vector<2048x32xf32>, vector<2048x32xf32>, vector<2048x32xf32> -> vector<2048x288xf32>
    %get3A_110 = arith.constant 0 : index
    %get3A_111 = arith.constant 0 : index
    %get3A_112 = vector.load %arg5[%get3A_110, %get3A_111] : memref<2048x288xf32, #tpu.memory_space<vmem>>, vector<2048x288xf32>
    %mul3A_113 = arith.mulf %concatenate3A, %get3A_112 : vector<2048x288xf32>
    %get3A_114 = arith.constant 0 : index
    %get3A_115 = arith.constant 0 : index
    %get3A_116 = vector.load %arg10[%get3A_114, %get3A_115] : memref<288x256xf32, #tpu.memory_space<vmem>>, vector<288x256xf32>
    %convert_element_type3A_117 = arith.truncf %mul3A_113 : vector<2048x288xf32> to vector<2048x288xbf16>
    %convert_element_type3A_118 = arith.truncf %get3A_116 : vector<288x256xf32> to vector<288x256xbf16>
    %dot_general3A_119 = arith.constant dense<0.000000e+00> : vector<2048x256xf32>
    %dot_general3A_120 = tpu.matmul %convert_element_type3A_117, %convert_element_type3A_118, %dot_general3A_119 {dimension_numbers = #tpu.dot_dimension_numbers<[1], [0], [0], [1], [0, 0, 1, 1], [], []>, transpose_lhs_hint = false} : vector<2048x288xbf16>, vector<288x256xbf16>, vector<2048x256xf32> -> vector<2048x256xf32>
    %swap3A = arith.constant 0 : index
    %swap3A_121 = arith.constant 0 : index
    %swap3A_122 = vector.load %arg11[%swap3A, %swap3A_121] : memref<2048x256xf32, #tpu.memory_space<vmem>>, vector<2048x256xf32>
    tpu.vector_store %arg11[%swap3A, %swap3A_121], %dot_general3A_120 {strides = array<i32>} : memref<2048x256xf32, #tpu.memory_space<vmem>>, vector<2048x256xf32>,
    %eq3A_123 = arith.constant 0 : i32
    %eq3A_124 = arith.cmpi eq, %arg0, %eq3A_123 : i32
    %convert_element_type3A_125 = arith.extui %eq3A_124 : i1 to i32
    %cond3A = arith.constant 0 : i32
    %cond3A_126 = arith.cmpi ne, %convert_element_type3A_125, %cond3A : i32
    scf.if %cond3A_126 {
      %broadcast_in_dim3A = arith.constant 0.000000e+00 : f32
      %broadcast_in_dim3A_137 = vector.broadcast %broadcast_in_dim3A : f32 to vector<1024x288xf32>
      %swap3A_138 = arith.constant 0 : index
      %swap3A_139 = arith.constant 0 : index
      %swap3A_140 = vector.load %arg12[%swap3A_138, %swap3A_139] : memref<1024x288xf32, #tpu.memory_space<vmem>>, vector<1024x288xf32>
      tpu.vector_store %arg12[%swap3A_138, %swap3A_139], %broadcast_in_dim3A_137 {strides = array<i32>} : memref<1024x288xf32, #tpu.memory_space<vmem>>, vector<1024x288xf32>,
    } else {
    }
    %get3A_127 = arith.constant 0 : index
    %get3A_128 = arith.constant 0 : index
    %get3A_129 = vector.load %arg12[%get3A_127, %get3A_128] : memref<1024x288xf32, #tpu.memory_space<vmem>>, vector<1024x288xf32>
    %convert_element_type3A_130 = arith.truncf %concatenate3A : vector<2048x288xf32> to vector<2048x288xbf16>
    %dot_general3A_131 = arith.constant dense<0.000000e+00> : vector<1024x288xf32>
    %dot_general3A_132 = tpu.matmul %convert_element_type3A_17, %convert_element_type3A_130, %dot_general3A_131 {dimension_numbers = #tpu.dot_dimension_numbers<[1], [0], [0], [1], [0, 0, 1, 1], [], []>, transpose_lhs_hint = false} : vector<1024x2048xbf16>, vector<2048x288xbf16>, vector<1024x288xf32> -> vector<1024x288xf32>
    %add3A_133 = arith.addf %get3A_129, %dot_general3A_132 : vector<1024x288xf32>
    %swap3A_134 = arith.constant 0 : index
    %swap3A_135 = arith.constant 0 : index
    %swap3A_136 = vector.load %arg12[%swap3A_134, %swap3A_135] : memref<1024x288xf32, #tpu.memory_space<vmem>>, vector<1024x288xf32>
    tpu.vector_store %arg12[%swap3A_134, %swap3A_135], %add3A_133 {strides = array<i32>} : memref<1024x288xf32, #tpu.memory_space<vmem>>, vector<1024x288xf32>,
    return
  }
  func.func @transform_0(%arg0: i32) -> (i32, i32, i32) {
    %c0_i32 = arith.constant 0 : i32
    %c0_i32_0 = arith.constant 0 : i32
    %c0_i32_1 = arith.constant 0 : i32
    return %arg0, %c0_i32, %c0_i32_0 : i32, i32, i32
  }
  func.func @transform_1(%arg0: i32) -> (i32, i32, i32) {
    %c0_i32 = arith.constant 0 : i32
    %c0_i32_0 = arith.constant 0 : i32
    %c0_i32_1 = arith.constant 0 : i32
    return %arg0, %c0_i32, %c0_i32_0 : i32, i32, i32
  }
  func.func @transform_2(%arg0: i32) -> (i32, i32) {
    %c0_i32 = arith.constant 0 : i32
    %c0_i32_0 = arith.constant 0 : i32
    return %arg0, %c0_i32 : i32, i32
  }
  func.func @transform_3(%arg0: i32) -> (i32, i32) {
    %c0_i32 = arith.constant 0 : i32
    %c0_i32_0 = arith.constant 0 : i32
    return %arg0, %c0_i32 : i32, i32
  }
  func.func @transform_4(%arg0: i32) -> (i32, i32) {
    %c0_i32 = arith.constant 0 : i32
    %c0_i32_0 = arith.constant 0 : i32
    return %arg0, %c0_i32 : i32, i32
  }
  func.func @transform_5(%arg0: i32) -> (i32, i32) {
    %c0_i32 = arith.constant 0 : i32
    %c0_i32_0 = arith.constant 0 : i32
    %c0_i32_1 = arith.constant 0 : i32
    return %c0_i32, %c0_i32_0 : i32, i32
  }
  func.func @transform_6(%arg0: i32) -> (i32, i32) {
    %c0_i32 = arith.constant 0 : i32
    %c0_i32_0 = arith.constant 0 : i32
    %c0_i32_1 = arith.constant 0 : i32
    return %c0_i32, %c0_i32_0 : i32, i32
  }
  func.func @transform_7(%arg0: i32) -> (i32, i32) {
    %c0_i32 = arith.constant 0 : i32
    %c0_i32_0 = arith.constant 0 : i32
    %c0_i32_1 = arith.constant 0 : i32
    return %c0_i32, %c0_i32_0 : i32, i32
  }
  func.func @transform_8(%arg0: i32) -> (i32, i32) {
    %c0_i32 = arith.constant 0 : i32
    %c0_i32_0 = arith.constant 0 : i32
    %c0_i32_1 = arith.constant 0 : i32
    return %c0_i32, %c0_i32_0 : i32, i32
  }
  func.func @transform_9(%arg0: i32) -> (i32, i32) {
    %c0_i32 = arith.constant 0 : i32
    %c0_i32_0 = arith.constant 0 : i32
    %c0_i32_1 = arith.constant 0 : i32
    return %c0_i32, %c0_i32_0 : i32, i32
  }
  func.func @transform_10(%arg0: i32) -> (i32, i32) {
    %c0_i32 = arith.constant 0 : i32
    %c0_i32_0 = arith.constant 0 : i32
    return %arg0, %c0_i32 : i32, i32
  }
  func.func @transform_11(%arg0: i32) -> (i32, i32) {
    %c0_i32 = arith.constant 0 : i32
    %c0_i32_0 = arith.constant 0 : i32
    %c0_i32_1 = arith.constant 0 : i32
    return %c0_i32, %c0_i32_0 : i32, i32
  }
}

module attributes {stable_mosaic.version = 14 : i64} {
  func.func @_node_out_body(%arg0: memref<1024x128xf32, #tpu.memory_space<vmem>>, %arg1: memref<1024x288xf32, #tpu.memory_space<vmem>>, %arg2: memref<1024x288xf32, #tpu.memory_space<vmem>>, %arg3: memref<1024x288xf32, #tpu.memory_space<vmem>>, %arg4: memref<128x288xf32, #tpu.memory_space<vmem>>, %arg5: memref<288x256xf32, #tpu.memory_space<vmem>>, %arg6: memref<1024x256xf32, #tpu.memory_space<vmem>>) attributes {dimension_semantics = [], scalar_prefetch = 0 : i64, scratch_operands = 0 : i64, tpu.core_type = #tpu.core_type<tc>} {
    %get3A = arith.constant 0 : index
    %get3A_0 = arith.constant 0 : index
    %get3A_1 = vector.load %arg1[%get3A, %get3A_0] : memref<1024x288xf32, #tpu.memory_space<vmem>>, vector<1024x288xf32>
    %get3A_2 = arith.constant 0 : index
    %get3A_3 = arith.constant 0 : index
    %get3A_4 = vector.load %arg2[%get3A_2, %get3A_3] : memref<1024x288xf32, #tpu.memory_space<vmem>>, vector<1024x288xf32>
    %add3A = arith.addf %get3A_1, %get3A_4 : vector<1024x288xf32>
    %get3A_5 = arith.constant 0 : index
    %get3A_6 = arith.constant 0 : index
    %get3A_7 = vector.load %arg3[%get3A_5, %get3A_6] : memref<1024x288xf32, #tpu.memory_space<vmem>>, vector<1024x288xf32>
    %add3A_8 = arith.addf %add3A, %get3A_7 : vector<1024x288xf32>
    %get3A_9 = arith.constant 0 : index
    %get3A_10 = arith.constant 0 : index
    %get3A_11 = vector.load %arg0[%get3A_9, %get3A_10] : memref<1024x128xf32, #tpu.memory_space<vmem>>, vector<1024x128xf32>
    %get3A_12 = arith.constant 0 : index
    %get3A_13 = arith.constant 0 : index
    %get3A_14 = vector.load %arg4[%get3A_12, %get3A_13] : memref<128x288xf32, #tpu.memory_space<vmem>>, vector<128x288xf32>
    %convert_element_type3A = arith.truncf %get3A_11 : vector<1024x128xf32> to vector<1024x128xbf16>
    %convert_element_type3A_15 = arith.truncf %get3A_14 : vector<128x288xf32> to vector<128x288xbf16>
    %dot_general3A = arith.constant dense<0.000000e+00> : vector<1024x288xf32>
    %dot_general3A_16 = tpu.matmul %convert_element_type3A, %convert_element_type3A_15, %dot_general3A {dimension_numbers = #tpu.dot_dimension_numbers<[1], [0], [0], [1], [0, 0, 1, 1], [], []>, transpose_lhs_hint = false} : vector<1024x128xbf16>, vector<128x288xbf16>, vector<1024x288xf32> -> vector<1024x288xf32>
    %neg3A = arith.constant 0.000000e+00 : f32
    %neg3A_17 = vector.broadcast %neg3A : f32 to vector<1024x288xf32>
    %neg3A_18 = arith.subf %neg3A_17, %dot_general3A_16 : vector<1024x288xf32>
    %exp3A = math.exp %neg3A_18 : vector<1024x288xf32>
    %add3A_19 = arith.constant 1.000000e+00 : f32
    %add3A_20 = vector.broadcast %add3A_19 : f32 to vector<1024x288xf32>
    %add3A_21 = arith.addf %add3A_20, %exp3A : vector<1024x288xf32>
    %div3A = arith.constant 1.000000e+00 : f32
    %div3A_22 = vector.broadcast %div3A : f32 to vector<1024x288xf32>
    %div3A_23 = arith.divf %div3A_22, %add3A_21 : vector<1024x288xf32>
    %mul3A = arith.mulf %dot_general3A_16, %div3A_23 : vector<1024x288xf32>
    %mul3A_24 = arith.mulf %add3A_8, %mul3A : vector<1024x288xf32>
    %get3A_25 = arith.constant 0 : index
    %get3A_26 = arith.constant 0 : index
    %get3A_27 = vector.load %arg5[%get3A_25, %get3A_26] : memref<288x256xf32, #tpu.memory_space<vmem>>, vector<288x256xf32>
    %convert_element_type3A_28 = arith.truncf %mul3A_24 : vector<1024x288xf32> to vector<1024x288xbf16>
    %convert_element_type3A_29 = arith.truncf %get3A_27 : vector<288x256xf32> to vector<288x256xbf16>
    %dot_general3A_30 = arith.constant dense<0.000000e+00> : vector<1024x256xf32>
    %dot_general3A_31 = tpu.matmul %convert_element_type3A_28, %convert_element_type3A_29, %dot_general3A_30 {dimension_numbers = #tpu.dot_dimension_numbers<[1], [0], [0], [1], [0, 0, 1, 1], [], []>, transpose_lhs_hint = false} : vector<1024x288xbf16>, vector<288x256xbf16>, vector<1024x256xf32> -> vector<1024x256xf32>
    %swap3A = arith.constant 0 : index
    %swap3A_32 = arith.constant 0 : index
    %swap3A_33 = vector.load %arg6[%swap3A, %swap3A_32] : memref<1024x256xf32, #tpu.memory_space<vmem>>, vector<1024x256xf32>
    tpu.vector_store %arg6[%swap3A, %swap3A_32], %dot_general3A_31 {strides = array<i32>} : memref<1024x256xf32, #tpu.memory_space<vmem>>, vector<1024x256xf32>,
    return
  }
}

</mosaic_0001>

<sc_bundles>
// kernel: kernel.23.cloned.1.call-start
scs
__scs_entry_jumppad:
0x0: {  	(pc) =	sbr.rel $0x88, $3  }
0x1: {  	(tag) =	ssettag $0x0;
	lr =	simm.s32 $0x1  }
0x2: {  	[smem:$0x3F8E] =	sst lr;
	_ =	strace $0xD0000000  }
0x3: {  	_ = 	snop  }
0x4: {  	_ = 	snop  }
0x5: {  	_ = 	snop  }
0x6: {  	_ = 	snop  }
0x7: {  	_ = 	snop  }
__scs_overlays_trampoline_lowered:
0x8: {  	[smem:$0x3F9D] =	sst s0  }
0x9: {  	[smem:$0x3F9E] =	sst s1  }
0xa: {  	[smem:$0x3F9F] =	sst s2  }
0xb: {  	[smem:$0x3FA0] =	sst s3  }
0xc: {  	[smem:$0x3FA1] =	sst s4  }
0xd: {  	[smem:$0x3FA2] =	sst s5  }
0xe: {  	[smem:$0x3FA3] =	sst s6  }
0xf: {  	[smem:$0x3FA4] =	sst s7  }
0x10: {  	[smem:$0x3FA5] =	sst s8  }
0x11: {  	[smem:$0x3FA6] =	sst s9;
	s0 =	simm.s32 @!p0 $0x0  }
0x12: {  	s1 =	sld [smem:$0x3F8C];
	s0 =	simm.s32 @p0 $0x1  }
0x13: {  	[smem:$0x3FA7] =	sst s0;
	s0 =	simm.s32 @!p1 $0x0  }
0x14: {  	s2 =	sld [smem:$0x3F8B];
	s0 =	simm.s32 @p1 $0x1  }
0x15: {  	[smem:$0x3FA8] =	sst s0;
	s0 =	simm.s32 @!p2 $0x0  }
0x16: {  	s3 =	sld [smem:$0x3FDB];
	s0 =	simm.s32 @p2 $0x1  }
0x17: {  	s4 =	simm.s32 $0x1BF5;
	[smem:$0x3FAA] =	sst s0  }
0x18: {  	s0 =	sld [smem:$0x3F8D];
	_ =	swait.ge [sflag:s4], $0x0  }
0x19: {  	s7 =	sld [smem:$0x3F8E]  }
0x1a: {  	s8 =	sadd.s32 $0xFFFFE003, lr  }
0x1b: {  	s9 =	sadd.s32 $0xFFFFFEF7, lr;
	s5 =	simm.s32 $0xFFFFFFFF;
	p2 =	slt.u32 s8, $0xFFFFF086  }
0x1c: {  	p1 =	slt.u32 s9, $0xF7A;
	s5 =	simm.s32 @!p2 $0x0  }
0x1d: {  	s5 =	simm.s32 @p1 $0x1;
	p0 =	seq.s32 s7, s2  }
0x1e: {  	s7 =	smul.u32 @!p0 $0xF7A, s2;
	p2 =	seq.s32 @!p0 s5, $0x0  }
0x1f: {  	s9 =	smul.u32 $0xF7A, s1;
	s8 =	simm.s32 @!p0 $0x1BF5;
	p2 =	por !p2, p0  }
0x20: {  	[sflag:s8] =	ssyncset.s32 @!p0 $0xFFFFF086;
	s6 =	sadd.s32 @!p0 s3, s7;
	s7 =	simm.s32 @!p0 $0x108  }
0x21: {  	s3 =	sadd.s32 s3, s9;
	s6 =	sadd.s32 @!p0 $0x88, s6;
	s7 =	simm.s32 @p2 $0x1082  }
0x22: {  	[simem:s7], [sflag:s8] =	dma.local @!p0 [hbm:s6], $0xF7A  }
0x23: {  	s9 =	sor.u32 $0xD0000000, s2;
	s6 =	simm.s32 $0x108;
	_ =	swait.ge @!p0 [sflag:s8], $0x0  }
0x24: {  	s3 =	sadd.s32 $0x88, s3;
	s6 =	simm.s32 @!p1 $0x1082;
	[sflag:s4] =	ssyncset.s32 $0xFFFFF086  }
0x25: {  	[simem:s6], [sflag:s4] =	dma.local [hbm:s3], $0xF7A  }
0x26: {  	[smem:$0x3F8E] =	sst s1;
	(tag) =	ssettag s2;
	_ =	strace s9  }
0x27: {  	s1 =	sld [smem:$0x3F9E]  }
0x28: {  	s2 =	sld [smem:$0x3F9F]  }
0x29: {  	s4 =	sld [smem:$0x3FA1]  }
0x2a: {  	p0 =	seq.s32 s5, $0x0;
	s5 =	sld [smem:$0x3FA2]  }
0x2b: {  	s6 =	sld [smem:$0x3FA3]  }
0x2c: {  	s7 =	sld [smem:$0x3FA4]  }
0x2d: {  	s3 =	simm.s32 $0x108;
	s8 =	sld [smem:$0x3FA5]  }
0x2e: {  	s3 =	simm.s32 @!p0 $0x1082;
	s9 =	sld [smem:$0x3FA6]  }
0x2f: {  	lr =	sadd.s32 s0, s3;
	s0 =	sld [smem:$0x3F9D]  }
0x30: {  	s3 =	sld [smem:$0x3FA0]  }
0x31: {  	[smem:$0x3FA9] =	sst s10  }
0x32: {  	s10 =	sld [smem:$0x3FA7];
	_ =	sdelay $0x3  }
0x33: {  	p0 =	seq.s32 s10, $0x1;
	s10 =	sld [smem:$0x3FA9];
	_ =	sdelay $0x3  }
0x34: {  	[smem:$0x3FA9] =	sst s10  }
0x35: {  	s10 =	sld [smem:$0x3FA8];
	_ =	sdelay $0x3  }
0x36: {  	p1 =	seq.s32 s10, $0x1;
	s10 =	sld [smem:$0x3FA9];
	_ =	sdelay $0x3  }
0x37: {  	[smem:$0x3FA9] =	sst s10  }
0x38: {  	s10 =	sld [smem:$0x3FAA]  }
0x39: {  	_ = 	snop;
	(pc) =	sbr.ind lr, $3  }
0x3a: {  	_ = 	snop  }
0x3b: {  	_ = 	snop  }
0x3c: {  	p2 =	seq.s32 s10, $0x1;
	s10 =	sld [smem:$0x3FA9]  }
0x3d: {  	_ =	shalt  }
0x3e: {  	_ =	shalt  }
0x3f: {  	_ =	shalt  }
0x40: {  	_ =	shalt  }
0x41: {  	_ =	shalt  }
0x42: {  	_ =	shalt  }
0x43: {  	_ =	shalt  }
0x44: {  	_ =	shalt  }
0x45: {  	_ =	shalt  }
0x46: {  	_ =	shalt  }
0x47: {  	_ =	shalt  }
0x48: {  	_ =	shalt  }
0x49: {  	_ =	shalt  }
0x4a: {  	_ =	shalt  }
0x4b: {  	_ =	shalt  }
0x4c: {  	_ =	shalt  }
0x4d: {  	_ =	shalt  }
0x4e: {  	_ =	shalt  }
0x4f: {  	_ =	shalt  }
0x50: {  	_ =	shalt  }
0x51: {  	_ =	shalt  }
0x52: {  	_ =	shalt  }
0x53: {  	_ =	shalt  }
0x54: {  	_ =	shalt  }
0x55: {  	_ =	shalt  }
0x56: {  	_ =	shalt  }
0x57: {  	_ =	shalt  }
0x58: {  	_ =	shalt  }
0x59: {  	_ =	shalt  }
0x5a: {  	_ =	shalt  }
0x5b: {  	_ =	shalt  }
0x5c: {  	_ =	shalt  }
0x5d: {  	_ =	shalt  }
0x5e: {  	_ =	shalt  }
0x5f: {  	_ =	shalt  }
0x60: {  	_ =	shalt  }
0x61: {  	_ =	shalt  }
0x62: {  	_ =	shalt  }
0x63: {  	_ =	shalt  }
0x64: {  	_ =	shalt  }
0x65: {  	_ =	shalt  }
0x66: {  	_ =	shalt  }
0x67: {  	_ =	shalt  }
0x68: {  	_ =	shalt  }
0x69: {  	_ =	shalt  }
0x6a: {  	_ =	shalt  }
0x6b: {  	_ =	shalt  }
0x6c: {  	_ =	shalt  }
0x6d: {  	_ =	shalt  }
0x6e: {  	_ =	shalt  }
0x6f: {  	_ =	shalt  }
0x70: {  	_ =	shalt  }
0x71: {  	_ =	shalt  }
0x72: {  	_ =	shalt  }
0x73: {  	_ =	shalt  }
0x74: {  	_ =	shalt  }
0x75: {  	_ =	shalt  }
0x76: {  	_ =	shalt  }
0x77: {  	_ =	shalt  }
0x78: {  	_ =	shalt  }
0x79: {  	_ =	shalt  }
0x7a: {  	_ =	shalt  }
0x7b: {  	_ =	shalt  }
0x7c: {  	_ =	shalt  }
0x7d: {  	_ =	shalt  }
0x7e: {  	_ =	shalt  }
0x7f: {  	_ =	shalt  }
0x80: {  	_ =	shalt  }
0x81: {  	_ =	shalt  }
0x82: {  	_ =	shalt  }
0x83: {  	_ =	shalt  }
0x84: {  	_ =	shalt  }
0x85: {  	_ =	shalt  }
0x86: {  	_ =	shalt  }
0x87: {  	_ =	shalt  }
.Lfunc_end0:
.L_simem_size_0:
called_computation_lowered:
.L_overlay_start_0:
0x88: {  	s2 =	sld [smem:$0x3FD9]  }
0x89: {  	s3 =	sld [smem:$0x3FFE];
	_ =	sdelay $0x1  }
0x8a: {  	s1 =	srdreg.scid  }
0x8b: {  	s0 =	sand.u32 $0x1, s1  }
0x8c: {  	s14 =	sshll.u32 s0, $0xA;
	s2 =	sadd.s32 s3, s2  }
0x8d: {  	s2 =	sadd.s32 s2, s14  }
0x8e: {  	[smem:$0x3FB5] =	sst s2  }
0x8f: {  	_ = 	snop  }
0x90: {  	s2 =	sld [smem:$0x3FD0];
	_ =	sdelay $0x2  }
0x91: {  	s15 =	simm.s32 $0xA;
	s4 =	simm.s32 $0x10  }
0x92: {  	[smem:s4], [sflag:s15] =	dma.local [hbm:s2], $0x1  }
0x93: {  	_ =	swait.eq [sflag:s15], $0x1  }
0x94: {  	[sflag:s15] =	ssyncset.done $0x0  }
0x95: {  	[sflag:s15] =	ssyncadd.s32 $0xFFFFFFFF  }
0x96: {  	s16 =	sld [smem:$0x10];
	(tm) =	ssettm $0x1  }
0x97: {  	s17 =	sld [smem:$0x3FFB];
	_ =	sdelay $0x3  }
0x98: {  	_ =	strace s17  }
0x99: {  	s3 =	sld [smem:$0x3FFC];
	_ =	sdelay $0x3  }
0x9a: {  	_ =	strace s3  }
0x9b: {  	s3 =	sld [smem:$0x3FFD];
	_ =	sdelay $0x3  }
0x9c: {  	_ =	strace s3  }
0x9d: {  	_ =	strace $0x8FFFFFFF  }
0x9e: {  	s18 =	sld [smem:$0x3FDB];
	_ =	sdelay $0x1  }
0x9f: {  	s19 =	simm.s32 $_scs_section_size  }
0xa0: {  	s5 =	simm.s32 $_size__tile_overlayer_lowered;
	s6 =	simm.s32 $_tile_overlayer_lowered  }
0xa1: {  	s22 =	simm.s32 $0x1BFF;
	s21 =	sshll.u32 s6, $0x1;
	s3 =	sadd.s32 s19, s18  }
0xa2: {  	s7 =	simm.s32 $0x0;
	s20 =	sshll.u32 s5, $0x1;
	s5 =	sadd.s32 s21, s3  }
0xa3: {  	[timem:s7], [sflag:s22] =	dma.local [hbm:s5], s20  }
0xa4: {  	_ =	swait.ge [sflag:s22], s20  }
0xa5: {  	s4 =	ssub.s32 $0x0, s20;
	[sflag:s22] =	ssyncset.done $0x0  }
0xa6: {  	[sflag:s22] =	ssyncadd.s32 s4;
	_ =	sdelay $0x1  }
0xa7: {  	s23 =	simm.s32 $0x1B8B  }
0xa8: {  	_ =	swait.ge [sflag:s23], $0x1  }
0xa9: {  	[sflag:s23] =	ssyncset.done $0x0  }
0xaa: {  	s25 =	simm.s32 $0x1B8E;
	s24 =	sld [smem:$0x3FFE];
	[sflag:s23] =	ssyncadd.s32 $0xFFFFFFFF  }
0xab: {  	s26 =	simm.s32 $execute0_lowered;
	[smem:$0x3FD2] =	sst s25  }
0xac: {  	s5 =	sshll.u32 s26, $0x1;
	_ =	strace $0x80000046;
	[dreg:$0x1] =	wrdreg $0xFFFFFFFF  }
0xad: {  	s28 =	simm.s32 $_size_execute0_lowered;
	s3 =	sadd.s32 s3, s5;
	[dreg:$0x0] =	wrdreg $0x0  }
0xae: {  	s5 =	sshll.u32 s28, $0x1;
	[dreg:$0x2] =	wrdreg s3  }
0xaf: {  	[dreg:$0x3] =	wrdreg s5  }
0xb0: {  	[dreg:$0x4] =	wrdreg $0xC0  }
0xb1: {  	_ =	task [dreg:s7], $0x5FFFF  }
0xb2: {  	[dreg:$0x1] =	wrdreg $0xFFFFFFFF  }
0xb3: {  	[dreg:$0x0] =	wrdreg $0x60  }
0xb4: {  	[dreg:$0x2] =	wrdreg s24  }
0xb5: {  	[dreg:$0x3] =	wrdreg s16  }
0xb6: {  	[dreg:$0x4] =	wrdreg $0x81000  }
0xb7: {  	[dreg:$0x5] =	wrdreg $0x9  }
0xb8: {  	_ =	task.clear_ibuf [dreg:s7], $0x6FFFF;
	_ =	strace $0x90000046  }
0xb9: {  	s29 =	simm.s32 $0x9;
	_ =	strace $0x80000048  }
0xba: {  	_ =	swait.ge [sflag:s29], $0x1  }
0xbb: {  	[sflag:s29] =	ssyncadd.s32 $0xFFFFFFFF  }
0xbc: {  	_ =	strace $0x90000048  }
0xbd: {  	_ =	sfence  }
0xbe: {  	s30 =	sld [smem:$0x0];
	_ =	sdelay $0x2  }
0xbf: {  	s31 =	sshll.u32 s1, $0xD;
	s1 =	sshrl.u32 s1, $0x2  }
0xc0: {  	s3 =	sand.u32 $0x4000, s31;
	s1 =	sadd.s32 s1, s30  }
0xc1: {  	s0 =	sor.u32 s3, s0;
	s1 =	sshll.u32 s1, $0x11  }
0xc2: {  	s0 =	sor.u32 s1, s0  }
0xc3: {  	s0 =	sadd.s32 $0x8F2B, s0  }
0xc4: {  	[sflag:s0] =	ssyncadd.remote.s32 $0x1  }
0xc5: {  	_ =	sfence.sel $0xFFFF  }
0xc6: {  	[dreg:$0x0] =	wrdreg $0xFFFFFFFF;
	(pc) =	sbr.abs _section_cstart, $3  }
0xc7: {  	[dreg:$0x1] =	wrdreg $0xFFFFFFFF  }
0xc8: {  	_ =	task.clear_ibuf [dreg:s7], $0x2FFFF;
	_ =	strace $0x9FFFFFFF  }
0xc9: {  	(tm) =	ssettm $0x7FFFFFFF  }
tec
execute0_lowered:
.L_overlay_start_1:
0x0: {  	(tag) =	ssettag $0x1  }
0x1: {  	s4 =	rddreg [dreg:$0x0]  }
0x2: {  	s14 =	rddreg [dreg:$0x1]  }
0x3: {  	s2 =	rddreg [dreg:$0x2];
	s1 =	stileid.u32  }
0x4: {  	s0 =	rddreg [dreg:$0x3];
	s6 =	smul.u32 $0x12000, s1  }
0x5: {  	s5 =	srdreg.scid;
	s23 =	smul.u32 $0x48000, s1  }
0x6: {  	s3 =	simm.s32 $0x0;
	s11 =	sand.u32 $0x1, s5;
	s26 =	smul.u32 $0x24000, s1  }
0x7: {  	[smem:$0x7FF] =	sst s3;
	s12 =	sadd.s32 $0x27B400, s4;
	s17 =	smul.u32 $0x2400, s1  }
0x8: {  	s7 =	sshll.u32 s1, $0x1;
	s25 =	sshll.u32 s1, $0x6;
	s5 =	smul.u32 $0x120000, s11  }
0x9: {  	_ =	strace $0x80000047;
	s19 =	sor.u32 s11, s7;
	s22 =	ssub.s32 $0x2, s11  }
0xa: {  	s7 =	sor.u32 $0x1C05, s25;
	s18 =	smul.u32 $0x1200, s11;
	s8 =	sshrl.u32 s6, $0x3  }
0xb: {  	s9 =	smul.u32 $0x1200, s19;
	s10 =	sshrl.u32 s22, $0x1;
	s24 =	sshrl.u32 s23, $0x2  }
0xc: {  	s23 =	simm.s32 $0x4;
	s5 =	sadd.s32 s6, s5;
	s20 =	sadd.s32 s8, s4  }
0xd: {  	s6 =	smul.u32 $0x12000, s19;
	s10 =	ssub.s32 s22, s10;
	s16 =	sadd.s32 s24, s2  }
0xe: {  	s19 =	smul.u32 $0x12000, s11;
	s29 =	sadd.s32 s18, s17;
	s17 =	simm.s32 $0x5  }
0xf: {  	s18 =	simm.s32 $0x1;
	s22 =	simm.s32 $0x2;
	s24 =	simm.s32 $0x0  }
0x10: {  	s5 =	sshrl.u32 s5, $0x3;
	s13 =	sshrl.u32 s9, $0x3;
	s15 =	sadd.s32 $0x1180, s9  }
0x11: {  	s9 =	smax.u32 s10, $0x1;
	s30 =	sor.u32 $0x100, s29;
	s16 =	sshrl.u32 s16, $0x3  }
0x12: {  	s21 =	sadd.s32 s5, s4;
	s4 =	sadd.s32 s14, s13;
	s5 =	sadd.s32 s12, s6  }
0x13: {  	s6 =	sadd.s32 $0x3B400, s20;
	s28 =	sshrl.u32 s15, $0x3;
	s15 =	sshll.u32 s15, $0x4  }
0x14: {  	s13 =	sor.u32 $0x80, s29;
	s20 =	simm.s32 $0x80;
	s8 =	sadd.s32 $0x5F400, s21  }
0x15: {  	s10 =	sadd.s32 s14, s28;
	s11 =	sadd.s32 s12, s15;
	s12 =	sadd.s32 s26, s12  }
0x16: {  	s15 =	sshrl.u32 s30, $0x3;
	s31 =	sshrl.u32 s13, $0x3;
	s21 =	simm.s32 $0x4100  }
0x17: {  	s12 =	sadd.s32 s19, s12;
	s13 =	sadd.s32 s15, s14;
	s14 =	sadd.s32 s31, s14  }
0x18: {  	s15 =	simm.s32 $0x100;
	s19 =	simm.s32 $0x3;
	s12 =	sadd.s32 $0x1000, s12  }
.LBB2_1:
0x19: {  	[tilespmem:s3], [sflag:$0x1] =	stream.linear.gather [hbm4b:s4+s3], $0x80, $0x38;
	[tilespmem:$0x1A100] =	vst v63  }
0x1a: {  	_ = 	snop  }
0x1b: {  	[tilespmem:s15], [sflag:$0x3] =	stream.linear.gather [hbm4b:s5+s3], $0x4000, $0x38;
	[tilespmem:$0x1A100] =	vst v63  }
0x1c: {  	[spmem:s16], [sflag:s7] =	dma.local [hbm:s6], $0x2400  }
0x1d: {  	_ =	swait.ge [sflag:s17], $0x2400  }
0x1e: {  	[sflag:s17] =	ssyncset.done $0x0  }
0x1f: {  	[sflag:s17] =	ssyncadd.s32 $0xFFFFDC00  }
0x20: {  	[bflag:$0x0] =	sbarrier.arrive $0xFFFF  }
0x21: {  	_ =	swait.ge [sflag:s18], $0x80  }
0x22: {  	[sflag:s18] =	ssyncset.done $0x0  }
0x23: {  	[sflag:s18] =	ssyncadd.s32 $0xFFFFFF80  }
0x24: {  	_ =	swait.ge [sflag:s19], $0x4000  }
0x25: {  	[sflag:s19] =	ssyncset.done $0x0  }
0x26: {  	s25 =	sadd.s32 $0x0, s14;
	[sflag:s19] =	ssyncadd.s32 $0xFFFFC000  }
0x27: {  	[tilespmem:s20], [sflag:$0x2] =	stream.linear.gather [hbm4b:s25+s3], $0x80, $0x38;
	[tilespmem:$0x1A100] =	vst v63  }
0x28: {  	s30 =	sadd.s32 $0xFFFFF800, s12  }
0x29: {  	[tilespmem:s21], [sflag:$0x4] =	stream.linear.gather [hbm4b:s30+s3], $0x4000, $0x38;
	[tilespmem:$0x1A100] =	vst v63  }
0x2a: {  	_ = 	snop  }
0x2b: {  	[spmem:s2] =	stream.indirect.scatter.add.f32 [tilespmem:s15], [sflag:$0x5], $0x80, s3, s20, $0xb8;
	[tilespmem:$0x1A100] =	vst v63  }
0x2c: {  	_ =	swait.ge [sflag:s17], $0x4000  }
0x2d: {  	[sflag:s17] =	ssyncset.done $0x0  }
0x2e: {  	[sflag:s17] =	ssyncadd.s32 $0xFFFFC000  }
0x2f: {  	_ =	swait.ge [sflag:s22], $0x80  }
0x30: {  	[sflag:s22] =	ssyncset.done $0x0  }
0x31: {  	[sflag:s22] =	ssyncadd.s32 $0xFFFFFF80  }
0x32: {  	_ =	swait.ge [sflag:s23], $0x4000  }
0x33: {  	[sflag:s23] =	ssyncset.done $0x0  }
0x34: {  	s31 =	sadd.s32 $0x0, s13;
	[sflag:s23] =	ssyncadd.s32 $0xFFFFC000  }
0x35: {  	[tilespmem:s3], [sflag:$0x1] =	stream.linear.gather [hbm4b:s31+s3], $0x80, $0x38;
	[tilespmem:$0x1A100] =	vst v63  }
0x36: {  	_ = 	snop  }
0x37: {  	[tilespmem:s15], [sflag:$0x3] =	stream.linear.gather [hbm4b:s12+s3], $0x4000, $0x38;
	[tilespmem:$0x1A100] =	vst v63  }
0x38: {  	_ = 	snop  }
0x39: {  	[spmem:s2] =	stream.indirect.scatter.add.f32 [tilespmem:s21], [sflag:$0x5], $0x80, s20, s20, $0xb8;
	[tilespmem:$0x1A100] =	vst v63  }
0x3a: {  	_ =	swait.ge [sflag:s17], $0x4000  }
0x3b: {  	s26 =	smov.u32 s12;
	s25 =	simm.s32 $0x20;
	[sflag:s17] =	ssyncset.done $0x0  }
.LBB2_2:
0x3c: {  	p0 =	sne.s32 s25, $0x200;
	[sflag:s17] =	ssyncadd.s32 $0xFFFFC000;
	s26 =	sadd.s32 $0x1000, s26  }
0x3d: {  	s28 =	smov.u32 s25;
	s25 =	sadd.s32 $0x20, s25  }
0x3e: {  	_ =	swait.ge [sflag:s18], $0x80  }
0x3f: {  	[sflag:s18] =	ssyncset.done $0x0  }
0x40: {  	[sflag:s18] =	ssyncadd.s32 $0xFFFFFF80  }
0x41: {  	_ =	swait.ge [sflag:s19], $0x4000  }
0x42: {  	[sflag:s19] =	ssyncset.done $0x0  }
0x43: {  	s29 =	sadd.s32 s28, s14;
	[sflag:s19] =	ssyncadd.s32 $0xFFFFC000  }
0x44: {  	[tilespmem:s20], [sflag:$0x2] =	stream.linear.gather [hbm4b:s29+s3], $0x80, $0x38;
	[tilespmem:$0x1A100] =	vst v63  }
0x45: {  	s29 =	sadd.s32 $0xFFFFF800, s26  }
0x46: {  	[tilespmem:s21], [sflag:$0x4] =	stream.linear.gather [hbm4b:s29+s3], $0x4000, $0x38;
	[tilespmem:$0x1A100] =	vst v63  }
0x47: {  	_ = 	snop  }
0x48: {  	[spmem:s2] =	stream.indirect.scatter.add.f32 [tilespmem:s15], [sflag:$0x5], $0x80, s3, s20, $0xb8;
	[tilespmem:$0x1A100] =	vst v63  }
0x49: {  	_ =	swait.ge [sflag:s17], $0x4000  }
0x4a: {  	[sflag:s17] =	ssyncset.done $0x0  }
0x4b: {  	[sflag:s17] =	ssyncadd.s32 $0xFFFFC000  }
0x4c: {  	_ =	swait.ge [sflag:s22], $0x80  }
0x4d: {  	[sflag:s22] =	ssyncset.done $0x0  }
0x4e: {  	[sflag:s22] =	ssyncadd.s32 $0xFFFFFF80  }
0x4f: {  	_ =	swait.ge [sflag:s23], $0x4000  }
0x50: {  	[sflag:s23] =	ssyncset.done $0x0  }
0x51: {  	s28 =	sadd.s32 s28, s13;
	[sflag:s23] =	ssyncadd.s32 $0xFFFFC000  }
0x52: {  	[tilespmem:s3], [sflag:$0x1] =	stream.linear.gather [hbm4b:s28+s3], $0x80, $0x38;
	[tilespmem:$0x1A100] =	vst v63  }
0x53: {  	_ = 	snop  }
0x54: {  	[tilespmem:s15], [sflag:$0x3] =	stream.linear.gather [hbm4b:s26+s3], $0x4000, $0x38;
	[tilespmem:$0x1A100] =	vst v63  }
.Ltmp0:
0x55: {  	_ = 	snop;
	(pc) =	sbr.rel @p0 .LBB2_2-.Ltmp0, $4  }
0x56: {  	_ = 	snop  }
0x57: {  	[spmem:s2] =	stream.indirect.scatter.add.f32 [tilespmem:s21], [sflag:$0x5], $0x80, s20, s20, $0xb8;
	[tilespmem:$0x1A100] =	vst v63  }
0x58: {  	_ =	swait.ge [sflag:s17], $0x4000  }
0x59: {  	[sflag:s17] =	ssyncset.done $0x0  }
0x5a: {  	[sflag:s17] =	ssyncadd.s32 $0xFFFFC000  }
0x5b: {  	_ =	swait.ge [sflag:s18], $0x80  }
0x5c: {  	[sflag:s18] =	ssyncset.done $0x0  }
0x5d: {  	[sflag:s18] =	ssyncadd.s32 $0xFFFFFF80  }
0x5e: {  	_ =	swait.ge [sflag:s19], $0x4000  }
0x5f: {  	[sflag:s19] =	ssyncset.done $0x0  }
0x60: {  	[sflag:s19] =	ssyncadd.s32 $0xFFFFC000  }
0x61: {  	[tilespmem:s20], [sflag:$0x2] =	stream.linear.gather [hbm4b:s10+s3], $0x80, $0x38;
	[tilespmem:$0x1A100] =	vst v63  }
0x62: {  	_ = 	snop  }
0x63: {  	[tilespmem:s21], [sflag:$0x4] =	stream.linear.gather [hbm4b:s11+s3], $0x4000, $0x38;
	[tilespmem:$0x1A100] =	vst v63  }
0x64: {  	_ = 	snop  }
0x65: {  	[spmem:s2] =	stream.indirect.scatter.add.f32 [tilespmem:s15], [sflag:$0x5], $0x80, s3, s20, $0xb8;
	[tilespmem:$0x1A100] =	vst v63  }
0x66: {  	_ =	swait.ge [sflag:s17], $0x4000  }
0x67: {  	[sflag:s17] =	ssyncset.done $0x0  }
0x68: {  	[sflag:s17] =	ssyncadd.s32 $0xFFFFC000  }
0x69: {  	_ =	swait.ge [sflag:s22], $0x80  }
0x6a: {  	[sflag:s22] =	ssyncset.done $0x0  }
0x6b: {  	[sflag:s22] =	ssyncadd.s32 $0xFFFFFF80  }
0x6c: {  	_ =	swait.ge [sflag:s23], $0x4000  }
0x6d: {  	[sflag:s23] =	ssyncset.done $0x0  }
0x6e: {  	[sflag:s23] =	ssyncadd.s32 $0xFFFFC000  }
0x6f: {  	[spmem:s2] =	stream.indirect.scatter.add.f32 [tilespmem:s21], [sflag:$0x5], $0x80, s20, s20, $0xb8;
	[tilespmem:$0x1A100] =	vst v63  }
0x70: {  	_ =	swait.ge [sflag:s17], $0x4000  }
0x71: {  	s24 =	sadd.s32 $0x1, s24;
	[sflag:s17] =	ssyncset.done $0x0  }
0x72: {  	p0 =	sne.s32 s24, s9;
	[sflag:s17] =	ssyncadd.s32 $0xFFFFC000  }
.Ltmp1:
0x73: {  	[bflag:$0x0] =	sbarrier.arrive $0xFFFF;
	(pc) =	sbr.rel @p0 .LBB2_1-.Ltmp1, $4  }
0x74: {  	[hbm:s8], [sflag:s7] =	dma.local [spmem:s16], $0x2400  }
0x75: {  	_ =	swait.ge [sflag:s17], $0x2400  }
0x76: {  	[sflag:s17] =	ssyncset.done $0x0  }
0x77: {  	[sflag:s17] =	ssyncadd.s32 $0xFFFFDC00  }
0x78: {  	_ =	sfence.sel $0x180000  }
0x79: {  	[bflag:$0x0] =	sbarrier.arrive $0xFFFF  }
0x7a: {  	p0 =	sne.s32 s1, $0x0;
	_ =	strace $0x90000047  }
0x7b: {  	s0 =	sadd.s32 @!p0 $0x100000, s0;
	[bflag:$0x2] =	sbarrier.arrive $0xFFFF  }
0x7c: {  	[sflag:s0] =	ssyncadd.tile.s32 @!p0 $0x1;
	_ =	shalt  }
.Lfunc_end2:
_tile_overlayer_lowered:
.L_overlay_start_2:
0x7d: {  	(tag) =	ssettag $0x2  }
0x7e: {  	s0 =	rddreg [dreg:$0x0];
	s2 =	stileid.u32  }
0x7f: {  	s1 =	rddreg [dreg:$0x1];
	p0 =	sne.s32 s2, $0x0  }
0x80: {  	s3 =	rddreg [dreg:$0x2];
	[bflag:$0x3] =	sbarrier.arrive $0xFFFF;
	s2 =	simm.s32 @!p0 $0x1C05  }
0x81: {  	[timem:s3], [sflag:s2] =	dma.local @!p0 [hbm:s0], s1  }
0x82: {  	s0 =	simm.s32 @!p0 $0x5  }
0x83: {  	_ =	swait.ge @!p0 [sflag:s0], s1  }
0x84: {  	s1 =	ssub.s32 @!p0 $0x0, s1;
	[sflag:s0] =	ssyncset.done @!p0 $0x0  }
0x85: {  	[sflag:s0] =	ssyncadd.s32 @!p0 s1  }
0x86: {  	[bflag:$0x3] =	sbarrier.arrive $0xFFFF  }
0x87: {  	_ =	shalt  }

// kernel: kernel.26.cloned.1.call-start
scs
__scs_entry_jumppad:
0x0: {  	(pc) =	sbr.rel $0x88, $3  }
0x1: {  	(tag) =	ssettag $0x0;
	lr =	simm.s32 $0x1  }
0x2: {  	[smem:$0x3F8E] =	sst lr;
	_ =	strace $0xD0000000  }
0x3: {  	_ = 	snop  }
0x4: {  	_ = 	snop  }
0x5: {  	_ = 	snop  }
0x6: {  	_ = 	snop  }
0x7: {  	_ = 	snop  }
__scs_overlays_trampoline_lowered:
0x8: {  	[smem:$0x3F9D] =	sst s0  }
0x9: {  	[smem:$0x3F9E] =	sst s1  }
0xa: {  	[smem:$0x3F9F] =	sst s2  }
0xb: {  	[smem:$0x3FA0] =	sst s3  }
0xc: {  	[smem:$0x3FA1] =	sst s4  }
0xd: {  	[smem:$0x3FA2] =	sst s5  }
0xe: {  	[smem:$0x3FA3] =	sst s6  }
0xf: {  	[smem:$0x3FA4] =	sst s7  }
0x10: {  	[smem:$0x3FA5] =	sst s8  }
0x11: {  	[smem:$0x3FA6] =	sst s9;
	s0 =	simm.s32 @!p0 $0x0  }
0x12: {  	s1 =	sld [smem:$0x3F8C];
	s0 =	simm.s32 @p0 $0x1  }
0x13: {  	[smem:$0x3FA7] =	sst s0;
	s0 =	simm.s32 @!p1 $0x0  }
0x14: {  	s2 =	sld [smem:$0x3F8B];
	s0 =	simm.s32 @p1 $0x1  }
0x15: {  	[smem:$0x3FA8] =	sst s0;
	s0 =	simm.s32 @!p2 $0x0  }
0x16: {  	s3 =	sld [smem:$0x3FDB];
	s0 =	simm.s32 @p2 $0x1  }
0x17: {  	s4 =	simm.s32 $0x1BF5;
	[smem:$0x3FAA] =	sst s0  }
0x18: {  	s0 =	sld [smem:$0x3F8D];
	_ =	swait.ge [sflag:s4], $0x0  }
0x19: {  	s7 =	sld [smem:$0x3F8E]  }
0x1a: {  	s8 =	sadd.s32 $0xFFFFE003, lr  }
0x1b: {  	s9 =	sadd.s32 $0xFFFFFEF7, lr;
	s5 =	simm.s32 $0xFFFFFFFF;
	p2 =	slt.u32 s8, $0xFFFFF086  }
0x1c: {  	p1 =	slt.u32 s9, $0xF7A;
	s5 =	simm.s32 @!p2 $0x0  }
0x1d: {  	s5 =	simm.s32 @p1 $0x1;
	p0 =	seq.s32 s7, s2  }
0x1e: {  	s7 =	smul.u32 @!p0 $0xF7A, s2;
	p2 =	seq.s32 @!p0 s5, $0x0  }
0x1f: {  	s9 =	smul.u32 $0xF7A, s1;
	s8 =	simm.s32 @!p0 $0x1BF5;
	p2 =	por !p2, p0  }
0x20: {  	[sflag:s8] =	ssyncset.s32 @!p0 $0xFFFFF086;
	s6 =	sadd.s32 @!p0 s3, s7;
	s7 =	simm.s32 @!p0 $0x108  }
0x21: {  	s3 =	sadd.s32 s3, s9;
	s6 =	sadd.s32 @!p0 $0x88, s6;
	s7 =	simm.s32 @p2 $0x1082  }
0x22: {  	[simem:s7], [sflag:s8] =	dma.local @!p0 [hbm:s6], $0xF7A  }
0x23: {  	s9 =	sor.u32 $0xD0000000, s2;
	s6 =	simm.s32 $0x108;
	_ =	swait.ge @!p0 [sflag:s8], $0x0  }
0x24: {  	s3 =	sadd.s32 $0x88, s3;
	s6 =	simm.s32 @!p1 $0x1082;
	[sflag:s4] =	ssyncset.s32 $0xFFFFF086  }
0x25: {  	[simem:s6], [sflag:s4] =	dma.local [hbm:s3], $0xF7A  }
0x26: {  	[smem:$0x3F8E] =	sst s1;
	(tag) =	ssettag s2;
	_ =	strace s9  }
0x27: {  	s1 =	sld [smem:$0x3F9E]  }
0x28: {  	s2 =	sld [smem:$0x3F9F]  }
0x29: {  	s4 =	sld [smem:$0x3FA1]  }
0x2a: {  	p0 =	seq.s32 s5, $0x0;
	s5 =	sld [smem:$0x3FA2]  }
0x2b: {  	s6 =	sld [smem:$0x3FA3]  }
0x2c: {  	s7 =	sld [smem:$0x3FA4]  }
0x2d: {  	s3 =	simm.s32 $0x108;
	s8 =	sld [smem:$0x3FA5]  }
0x2e: {  	s3 =	simm.s32 @!p0 $0x1082;
	s9 =	sld [smem:$0x3FA6]  }
0x2f: {  	lr =	sadd.s32 s0, s3;
	s0 =	sld [smem:$0x3F9D]  }
0x30: {  	s3 =	sld [smem:$0x3FA0]  }
0x31: {  	[smem:$0x3FA9] =	sst s10  }
0x32: {  	s10 =	sld [smem:$0x3FA7];
	_ =	sdelay $0x3  }
0x33: {  	p0 =	seq.s32 s10, $0x1;
	s10 =	sld [smem:$0x3FA9];
	_ =	sdelay $0x3  }
0x34: {  	[smem:$0x3FA9] =	sst s10  }
0x35: {  	s10 =	sld [smem:$0x3FA8];
	_ =	sdelay $0x3  }
0x36: {  	p1 =	seq.s32 s10, $0x1;
	s10 =	sld [smem:$0x3FA9];
	_ =	sdelay $0x3  }
0x37: {  	[smem:$0x3FA9] =	sst s10  }
0x38: {  	s10 =	sld [smem:$0x3FAA]  }
0x39: {  	_ = 	snop;
	(pc) =	sbr.ind lr, $3  }
0x3a: {  	_ = 	snop  }
0x3b: {  	_ = 	snop  }
0x3c: {  	p2 =	seq.s32 s10, $0x1;
	s10 =	sld [smem:$0x3FA9]  }
0x3d: {  	_ =	shalt  }
0x3e: {  	_ =	shalt  }
0x3f: {  	_ =	shalt  }
0x40: {  	_ =	shalt  }
0x41: {  	_ =	shalt  }
0x42: {  	_ =	shalt  }
0x43: {  	_ =	shalt  }
0x44: {  	_ =	shalt  }
0x45: {  	_ =	shalt  }
0x46: {  	_ =	shalt  }
0x47: {  	_ =	shalt  }
0x48: {  	_ =	shalt  }
0x49: {  	_ =	shalt  }
0x4a: {  	_ =	shalt  }
0x4b: {  	_ =	shalt  }
0x4c: {  	_ =	shalt  }
0x4d: {  	_ =	shalt  }
0x4e: {  	_ =	shalt  }
0x4f: {  	_ =	shalt  }
0x50: {  	_ =	shalt  }
0x51: {  	_ =	shalt  }
0x52: {  	_ =	shalt  }
0x53: {  	_ =	shalt  }
0x54: {  	_ =	shalt  }
0x55: {  	_ =	shalt  }
0x56: {  	_ =	shalt  }
0x57: {  	_ =	shalt  }
0x58: {  	_ =	shalt  }
0x59: {  	_ =	shalt  }
0x5a: {  	_ =	shalt  }
0x5b: {  	_ =	shalt  }
0x5c: {  	_ =	shalt  }
0x5d: {  	_ =	shalt  }
0x5e: {  	_ =	shalt  }
0x5f: {  	_ =	shalt  }
0x60: {  	_ =	shalt  }
0x61: {  	_ =	shalt  }
0x62: {  	_ =	shalt  }
0x63: {  	_ =	shalt  }
0x64: {  	_ =	shalt  }
0x65: {  	_ =	shalt  }
0x66: {  	_ =	shalt  }
0x67: {  	_ =	shalt  }
0x68: {  	_ =	shalt  }
0x69: {  	_ =	shalt  }
0x6a: {  	_ =	shalt  }
0x6b: {  	_ =	shalt  }
0x6c: {  	_ =	shalt  }
0x6d: {  	_ =	shalt  }
0x6e: {  	_ =	shalt  }
0x6f: {  	_ =	shalt  }
0x70: {  	_ =	shalt  }
0x71: {  	_ =	shalt  }
0x72: {  	_ =	shalt  }
0x73: {  	_ =	shalt  }
0x74: {  	_ =	shalt  }
0x75: {  	_ =	shalt  }
0x76: {  	_ =	shalt  }
0x77: {  	_ =	shalt  }
0x78: {  	_ =	shalt  }
0x79: {  	_ =	shalt  }
0x7a: {  	_ =	shalt  }
0x7b: {  	_ =	shalt  }
0x7c: {  	_ =	shalt  }
0x7d: {  	_ =	shalt  }
0x7e: {  	_ =	shalt  }
0x7f: {  	_ =	shalt  }
0x80: {  	_ =	shalt  }
0x81: {  	_ =	shalt  }
0x82: {  	_ =	shalt  }
0x83: {  	_ =	shalt  }
0x84: {  	_ =	shalt  }
0x85: {  	_ =	shalt  }
0x86: {  	_ =	shalt  }
0x87: {  	_ =	shalt  }
.Lfunc_end0:
.L_simem_size_0:
called_computation.1_lowered:
.L_overlay_start_0:
0x88: {  	s2 =	sld [smem:$0x3FD9]  }
0x89: {  	s3 =	sld [smem:$0x3FFE];
	_ =	sdelay $0x1  }
0x8a: {  	s1 =	srdreg.scid  }
0x8b: {  	s0 =	sand.u32 $0x1, s1  }
0x8c: {  	s14 =	sshll.u32 s0, $0xA;
	s2 =	sadd.s32 s3, s2  }
0x8d: {  	s2 =	sadd.s32 s2, s14  }
0x8e: {  	[smem:$0x3FB5] =	sst s2  }
0x8f: {  	_ = 	snop  }
0x90: {  	s2 =	sld [smem:$0x3FD0];
	_ =	sdelay $0x2  }
0x91: {  	s15 =	simm.s32 $0xA;
	s4 =	simm.s32 $0x10  }
0x92: {  	[smem:s4], [sflag:s15] =	dma.local [hbm:s2], $0x1  }
0x93: {  	_ =	swait.eq [sflag:s15], $0x1  }
0x94: {  	[sflag:s15] =	ssyncset.done $0x0  }
0x95: {  	[sflag:s15] =	ssyncadd.s32 $0xFFFFFFFF  }
0x96: {  	s16 =	sld [smem:$0x10];
	(tm) =	ssettm $0x1  }
0x97: {  	s17 =	sld [smem:$0x3FFB];
	_ =	sdelay $0x3  }
0x98: {  	_ =	strace s17  }
0x99: {  	s3 =	sld [smem:$0x3FFC];
	_ =	sdelay $0x3  }
0x9a: {  	_ =	strace s3  }
0x9b: {  	s3 =	sld [smem:$0x3FFD];
	_ =	sdelay $0x3  }
0x9c: {  	_ =	strace s3  }
0x9d: {  	_ =	strace $0x8FFFFFFF  }
0x9e: {  	s18 =	sld [smem:$0x3FDB];
	_ =	sdelay $0x1  }
0x9f: {  	s19 =	simm.s32 $_scs_section_size  }
0xa0: {  	s5 =	simm.s32 $_size__tile_overlayer_lowered;
	s6 =	simm.s32 $_tile_overlayer_lowered  }
0xa1: {  	s22 =	simm.s32 $0x1BFF;
	s21 =	sshll.u32 s6, $0x1;
	s3 =	sadd.s32 s19, s18  }
0xa2: {  	s7 =	simm.s32 $0x0;
	s20 =	sshll.u32 s5, $0x1;
	s5 =	sadd.s32 s21, s3  }
0xa3: {  	[timem:s7], [sflag:s22] =	dma.local [hbm:s5], s20  }
0xa4: {  	_ =	swait.ge [sflag:s22], s20  }
0xa5: {  	s4 =	ssub.s32 $0x0, s20;
	[sflag:s22] =	ssyncset.done $0x0  }
0xa6: {  	[sflag:s22] =	ssyncadd.s32 s4;
	_ =	sdelay $0x1  }
0xa7: {  	s23 =	simm.s32 $0x1B8B  }
0xa8: {  	_ =	swait.ge [sflag:s23], $0x1  }
0xa9: {  	[sflag:s23] =	ssyncset.done $0x0  }
0xaa: {  	s25 =	simm.s32 $0x1B8E;
	s24 =	sld [smem:$0x3FFE];
	[sflag:s23] =	ssyncadd.s32 $0xFFFFFFFF  }
0xab: {  	s26 =	simm.s32 $execute0_lowered;
	[smem:$0x3FD2] =	sst s25  }
0xac: {  	s5 =	sshll.u32 s26, $0x1;
	_ =	strace $0x80000049;
	[dreg:$0x1] =	wrdreg $0xFFFFFFFF  }
0xad: {  	s28 =	simm.s32 $_size_execute0_lowered;
	s3 =	sadd.s32 s3, s5;
	[dreg:$0x0] =	wrdreg $0x0  }
0xae: {  	s5 =	sshll.u32 s28, $0x1;
	[dreg:$0x2] =	wrdreg s3  }
0xaf: {  	[dreg:$0x3] =	wrdreg s5  }
0xb0: {  	[dreg:$0x4] =	wrdreg $0xC0  }
0xb1: {  	_ =	task [dreg:s7], $0x5FFFF  }
0xb2: {  	[dreg:$0x1] =	wrdreg $0xFFFFFFFF  }
0xb3: {  	[dreg:$0x0] =	wrdreg $0x60  }
0xb4: {  	[dreg:$0x2] =	wrdreg s24  }
0xb5: {  	[dreg:$0x3] =	wrdreg s16  }
0xb6: {  	[dreg:$0x4] =	wrdreg $0x81000  }
0xb7: {  	[dreg:$0x5] =	wrdreg $0x9  }
0xb8: {  	_ =	task.clear_ibuf [dreg:s7], $0x6FFFF;
	_ =	strace $0x90000049  }
0xb9: {  	s29 =	simm.s32 $0x9;
	_ =	strace $0x8000004B  }
0xba: {  	_ =	swait.ge [sflag:s29], $0x1  }
0xbb: {  	[sflag:s29] =	ssyncadd.s32 $0xFFFFFFFF  }
0xbc: {  	_ =	strace $0x9000004B  }
0xbd: {  	_ =	sfence  }
0xbe: {  	s30 =	sld [smem:$0x0];
	_ =	sdelay $0x2  }
0xbf: {  	s31 =	sshll.u32 s1, $0xD;
	s1 =	sshrl.u32 s1, $0x2  }
0xc0: {  	s3 =	sand.u32 $0x4000, s31;
	s1 =	sadd.s32 s1, s30  }
0xc1: {  	s0 =	sor.u32 s3, s0;
	s1 =	sshll.u32 s1, $0x11  }
0xc2: {  	s0 =	sor.u32 s1, s0  }
0xc3: {  	s0 =	sadd.s32 $0x8F2B, s0  }
0xc4: {  	[sflag:s0] =	ssyncadd.remote.s32 $0x1  }
0xc5: {  	_ =	sfence.sel $0xFFFF  }
0xc6: {  	[dreg:$0x0] =	wrdreg $0xFFFFFFFF;
	(pc) =	sbr.abs _section_cstart, $3  }
0xc7: {  	[dreg:$0x1] =	wrdreg $0xFFFFFFFF  }
0xc8: {  	_ =	task.clear_ibuf [dreg:s7], $0x2FFFF;
	_ =	strace $0x9FFFFFFF  }
0xc9: {  	(tm) =	ssettm $0x7FFFFFFF  }
tec
execute0_lowered:
.L_overlay_start_1:
0x0: {  	(tag) =	ssettag $0x1  }
0x1: {  	s4 =	rddreg [dreg:$0x0]  }
0x2: {  	s14 =	rddreg [dreg:$0x1]  }
0x3: {  	s2 =	rddreg [dreg:$0x2];
	s1 =	stileid.u32  }
0x4: {  	s0 =	rddreg [dreg:$0x3];
	s6 =	smul.u32 $0x12000, s1  }
0x5: {  	s5 =	srdreg.scid;
	s23 =	smul.u32 $0x48000, s1  }
0x6: {  	s3 =	simm.s32 $0x0;
	s11 =	sand.u32 $0x1, s5;
	s26 =	smul.u32 $0x24000, s1  }
0x7: {  	[smem:$0x7FF] =	sst s3;
	s12 =	sadd.s32 $0x2EA400, s4;
	s17 =	smul.u32 $0x2400, s1  }
0x8: {  	s7 =	sshll.u32 s1, $0x1;
	s25 =	sshll.u32 s1, $0x6;
	s5 =	smul.u32 $0x120000, s11  }
0x9: {  	_ =	strace $0x8000004A;
	s19 =	sor.u32 s11, s7;
	s22 =	ssub.s32 $0x2, s11  }
0xa: {  	s7 =	sor.u32 $0x1C05, s25;
	s18 =	smul.u32 $0x1200, s11;
	s8 =	sshrl.u32 s6, $0x3  }
0xb: {  	s9 =	smul.u32 $0x1200, s19;
	s10 =	sshrl.u32 s22, $0x1;
	s24 =	sshrl.u32 s23, $0x2  }
0xc: {  	s23 =	simm.s32 $0x4;
	s5 =	sadd.s32 s6, s5;
	s20 =	sadd.s32 s8, s4  }
0xd: {  	s6 =	smul.u32 $0x12000, s19;
	s10 =	ssub.s32 s22, s10;
	s16 =	sadd.s32 s24, s2  }
0xe: {  	s19 =	smul.u32 $0x12000, s11;
	s29 =	sadd.s32 s18, s17;
	s17 =	simm.s32 $0x5  }
0xf: {  	s18 =	simm.s32 $0x1;
	s22 =	simm.s32 $0x2;
	s24 =	simm.s32 $0x0  }
0x10: {  	s5 =	sshrl.u32 s5, $0x3;
	s13 =	sshrl.u32 s9, $0x3;
	s15 =	sadd.s32 $0x1180, s9  }
0x11: {  	s9 =	smax.u32 s10, $0x1;
	s30 =	sor.u32 $0x100, s29;
	s16 =	sshrl.u32 s16, $0x3  }
0x12: {  	s21 =	sadd.s32 s5, s4;
	s4 =	sadd.s32 s14, s13;
	s5 =	sadd.s32 s12, s6  }
0x13: {  	s6 =	sadd.s32 $0x3B400, s20;
	s28 =	sshrl.u32 s15, $0x3;
	s15 =	sshll.u32 s15, $0x4  }
0x14: {  	s13 =	sor.u32 $0x80, s29;
	s20 =	simm.s32 $0x80;
	s8 =	sadd.s32 $0xAA400, s21  }
0x15: {  	s10 =	sadd.s32 s14, s28;
	s11 =	sadd.s32 s12, s15;
	s12 =	sadd.s32 s26, s12  }
0x16: {  	s15 =	sshrl.u32 s30, $0x3;
	s31 =	sshrl.u32 s13, $0x3;
	s21 =	simm.s32 $0x4100  }
0x17: {  	s12 =	sadd.s32 s19, s12;
	s13 =	sadd.s32 s15, s14;
	s14 =	sadd.s32 s31, s14  }
0x18: {  	s15 =	simm.s32 $0x100;
	s19 =	simm.s32 $0x3;
	s12 =	sadd.s32 $0x1000, s12  }
.LBB2_1:
0x19: {  	[tilespmem:s3], [sflag:$0x1] =	stream.linear.gather [hbm4b:s4+s3], $0x80, $0x38;
	[tilespmem:$0x1A100] =	vst v63  }
0x1a: {  	_ = 	snop  }
0x1b: {  	[tilespmem:s15], [sflag:$0x3] =	stream.linear.gather [hbm4b:s5+s3], $0x4000, $0x38;
	[tilespmem:$0x1A100] =	vst v63  }
0x1c: {  	[spmem:s16], [sflag:s7] =	dma.local [hbm:s6], $0x2400  }
0x1d: {  	_ =	swait.ge [sflag:s17], $0x2400  }
0x1e: {  	[sflag:s17] =	ssyncset.done $0x0  }
0x1f: {  	[sflag:s17] =	ssyncadd.s32 $0xFFFFDC00  }
0x20: {  	[bflag:$0x0] =	sbarrier.arrive $0xFFFF  }
0x21: {  	_ =	swait.ge [sflag:s18], $0x80  }
0x22: {  	[sflag:s18] =	ssyncset.done $0x0  }
0x23: {  	[sflag:s18] =	ssyncadd.s32 $0xFFFFFF80  }
0x24: {  	_ =	swait.ge [sflag:s19], $0x4000  }
0x25: {  	[sflag:s19] =	ssyncset.done $0x0  }
0x26: {  	s25 =	sadd.s32 $0x0, s14;
	[sflag:s19] =	ssyncadd.s32 $0xFFFFC000  }
0x27: {  	[tilespmem:s20], [sflag:$0x2] =	stream.linear.gather [hbm4b:s25+s3], $0x80, $0x38;
	[tilespmem:$0x1A100] =	vst v63  }
0x28: {  	s30 =	sadd.s32 $0xFFFFF800, s12  }
0x29: {  	[tilespmem:s21], [sflag:$0x4] =	stream.linear.gather [hbm4b:s30+s3], $0x4000, $0x38;
	[tilespmem:$0x1A100] =	vst v63  }
0x2a: {  	_ = 	snop  }
0x2b: {  	[spmem:s2] =	stream.indirect.scatter.add.f32 [tilespmem:s15], [sflag:$0x5], $0x80, s3, s20, $0xb8;
	[tilespmem:$0x1A100] =	vst v63  }
0x2c: {  	_ =	swait.ge [sflag:s17], $0x4000  }
0x2d: {  	[sflag:s17] =	ssyncset.done $0x0  }
0x2e: {  	[sflag:s17] =	ssyncadd.s32 $0xFFFFC000  }
0x2f: {  	_ =	swait.ge [sflag:s22], $0x80  }
0x30: {  	[sflag:s22] =	ssyncset.done $0x0  }
0x31: {  	[sflag:s22] =	ssyncadd.s32 $0xFFFFFF80  }
0x32: {  	_ =	swait.ge [sflag:s23], $0x4000  }
0x33: {  	[sflag:s23] =	ssyncset.done $0x0  }
0x34: {  	s31 =	sadd.s32 $0x0, s13;
	[sflag:s23] =	ssyncadd.s32 $0xFFFFC000  }
0x35: {  	[tilespmem:s3], [sflag:$0x1] =	stream.linear.gather [hbm4b:s31+s3], $0x80, $0x38;
	[tilespmem:$0x1A100] =	vst v63  }
0x36: {  	_ = 	snop  }
0x37: {  	[tilespmem:s15], [sflag:$0x3] =	stream.linear.gather [hbm4b:s12+s3], $0x4000, $0x38;
	[tilespmem:$0x1A100] =	vst v63  }
0x38: {  	_ = 	snop  }
0x39: {  	[spmem:s2] =	stream.indirect.scatter.add.f32 [tilespmem:s21], [sflag:$0x5], $0x80, s20, s20, $0xb8;
	[tilespmem:$0x1A100] =	vst v63  }
0x3a: {  	_ =	swait.ge [sflag:s17], $0x4000  }
0x3b: {  	s26 =	smov.u32 s12;
	s25 =	simm.s32 $0x20;
	[sflag:s17] =	ssyncset.done $0x0  }
.LBB2_2:
0x3c: {  	p0 =	sne.s32 s25, $0x200;
	[sflag:s17] =	ssyncadd.s32 $0xFFFFC000;
	s26 =	sadd.s32 $0x1000, s26  }
0x3d: {  	s28 =	smov.u32 s25;
	s25 =	sadd.s32 $0x20, s25  }
0x3e: {  	_ =	swait.ge [sflag:s18], $0x80  }
0x3f: {  	[sflag:s18] =	ssyncset.done $0x0  }
0x40: {  	[sflag:s18] =	ssyncadd.s32 $0xFFFFFF80  }
0x41: {  	_ =	swait.ge [sflag:s19], $0x4000  }
0x42: {  	[sflag:s19] =	ssyncset.done $0x0  }
0x43: {  	s29 =	sadd.s32 s28, s14;
	[sflag:s19] =	ssyncadd.s32 $0xFFFFC000  }
0x44: {  	[tilespmem:s20], [sflag:$0x2] =	stream.linear.gather [hbm4b:s29+s3], $0x80, $0x38;
	[tilespmem:$0x1A100] =	vst v63  }
0x45: {  	s29 =	sadd.s32 $0xFFFFF800, s26  }
0x46: {  	[tilespmem:s21], [sflag:$0x4] =	stream.linear.gather [hbm4b:s29+s3], $0x4000, $0x38;
	[tilespmem:$0x1A100] =	vst v63  }
0x47: {  	_ = 	snop  }
0x48: {  	[spmem:s2] =	stream.indirect.scatter.add.f32 [tilespmem:s15], [sflag:$0x5], $0x80, s3, s20, $0xb8;
	[tilespmem:$0x1A100] =	vst v63  }
0x49: {  	_ =	swait.ge [sflag:s17], $0x4000  }
0x4a: {  	[sflag:s17] =	ssyncset.done $0x0  }
0x4b: {  	[sflag:s17] =	ssyncadd.s32 $0xFFFFC000  }
0x4c: {  	_ =	swait.ge [sflag:s22], $0x80  }
0x4d: {  	[sflag:s22] =	ssyncset.done $0x0  }
0x4e: {  	[sflag:s22] =	ssyncadd.s32 $0xFFFFFF80  }
0x4f: {  	_ =	swait.ge [sflag:s23], $0x4000  }
0x50: {  	[sflag:s23] =	ssyncset.done $0x0  }
0x51: {  	s28 =	sadd.s32 s28, s13;
	[sflag:s23] =	ssyncadd.s32 $0xFFFFC000  }
0x52: {  	[tilespmem:s3], [sflag:$0x1] =	stream.linear.gather [hbm4b:s28+s3], $0x80, $0x38;
	[tilespmem:$0x1A100] =	vst v63  }
0x53: {  	_ = 	snop  }
0x54: {  	[tilespmem:s15], [sflag:$0x3] =	stream.linear.gather [hbm4b:s26+s3], $0x4000, $0x38;
	[tilespmem:$0x1A100] =	vst v63  }
.Ltmp0:
0x55: {  	_ = 	snop;
	(pc) =	sbr.rel @p0 .LBB2_2-.Ltmp0, $4  }
0x56: {  	_ = 	snop  }
0x57: {  	[spmem:s2] =	stream.indirect.scatter.add.f32 [tilespmem:s21], [sflag:$0x5], $0x80, s20, s20, $0xb8;
	[tilespmem:$0x1A100] =	vst v63  }
0x58: {  	_ =	swait.ge [sflag:s17], $0x4000  }
0x59: {  	[sflag:s17] =	ssyncset.done $0x0  }
0x5a: {  	[sflag:s17] =	ssyncadd.s32 $0xFFFFC000  }
0x5b: {  	_ =	swait.ge [sflag:s18], $0x80  }
0x5c: {  	[sflag:s18] =	ssyncset.done $0x0  }
0x5d: {  	[sflag:s18] =	ssyncadd.s32 $0xFFFFFF80  }
0x5e: {  	_ =	swait.ge [sflag:s19], $0x4000  }
0x5f: {  	[sflag:s19] =	ssyncset.done $0x0  }
0x60: {  	[sflag:s19] =	ssyncadd.s32 $0xFFFFC000  }
0x61: {  	[tilespmem:s20], [sflag:$0x2] =	stream.linear.gather [hbm4b:s10+s3], $0x80, $0x38;
	[tilespmem:$0x1A100] =	vst v63  }
0x62: {  	_ = 	snop  }
0x63: {  	[tilespmem:s21], [sflag:$0x4] =	stream.linear.gather [hbm4b:s11+s3], $0x4000, $0x38;
	[tilespmem:$0x1A100] =	vst v63  }
0x64: {  	_ = 	snop  }
0x65: {  	[spmem:s2] =	stream.indirect.scatter.add.f32 [tilespmem:s15], [sflag:$0x5], $0x80, s3, s20, $0xb8;
	[tilespmem:$0x1A100] =	vst v63  }
0x66: {  	_ =	swait.ge [sflag:s17], $0x4000  }
0x67: {  	[sflag:s17] =	ssyncset.done $0x0  }
0x68: {  	[sflag:s17] =	ssyncadd.s32 $0xFFFFC000  }
0x69: {  	_ =	swait.ge [sflag:s22], $0x80  }
0x6a: {  	[sflag:s22] =	ssyncset.done $0x0  }
0x6b: {  	[sflag:s22] =	ssyncadd.s32 $0xFFFFFF80  }
0x6c: {  	_ =	swait.ge [sflag:s23], $0x4000  }
0x6d: {  	[sflag:s23] =	ssyncset.done $0x0  }
0x6e: {  	[sflag:s23] =	ssyncadd.s32 $0xFFFFC000  }
0x6f: {  	[spmem:s2] =	stream.indirect.scatter.add.f32 [tilespmem:s21], [sflag:$0x5], $0x80, s20, s20, $0xb8;
	[tilespmem:$0x1A100] =	vst v63  }
0x70: {  	_ =	swait.ge [sflag:s17], $0x4000  }
0x71: {  	s24 =	sadd.s32 $0x1, s24;
	[sflag:s17] =	ssyncset.done $0x0  }
0x72: {  	p0 =	sne.s32 s24, s9;
	[sflag:s17] =	ssyncadd.s32 $0xFFFFC000  }
.Ltmp1:
0x73: {  	[bflag:$0x0] =	sbarrier.arrive $0xFFFF;
	(pc) =	sbr.rel @p0 .LBB2_1-.Ltmp1, $4  }
0x74: {  	[hbm:s8], [sflag:s7] =	dma.local [spmem:s16], $0x2400  }
0x75: {  	_ =	swait.ge [sflag:s17], $0x2400  }
0x76: {  	[sflag:s17] =	ssyncset.done $0x0  }
0x77: {  	[sflag:s17] =	ssyncadd.s32 $0xFFFFDC00  }
0x78: {  	_ =	sfence.sel $0x180000  }
0x79: {  	[bflag:$0x0] =	sbarrier.arrive $0xFFFF  }
0x7a: {  	p0 =	sne.s32 s1, $0x0;
	_ =	strace $0x9000004A  }
0x7b: {  	s0 =	sadd.s32 @!p0 $0x100000, s0;
	[bflag:$0x2] =	sbarrier.arrive $0xFFFF  }
0x7c: {  	[sflag:s0] =	ssyncadd.tile.s32 @!p0 $0x1;
	_ =	shalt  }
.Lfunc_end2:
_tile_overlayer_lowered:
.L_overlay_start_2:
0x7d: {  	(tag) =	ssettag $0x2  }
0x7e: {  	s0 =	rddreg [dreg:$0x0];
	s2 =	stileid.u32  }
0x7f: {  	s1 =	rddreg [dreg:$0x1];
	p0 =	sne.s32 s2, $0x0  }
0x80: {  	s3 =	rddreg [dreg:$0x2];
	[bflag:$0x3] =	sbarrier.arrive $0xFFFF;
	s2 =	simm.s32 @!p0 $0x1C05  }
0x81: {  	[timem:s3], [sflag:s2] =	dma.local @!p0 [hbm:s0], s1  }
0x82: {  	s0 =	simm.s32 @!p0 $0x5  }
0x83: {  	_ =	swait.ge @!p0 [sflag:s0], s1  }
0x84: {  	s1 =	ssub.s32 @!p0 $0x0, s1;
	[sflag:s0] =	ssyncset.done @!p0 $0x0  }
0x85: {  	[sflag:s0] =	ssyncadd.s32 @!p0 s1  }
0x86: {  	[bflag:$0x3] =	sbarrier.arrive $0xFFFF  }
0x87: {  	_ =	shalt  }

// kernel: kernel.29.cloned.1.call-start
scs
__scs_entry_jumppad:
0x0: {  	(pc) =	sbr.rel $0x88, $3  }
0x1: {  	(tag) =	ssettag $0x0;
	lr =	simm.s32 $0x1  }
0x2: {  	[smem:$0x3F8E] =	sst lr;
	_ =	strace $0xD0000000  }
0x3: {  	_ = 	snop  }
0x4: {  	_ = 	snop  }
0x5: {  	_ = 	snop  }
0x6: {  	_ = 	snop  }
0x7: {  	_ = 	snop  }
__scs_overlays_trampoline_lowered:
0x8: {  	[smem:$0x3F9D] =	sst s0  }
0x9: {  	[smem:$0x3F9E] =	sst s1  }
0xa: {  	[smem:$0x3F9F] =	sst s2  }
0xb: {  	[smem:$0x3FA0] =	sst s3  }
0xc: {  	[smem:$0x3FA1] =	sst s4  }
0xd: {  	[smem:$0x3FA2] =	sst s5  }
0xe: {  	[smem:$0x3FA3] =	sst s6  }
0xf: {  	[smem:$0x3FA4] =	sst s7  }
0x10: {  	[smem:$0x3FA5] =	sst s8  }
0x11: {  	[smem:$0x3FA6] =	sst s9;
	s0 =	simm.s32 @!p0 $0x0  }
0x12: {  	s1 =	sld [smem:$0x3F8C];
	s0 =	simm.s32 @p0 $0x1  }
0x13: {  	[smem:$0x3FA7] =	sst s0;
	s0 =	simm.s32 @!p1 $0x0  }
0x14: {  	s2 =	sld [smem:$0x3F8B];
	s0 =	simm.s32 @p1 $0x1  }
0x15: {  	[smem:$0x3FA8] =	sst s0;
	s0 =	simm.s32 @!p2 $0x0  }
0x16: {  	s3 =	sld [smem:$0x3FDB];
	s0 =	simm.s32 @p2 $0x1  }
0x17: {  	s4 =	simm.s32 $0x1BF5;
	[smem:$0x3FAA] =	sst s0  }
0x18: {  	s0 =	sld [smem:$0x3F8D];
	_ =	swait.ge [sflag:s4], $0x0  }
0x19: {  	s7 =	sld [smem:$0x3F8E]  }
0x1a: {  	s8 =	sadd.s32 $0xFFFFE003, lr  }
0x1b: {  	s9 =	sadd.s32 $0xFFFFFEF7, lr;
	s5 =	simm.s32 $0xFFFFFFFF;
	p2 =	slt.u32 s8, $0xFFFFF086  }
0x1c: {  	p1 =	slt.u32 s9, $0xF7A;
	s5 =	simm.s32 @!p2 $0x0  }
0x1d: {  	s5 =	simm.s32 @p1 $0x1;
	p0 =	seq.s32 s7, s2  }
0x1e: {  	s7 =	smul.u32 @!p0 $0xF7A, s2;
	p2 =	seq.s32 @!p0 s5, $0x0  }
0x1f: {  	s9 =	smul.u32 $0xF7A, s1;
	s8 =	simm.s32 @!p0 $0x1BF5;
	p2 =	por !p2, p0  }
0x20: {  	[sflag:s8] =	ssyncset.s32 @!p0 $0xFFFFF086;
	s6 =	sadd.s32 @!p0 s3, s7;
	s7 =	simm.s32 @!p0 $0x108  }
0x21: {  	s3 =	sadd.s32 s3, s9;
	s6 =	sadd.s32 @!p0 $0x88, s6;
	s7 =	simm.s32 @p2 $0x1082  }
0x22: {  	[simem:s7], [sflag:s8] =	dma.local @!p0 [hbm:s6], $0xF7A  }
0x23: {  	s9 =	sor.u32 $0xD0000000, s2;
	s6 =	simm.s32 $0x108;
	_ =	swait.ge @!p0 [sflag:s8], $0x0  }
0x24: {  	s3 =	sadd.s32 $0x88, s3;
	s6 =	simm.s32 @!p1 $0x1082;
	[sflag:s4] =	ssyncset.s32 $0xFFFFF086  }
0x25: {  	[simem:s6], [sflag:s4] =	dma.local [hbm:s3], $0xF7A  }
0x26: {  	[smem:$0x3F8E] =	sst s1;
	(tag) =	ssettag s2;
	_ =	strace s9  }
0x27: {  	s1 =	sld [smem:$0x3F9E]  }
0x28: {  	s2 =	sld [smem:$0x3F9F]  }
0x29: {  	s4 =	sld [smem:$0x3FA1]  }
0x2a: {  	p0 =	seq.s32 s5, $0x0;
	s5 =	sld [smem:$0x3FA2]  }
0x2b: {  	s6 =	sld [smem:$0x3FA3]  }
0x2c: {  	s7 =	sld [smem:$0x3FA4]  }
0x2d: {  	s3 =	simm.s32 $0x108;
	s8 =	sld [smem:$0x3FA5]  }
0x2e: {  	s3 =	simm.s32 @!p0 $0x1082;
	s9 =	sld [smem:$0x3FA6]  }
0x2f: {  	lr =	sadd.s32 s0, s3;
	s0 =	sld [smem:$0x3F9D]  }
0x30: {  	s3 =	sld [smem:$0x3FA0]  }
0x31: {  	[smem:$0x3FA9] =	sst s10  }
0x32: {  	s10 =	sld [smem:$0x3FA7];
	_ =	sdelay $0x3  }
0x33: {  	p0 =	seq.s32 s10, $0x1;
	s10 =	sld [smem:$0x3FA9];
	_ =	sdelay $0x3  }
0x34: {  	[smem:$0x3FA9] =	sst s10  }
0x35: {  	s10 =	sld [smem:$0x3FA8];
	_ =	sdelay $0x3  }
0x36: {  	p1 =	seq.s32 s10, $0x1;
	s10 =	sld [smem:$0x3FA9];
	_ =	sdelay $0x3  }
0x37: {  	[smem:$0x3FA9] =	sst s10  }
0x38: {  	s10 =	sld [smem:$0x3FAA]  }
0x39: {  	_ = 	snop;
	(pc) =	sbr.ind lr, $3  }
0x3a: {  	_ = 	snop  }
0x3b: {  	_ = 	snop  }
0x3c: {  	p2 =	seq.s32 s10, $0x1;
	s10 =	sld [smem:$0x3FA9]  }
0x3d: {  	_ =	shalt  }
0x3e: {  	_ =	shalt  }
0x3f: {  	_ =	shalt  }
0x40: {  	_ =	shalt  }
0x41: {  	_ =	shalt  }
0x42: {  	_ =	shalt  }
0x43: {  	_ =	shalt  }
0x44: {  	_ =	shalt  }
0x45: {  	_ =	shalt  }
0x46: {  	_ =	shalt  }
0x47: {  	_ =	shalt  }
0x48: {  	_ =	shalt  }
0x49: {  	_ =	shalt  }
0x4a: {  	_ =	shalt  }
0x4b: {  	_ =	shalt  }
0x4c: {  	_ =	shalt  }
0x4d: {  	_ =	shalt  }
0x4e: {  	_ =	shalt  }
0x4f: {  	_ =	shalt  }
0x50: {  	_ =	shalt  }
0x51: {  	_ =	shalt  }
0x52: {  	_ =	shalt  }
0x53: {  	_ =	shalt  }
0x54: {  	_ =	shalt  }
0x55: {  	_ =	shalt  }
0x56: {  	_ =	shalt  }
0x57: {  	_ =	shalt  }
0x58: {  	_ =	shalt  }
0x59: {  	_ =	shalt  }
0x5a: {  	_ =	shalt  }
0x5b: {  	_ =	shalt  }
0x5c: {  	_ =	shalt  }
0x5d: {  	_ =	shalt  }
0x5e: {  	_ =	shalt  }
0x5f: {  	_ =	shalt  }
0x60: {  	_ =	shalt  }
0x61: {  	_ =	shalt  }
0x62: {  	_ =	shalt  }
0x63: {  	_ =	shalt  }
0x64: {  	_ =	shalt  }
0x65: {  	_ =	shalt  }
0x66: {  	_ =	shalt  }
0x67: {  	_ =	shalt  }
0x68: {  	_ =	shalt  }
0x69: {  	_ =	shalt  }
0x6a: {  	_ =	shalt  }
0x6b: {  	_ =	shalt  }
0x6c: {  	_ =	shalt  }
0x6d: {  	_ =	shalt  }
0x6e: {  	_ =	shalt  }
0x6f: {  	_ =	shalt  }
0x70: {  	_ =	shalt  }
0x71: {  	_ =	shalt  }
0x72: {  	_ =	shalt  }
0x73: {  	_ =	shalt  }
0x74: {  	_ =	shalt  }
0x75: {  	_ =	shalt  }
0x76: {  	_ =	shalt  }
0x77: {  	_ =	shalt  }
0x78: {  	_ =	shalt  }
0x79: {  	_ =	shalt  }
0x7a: {  	_ =	shalt  }
0x7b: {  	_ =	shalt  }
0x7c: {  	_ =	shalt  }
0x7d: {  	_ =	shalt  }
0x7e: {  	_ =	shalt  }
0x7f: {  	_ =	shalt  }
0x80: {  	_ =	shalt  }
0x81: {  	_ =	shalt  }
0x82: {  	_ =	shalt  }
0x83: {  	_ =	shalt  }
0x84: {  	_ =	shalt  }
0x85: {  	_ =	shalt  }
0x86: {  	_ =	shalt  }
0x87: {  	_ =	shalt  }
.Lfunc_end0:
.L_simem_size_0:
called_computation.2_lowered:
.L_overlay_start_0:
0x88: {  	s2 =	sld [smem:$0x3FD9]  }
0x89: {  	s3 =	sld [smem:$0x3FFE];
	_ =	sdelay $0x1  }
0x8a: {  	s1 =	srdreg.scid  }
0x8b: {  	s0 =	sand.u32 $0x1, s1  }
0x8c: {  	s14 =	sshll.u32 s0, $0xA;
	s2 =	sadd.s32 s3, s2  }
0x8d: {  	s2 =	sadd.s32 s2, s14  }
0x8e: {  	[smem:$0x3FB5] =	sst s2  }
0x8f: {  	_ = 	snop  }
0x90: {  	s2 =	sld [smem:$0x3FD0];
	_ =	sdelay $0x2  }
0x91: {  	s15 =	simm.s32 $0xA;
	s4 =	simm.s32 $0x10  }
0x92: {  	[smem:s4], [sflag:s15] =	dma.local [hbm:s2], $0x1  }
0x93: {  	_ =	swait.eq [sflag:s15], $0x1  }
0x94: {  	[sflag:s15] =	ssyncset.done $0x0  }
0x95: {  	[sflag:s15] =	ssyncadd.s32 $0xFFFFFFFF  }
0x96: {  	s16 =	sld [smem:$0x10];
	(tm) =	ssettm $0x1  }
0x97: {  	s17 =	sld [smem:$0x3FFB];
	_ =	sdelay $0x3  }
0x98: {  	_ =	strace s17  }
0x99: {  	s3 =	sld [smem:$0x3FFC];
	_ =	sdelay $0x3  }
0x9a: {  	_ =	strace s3  }
0x9b: {  	s3 =	sld [smem:$0x3FFD];
	_ =	sdelay $0x3  }
0x9c: {  	_ =	strace s3  }
0x9d: {  	_ =	strace $0x8FFFFFFF  }
0x9e: {  	s18 =	sld [smem:$0x3FDB];
	_ =	sdelay $0x1  }
0x9f: {  	s19 =	simm.s32 $_scs_section_size  }
0xa0: {  	s5 =	simm.s32 $_size__tile_overlayer_lowered;
	s6 =	simm.s32 $_tile_overlayer_lowered  }
0xa1: {  	s22 =	simm.s32 $0x1BFF;
	s21 =	sshll.u32 s6, $0x1;
	s3 =	sadd.s32 s19, s18  }
0xa2: {  	s7 =	simm.s32 $0x0;
	s20 =	sshll.u32 s5, $0x1;
	s5 =	sadd.s32 s21, s3  }
0xa3: {  	[timem:s7], [sflag:s22] =	dma.local [hbm:s5], s20  }
0xa4: {  	_ =	swait.ge [sflag:s22], s20  }
0xa5: {  	s4 =	ssub.s32 $0x0, s20;
	[sflag:s22] =	ssyncset.done $0x0  }
0xa6: {  	[sflag:s22] =	ssyncadd.s32 s4;
	_ =	sdelay $0x1  }
0xa7: {  	s23 =	simm.s32 $0x1B8B  }
0xa8: {  	_ =	swait.ge [sflag:s23], $0x1  }
0xa9: {  	[sflag:s23] =	ssyncset.done $0x0  }
0xaa: {  	s25 =	simm.s32 $0x1B8E;
	s24 =	sld [smem:$0x3FFE];
	[sflag:s23] =	ssyncadd.s32 $0xFFFFFFFF  }
0xab: {  	s26 =	simm.s32 $execute0_lowered;
	[smem:$0x3FD2] =	sst s25  }
0xac: {  	s5 =	sshll.u32 s26, $0x1;
	_ =	strace $0x8000004C;
	[dreg:$0x1] =	wrdreg $0xFFFFFFFF  }
0xad: {  	s28 =	simm.s32 $_size_execute0_lowered;
	s3 =	sadd.s32 s3, s5;
	[dreg:$0x0] =	wrdreg $0x0  }
0xae: {  	s5 =	sshll.u32 s28, $0x1;
	[dreg:$0x2] =	wrdreg s3  }
0xaf: {  	[dreg:$0x3] =	wrdreg s5  }
0xb0: {  	[dreg:$0x4] =	wrdreg $0xC0  }
0xb1: {  	_ =	task [dreg:s7], $0x5FFFF  }
0xb2: {  	[dreg:$0x1] =	wrdreg $0xFFFFFFFF  }
0xb3: {  	[dreg:$0x0] =	wrdreg $0x60  }
0xb4: {  	[dreg:$0x2] =	wrdreg s24  }
0xb5: {  	[dreg:$0x3] =	wrdreg s16  }
0xb6: {  	[dreg:$0x4] =	wrdreg $0x81000  }
0xb7: {  	[dreg:$0x5] =	wrdreg $0x9  }
0xb8: {  	_ =	task.clear_ibuf [dreg:s7], $0x6FFFF;
	_ =	strace $0x9000004C  }
0xb9: {  	s29 =	simm.s32 $0x9;
	_ =	strace $0x8000004E  }
0xba: {  	_ =	swait.ge [sflag:s29], $0x1  }
0xbb: {  	[sflag:s29] =	ssyncadd.s32 $0xFFFFFFFF  }
0xbc: {  	_ =	strace $0x9000004E  }
0xbd: {  	_ =	sfence  }
0xbe: {  	s30 =	sld [smem:$0x0];
	_ =	sdelay $0x2  }
0xbf: {  	s31 =	sshll.u32 s1, $0xD;
	s1 =	sshrl.u32 s1, $0x2  }
0xc0: {  	s3 =	sand.u32 $0x4000, s31;
	s1 =	sadd.s32 s1, s30  }
0xc1: {  	s0 =	sor.u32 s3, s0;
	s1 =	sshll.u32 s1, $0x11  }
0xc2: {  	s0 =	sor.u32 s1, s0  }
0xc3: {  	s0 =	sadd.s32 $0x8F2B, s0  }
0xc4: {  	[sflag:s0] =	ssyncadd.remote.s32 $0x1  }
0xc5: {  	_ =	sfence.sel $0xFFFF  }
0xc6: {  	[dreg:$0x0] =	wrdreg $0xFFFFFFFF;
	(pc) =	sbr.abs _section_cstart, $3  }
0xc7: {  	[dreg:$0x1] =	wrdreg $0xFFFFFFFF  }
0xc8: {  	_ =	task.clear_ibuf [dreg:s7], $0x2FFFF;
	_ =	strace $0x9FFFFFFF  }
0xc9: {  	(tm) =	ssettm $0x7FFFFFFF  }
tec
execute0_lowered:
.L_overlay_start_1:
0x0: {  	(tag) =	ssettag $0x1  }
0x1: {  	s4 =	rddreg [dreg:$0x0]  }
0x2: {  	s14 =	rddreg [dreg:$0x1]  }
0x3: {  	s2 =	rddreg [dreg:$0x2];
	s1 =	stileid.u32  }
0x4: {  	s0 =	rddreg [dreg:$0x3];
	s6 =	smul.u32 $0x12000, s1  }
0x5: {  	s5 =	srdreg.scid;
	s23 =	smul.u32 $0x48000, s1  }
0x6: {  	s3 =	simm.s32 $0x0;
	s11 =	sand.u32 $0x1, s5;
	s26 =	smul.u32 $0x24000, s1  }
0x7: {  	[smem:$0x7FF] =	sst s3;
	s12 =	sadd.s32 $0x2EA400, s4;
	s17 =	smul.u32 $0x2400, s1  }
0x8: {  	s7 =	sshll.u32 s1, $0x1;
	s25 =	sshll.u32 s1, $0x6;
	s5 =	smul.u32 $0x120000, s11  }
0x9: {  	_ =	strace $0x8000004D;
	s19 =	sor.u32 s11, s7;
	s22 =	ssub.s32 $0x2, s11  }
0xa: {  	s7 =	sor.u32 $0x1C05, s25;
	s18 =	smul.u32 $0x1200, s11;
	s8 =	sshrl.u32 s6, $0x3  }
0xb: {  	s9 =	smul.u32 $0x1200, s19;
	s10 =	sshrl.u32 s22, $0x1;
	s24 =	sshrl.u32 s23, $0x2  }
0xc: {  	s23 =	simm.s32 $0x4;
	s5 =	sadd.s32 s6, s5;
	s20 =	sadd.s32 s8, s4  }
0xd: {  	s6 =	smul.u32 $0x12000, s19;
	s10 =	ssub.s32 s22, s10;
	s16 =	sadd.s32 s24, s2  }
0xe: {  	s19 =	smul.u32 $0x12000, s11;
	s29 =	sadd.s32 s18, s17;
	s17 =	simm.s32 $0x5  }
0xf: {  	s18 =	simm.s32 $0x1;
	s22 =	simm.s32 $0x2;
	s24 =	simm.s32 $0x0  }
0x10: {  	s5 =	sshrl.u32 s5, $0x3;
	s13 =	sshrl.u32 s9, $0x3;
	s15 =	sadd.s32 $0x1180, s9  }
0x11: {  	s9 =	smax.u32 s10, $0x1;
	s30 =	sor.u32 $0x100, s29;
	s16 =	sshrl.u32 s16, $0x3  }
0x12: {  	s21 =	sadd.s32 s5, s4;
	s4 =	sadd.s32 s14, s13;
	s5 =	sadd.s32 s12, s6  }
0x13: {  	s6 =	sadd.s32 $0x3B400, s20;
	s28 =	sshrl.u32 s15, $0x3;
	s15 =	sshll.u32 s15, $0x4  }
0x14: {  	s13 =	sor.u32 $0x80, s29;
	s20 =	simm.s32 $0x80;
	s8 =	sadd.s32 $0xAA400, s21  }
0x15: {  	s10 =	sadd.s32 s14, s28;
	s11 =	sadd.s32 s12, s15;
	s12 =	sadd.s32 s26, s12  }
0x16: {  	s15 =	sshrl.u32 s30, $0x3;
	s31 =	sshrl.u32 s13, $0x3;
	s21 =	simm.s32 $0x4100  }
0x17: {  	s12 =	sadd.s32 s19, s12;
	s13 =	sadd.s32 s15, s14;
	s14 =	sadd.s32 s31, s14  }
0x18: {  	s15 =	simm.s32 $0x100;
	s19 =	simm.s32 $0x3;
	s12 =	sadd.s32 $0x1000, s12  }
.LBB2_1:
0x19: {  	[tilespmem:s3], [sflag:$0x1] =	stream.linear.gather [hbm4b:s4+s3], $0x80, $0x38;
	[tilespmem:$0x1A100] =	vst v63  }
0x1a: {  	_ = 	snop  }
0x1b: {  	[tilespmem:s15], [sflag:$0x3] =	stream.linear.gather [hbm4b:s5+s3], $0x4000, $0x38;
	[tilespmem:$0x1A100] =	vst v63  }
0x1c: {  	[spmem:s16], [sflag:s7] =	dma.local [hbm:s6], $0x2400  }
0x1d: {  	_ =	swait.ge [sflag:s17], $0x2400  }
0x1e: {  	[sflag:s17] =	ssyncset.done $0x0  }
0x1f: {  	[sflag:s17] =	ssyncadd.s32 $0xFFFFDC00  }
0x20: {  	[bflag:$0x0] =	sbarrier.arrive $0xFFFF  }
0x21: {  	_ =	swait.ge [sflag:s18], $0x80  }
0x22: {  	[sflag:s18] =	ssyncset.done $0x0  }
0x23: {  	[sflag:s18] =	ssyncadd.s32 $0xFFFFFF80  }
0x24: {  	_ =	swait.ge [sflag:s19], $0x4000  }
0x25: {  	[sflag:s19] =	ssyncset.done $0x0  }
0x26: {  	s25 =	sadd.s32 $0x0, s14;
	[sflag:s19] =	ssyncadd.s32 $0xFFFFC000  }
0x27: {  	[tilespmem:s20], [sflag:$0x2] =	stream.linear.gather [hbm4b:s25+s3], $0x80, $0x38;
	[tilespmem:$0x1A100] =	vst v63  }
0x28: {  	s30 =	sadd.s32 $0xFFFFF800, s12  }
0x29: {  	[tilespmem:s21], [sflag:$0x4] =	stream.linear.gather [hbm4b:s30+s3], $0x4000, $0x38;
	[tilespmem:$0x1A100] =	vst v63  }
0x2a: {  	_ = 	snop  }
0x2b: {  	[spmem:s2] =	stream.indirect.scatter.add.f32 [tilespmem:s15], [sflag:$0x5], $0x80, s3, s20, $0xb8;
	[tilespmem:$0x1A100] =	vst v63  }
0x2c: {  	_ =	swait.ge [sflag:s17], $0x4000  }
0x2d: {  	[sflag:s17] =	ssyncset.done $0x0  }
0x2e: {  	[sflag:s17] =	ssyncadd.s32 $0xFFFFC000  }
0x2f: {  	_ =	swait.ge [sflag:s22], $0x80  }
0x30: {  	[sflag:s22] =	ssyncset.done $0x0  }
0x31: {  	[sflag:s22] =	ssyncadd.s32 $0xFFFFFF80  }
0x32: {  	_ =	swait.ge [sflag:s23], $0x4000  }
0x33: {  	[sflag:s23] =	ssyncset.done $0x0  }
0x34: {  	s31 =	sadd.s32 $0x0, s13;
	[sflag:s23] =	ssyncadd.s32 $0xFFFFC000  }
0x35: {  	[tilespmem:s3], [sflag:$0x1] =	stream.linear.gather [hbm4b:s31+s3], $0x80, $0x38;
	[tilespmem:$0x1A100] =	vst v63  }
0x36: {  	_ = 	snop  }
0x37: {  	[tilespmem:s15], [sflag:$0x3] =	stream.linear.gather [hbm4b:s12+s3], $0x4000, $0x38;
	[tilespmem:$0x1A100] =	vst v63  }
0x38: {  	_ = 	snop  }
0x39: {  	[spmem:s2] =	stream.indirect.scatter.add.f32 [tilespmem:s21], [sflag:$0x5], $0x80, s20, s20, $0xb8;
	[tilespmem:$0x1A100] =	vst v63  }
0x3a: {  	_ =	swait.ge [sflag:s17], $0x4000  }
0x3b: {  	s26 =	smov.u32 s12;
	s25 =	simm.s32 $0x20;
	[sflag:s17] =	ssyncset.done $0x0  }
.LBB2_2:
0x3c: {  	p0 =	sne.s32 s25, $0x200;
	[sflag:s17] =	ssyncadd.s32 $0xFFFFC000;
	s26 =	sadd.s32 $0x1000, s26  }
0x3d: {  	s28 =	smov.u32 s25;
	s25 =	sadd.s32 $0x20, s25  }
0x3e: {  	_ =	swait.ge [sflag:s18], $0x80  }
0x3f: {  	[sflag:s18] =	ssyncset.done $0x0  }
0x40: {  	[sflag:s18] =	ssyncadd.s32 $0xFFFFFF80  }
0x41: {  	_ =	swait.ge [sflag:s19], $0x4000  }
0x42: {  	[sflag:s19] =	ssyncset.done $0x0  }
0x43: {  	s29 =	sadd.s32 s28, s14;
	[sflag:s19] =	ssyncadd.s32 $0xFFFFC000  }
0x44: {  	[tilespmem:s20], [sflag:$0x2] =	stream.linear.gather [hbm4b:s29+s3], $0x80, $0x38;
	[tilespmem:$0x1A100] =	vst v63  }
0x45: {  	s29 =	sadd.s32 $0xFFFFF800, s26  }
0x46: {  	[tilespmem:s21], [sflag:$0x4] =	stream.linear.gather [hbm4b:s29+s3], $0x4000, $0x38;
	[tilespmem:$0x1A100] =	vst v63  }
0x47: {  	_ = 	snop  }
0x48: {  	[spmem:s2] =	stream.indirect.scatter.add.f32 [tilespmem:s15], [sflag:$0x5], $0x80, s3, s20, $0xb8;
	[tilespmem:$0x1A100] =	vst v63  }
0x49: {  	_ =	swait.ge [sflag:s17], $0x4000  }
0x4a: {  	[sflag:s17] =	ssyncset.done $0x0  }
0x4b: {  	[sflag:s17] =	ssyncadd.s32 $0xFFFFC000  }
0x4c: {  	_ =	swait.ge [sflag:s22], $0x80  }
0x4d: {  	[sflag:s22] =	ssyncset.done $0x0  }
0x4e: {  	[sflag:s22] =	ssyncadd.s32 $0xFFFFFF80  }
0x4f: {  	_ =	swait.ge [sflag:s23], $0x4000  }
0x50: {  	[sflag:s23] =	ssyncset.done $0x0  }
0x51: {  	s28 =	sadd.s32 s28, s13;
	[sflag:s23] =	ssyncadd.s32 $0xFFFFC000  }
0x52: {  	[tilespmem:s3], [sflag:$0x1] =	stream.linear.gather [hbm4b:s28+s3], $0x80, $0x38;
	[tilespmem:$0x1A100] =	vst v63  }
0x53: {  	_ = 	snop  }
0x54: {  	[tilespmem:s15], [sflag:$0x3] =	stream.linear.gather [hbm4b:s26+s3], $0x4000, $0x38;
	[tilespmem:$0x1A100] =	vst v63  }
.Ltmp0:
0x55: {  	_ = 	snop;
	(pc) =	sbr.rel @p0 .LBB2_2-.Ltmp0, $4  }
0x56: {  	_ = 	snop  }
0x57: {  	[spmem:s2] =	stream.indirect.scatter.add.f32 [tilespmem:s21], [sflag:$0x5], $0x80, s20, s20, $0xb8;
	[tilespmem:$0x1A100] =	vst v63  }
0x58: {  	_ =	swait.ge [sflag:s17], $0x4000  }
0x59: {  	[sflag:s17] =	ssyncset.done $0x0  }
0x5a: {  	[sflag:s17] =	ssyncadd.s32 $0xFFFFC000  }
0x5b: {  	_ =	swait.ge [sflag:s18], $0x80  }
0x5c: {  	[sflag:s18] =	ssyncset.done $0x0  }
0x5d: {  	[sflag:s18] =	ssyncadd.s32 $0xFFFFFF80  }
0x5e: {  	_ =	swait.ge [sflag:s19], $0x4000  }
0x5f: {  	[sflag:s19] =	ssyncset.done $0x0  }
0x60: {  	[sflag:s19] =	ssyncadd.s32 $0xFFFFC000  }
0x61: {  	[tilespmem:s20], [sflag:$0x2] =	stream.linear.gather [hbm4b:s10+s3], $0x80, $0x38;
	[tilespmem:$0x1A100] =	vst v63  }
0x62: {  	_ = 	snop  }
0x63: {  	[tilespmem:s21], [sflag:$0x4] =	stream.linear.gather [hbm4b:s11+s3], $0x4000, $0x38;
	[tilespmem:$0x1A100] =	vst v63  }
0x64: {  	_ = 	snop  }
0x65: {  	[spmem:s2] =	stream.indirect.scatter.add.f32 [tilespmem:s15], [sflag:$0x5], $0x80, s3, s20, $0xb8;
	[tilespmem:$0x1A100] =	vst v63  }
0x66: {  	_ =	swait.ge [sflag:s17], $0x4000  }
0x67: {  	[sflag:s17] =	ssyncset.done $0x0  }
0x68: {  	[sflag:s17] =	ssyncadd.s32 $0xFFFFC000  }
0x69: {  	_ =	swait.ge [sflag:s22], $0x80  }
0x6a: {  	[sflag:s22] =	ssyncset.done $0x0  }
0x6b: {  	[sflag:s22] =	ssyncadd.s32 $0xFFFFFF80  }
0x6c: {  	_ =	swait.ge [sflag:s23], $0x4000  }
0x6d: {  	[sflag:s23] =	ssyncset.done $0x0  }
0x6e: {  	[sflag:s23] =	ssyncadd.s32 $0xFFFFC000  }
0x6f: {  	[spmem:s2] =	stream.indirect.scatter.add.f32 [tilespmem:s21], [sflag:$0x5], $0x80, s20, s20, $0xb8;
	[tilespmem:$0x1A100] =	vst v63  }
0x70: {  	_ =	swait.ge [sflag:s17], $0x4000  }
0x71: {  	s24 =	sadd.s32 $0x1, s24;
	[sflag:s17] =	ssyncset.done $0x0  }
0x72: {  	p0 =	sne.s32 s24, s9;
	[sflag:s17] =	ssyncadd.s32 $0xFFFFC000  }
.Ltmp1:
0x73: {  	[bflag:$0x0] =	sbarrier.arrive $0xFFFF;
	(pc) =	sbr.rel @p0 .LBB2_1-.Ltmp1, $4  }
0x74: {  	[hbm:s8], [sflag:s7] =	dma.local [spmem:s16], $0x2400  }
0x75: {  	_ =	swait.ge [sflag:s17], $0x2400  }
0x76: {  	[sflag:s17] =	ssyncset.done $0x0  }
0x77: {  	[sflag:s17] =	ssyncadd.s32 $0xFFFFDC00  }
0x78: {  	_ =	sfence.sel $0x180000  }
0x79: {  	[bflag:$0x0] =	sbarrier.arrive $0xFFFF  }
0x7a: {  	p0 =	sne.s32 s1, $0x0;
	_ =	strace $0x9000004D  }
0x7b: {  	s0 =	sadd.s32 @!p0 $0x100000, s0;
	[bflag:$0x2] =	sbarrier.arrive $0xFFFF  }
0x7c: {  	[sflag:s0] =	ssyncadd.tile.s32 @!p0 $0x1;
	_ =	shalt  }
.Lfunc_end2:
_tile_overlayer_lowered:
.L_overlay_start_2:
0x7d: {  	(tag) =	ssettag $0x2  }
0x7e: {  	s0 =	rddreg [dreg:$0x0];
	s2 =	stileid.u32  }
0x7f: {  	s1 =	rddreg [dreg:$0x1];
	p0 =	sne.s32 s2, $0x0  }
0x80: {  	s3 =	rddreg [dreg:$0x2];
	[bflag:$0x3] =	sbarrier.arrive $0xFFFF;
	s2 =	simm.s32 @!p0 $0x1C05  }
0x81: {  	[timem:s3], [sflag:s2] =	dma.local @!p0 [hbm:s0], s1  }
0x82: {  	s0 =	simm.s32 @!p0 $0x5  }
0x83: {  	_ =	swait.ge @!p0 [sflag:s0], s1  }
0x84: {  	s1 =	ssub.s32 @!p0 $0x0, s1;
	[sflag:s0] =	ssyncset.done @!p0 $0x0  }
0x85: {  	[sflag:s0] =	ssyncadd.s32 @!p0 s1  }
0x86: {  	[bflag:$0x3] =	sbarrier.arrive $0xFFFF  }
0x87: {  	_ =	shalt  }

// kernel: kernel.32.cloned.1.call-start
scs
__scs_entry_jumppad:
0x0: {  	(pc) =	sbr.rel $0x88, $3  }
0x1: {  	(tag) =	ssettag $0x0;
	lr =	simm.s32 $0x1  }
0x2: {  	[smem:$0x3F8E] =	sst lr;
	_ =	strace $0xD0000000  }
0x3: {  	_ = 	snop  }
0x4: {  	_ = 	snop  }
0x5: {  	_ = 	snop  }
0x6: {  	_ = 	snop  }
0x7: {  	_ = 	snop  }
__scs_overlays_trampoline_lowered:
0x8: {  	[smem:$0x3F9D] =	sst s0  }
0x9: {  	[smem:$0x3F9E] =	sst s1  }
0xa: {  	[smem:$0x3F9F] =	sst s2  }
0xb: {  	[smem:$0x3FA0] =	sst s3  }
0xc: {  	[smem:$0x3FA1] =	sst s4  }
0xd: {  	[smem:$0x3FA2] =	sst s5  }
0xe: {  	[smem:$0x3FA3] =	sst s6  }
0xf: {  	[smem:$0x3FA4] =	sst s7  }
0x10: {  	[smem:$0x3FA5] =	sst s8  }
0x11: {  	[smem:$0x3FA6] =	sst s9;
	s0 =	simm.s32 @!p0 $0x0  }
0x12: {  	s1 =	sld [smem:$0x3F8C];
	s0 =	simm.s32 @p0 $0x1  }
0x13: {  	[smem:$0x3FA7] =	sst s0;
	s0 =	simm.s32 @!p1 $0x0  }
0x14: {  	s2 =	sld [smem:$0x3F8B];
	s0 =	simm.s32 @p1 $0x1  }
0x15: {  	[smem:$0x3FA8] =	sst s0;
	s0 =	simm.s32 @!p2 $0x0  }
0x16: {  	s3 =	sld [smem:$0x3FDB];
	s0 =	simm.s32 @p2 $0x1  }
0x17: {  	s4 =	simm.s32 $0x1BF5;
	[smem:$0x3FAA] =	sst s0  }
0x18: {  	s0 =	sld [smem:$0x3F8D];
	_ =	swait.ge [sflag:s4], $0x0  }
0x19: {  	s7 =	sld [smem:$0x3F8E]  }
0x1a: {  	s8 =	sadd.s32 $0xFFFFE003, lr  }
0x1b: {  	s9 =	sadd.s32 $0xFFFFFEF7, lr;
	s5 =	simm.s32 $0xFFFFFFFF;
	p2 =	slt.u32 s8, $0xFFFFF086  }
0x1c: {  	p1 =	slt.u32 s9, $0xF7A;
	s5 =	simm.s32 @!p2 $0x0  }
0x1d: {  	s5 =	simm.s32 @p1 $0x1;
	p0 =	seq.s32 s7, s2  }
0x1e: {  	s7 =	smul.u32 @!p0 $0xF7A, s2;
	p2 =	seq.s32 @!p0 s5, $0x0  }
0x1f: {  	s9 =	smul.u32 $0xF7A, s1;
	s8 =	simm.s32 @!p0 $0x1BF5;
	p2 =	por !p2, p0  }
0x20: {  	[sflag:s8] =	ssyncset.s32 @!p0 $0xFFFFF086;
	s6 =	sadd.s32 @!p0 s3, s7;
	s7 =	simm.s32 @!p0 $0x108  }
0x21: {  	s3 =	sadd.s32 s3, s9;
	s6 =	sadd.s32 @!p0 $0x88, s6;
	s7 =	simm.s32 @p2 $0x1082  }
0x22: {  	[simem:s7], [sflag:s8] =	dma.local @!p0 [hbm:s6], $0xF7A  }
0x23: {  	s9 =	sor.u32 $0xD0000000, s2;
	s6 =	simm.s32 $0x108;
	_ =	swait.ge @!p0 [sflag:s8], $0x0  }
0x24: {  	s3 =	sadd.s32 $0x88, s3;
	s6 =	simm.s32 @!p1 $0x1082;
	[sflag:s4] =	ssyncset.s32 $0xFFFFF086  }
0x25: {  	[simem:s6], [sflag:s4] =	dma.local [hbm:s3], $0xF7A  }
0x26: {  	[smem:$0x3F8E] =	sst s1;
	(tag) =	ssettag s2;
	_ =	strace s9  }
0x27: {  	s1 =	sld [smem:$0x3F9E]  }
0x28: {  	s2 =	sld [smem:$0x3F9F]  }
0x29: {  	s4 =	sld [smem:$0x3FA1]  }
0x2a: {  	p0 =	seq.s32 s5, $0x0;
	s5 =	sld [smem:$0x3FA2]  }
0x2b: {  	s6 =	sld [smem:$0x3FA3]  }
0x2c: {  	s7 =	sld [smem:$0x3FA4]  }
0x2d: {  	s3 =	simm.s32 $0x108;
	s8 =	sld [smem:$0x3FA5]  }
0x2e: {  	s3 =	simm.s32 @!p0 $0x1082;
	s9 =	sld [smem:$0x3FA6]  }
0x2f: {  	lr =	sadd.s32 s0, s3;
	s0 =	sld [smem:$0x3F9D]  }
0x30: {  	s3 =	sld [smem:$0x3FA0]  }
0x31: {  	[smem:$0x3FA9] =	sst s10  }
0x32: {  	s10 =	sld [smem:$0x3FA7];
	_ =	sdelay $0x3  }
0x33: {  	p0 =	seq.s32 s10, $0x1;
	s10 =	sld [smem:$0x3FA9];
	_ =	sdelay $0x3  }
0x34: {  	[smem:$0x3FA9] =	sst s10  }
0x35: {  	s10 =	sld [smem:$0x3FA8];
	_ =	sdelay $0x3  }
0x36: {  	p1 =	seq.s32 s10, $0x1;
	s10 =	sld [smem:$0x3FA9];
	_ =	sdelay $0x3  }
0x37: {  	[smem:$0x3FA9] =	sst s10  }
0x38: {  	s10 =	sld [smem:$0x3FAA]  }
0x39: {  	_ = 	snop;
	(pc) =	sbr.ind lr, $3  }
0x3a: {  	_ = 	snop  }
0x3b: {  	_ = 	snop  }
0x3c: {  	p2 =	seq.s32 s10, $0x1;
	s10 =	sld [smem:$0x3FA9]  }
0x3d: {  	_ =	shalt  }
0x3e: {  	_ =	shalt  }
0x3f: {  	_ =	shalt  }
0x40: {  	_ =	shalt  }
0x41: {  	_ =	shalt  }
0x42: {  	_ =	shalt  }
0x43: {  	_ =	shalt  }
0x44: {  	_ =	shalt  }
0x45: {  	_ =	shalt  }
0x46: {  	_ =	shalt  }
0x47: {  	_ =	shalt  }
0x48: {  	_ =	shalt  }
0x49: {  	_ =	shalt  }
0x4a: {  	_ =	shalt  }
0x4b: {  	_ =	shalt  }
0x4c: {  	_ =	shalt  }
0x4d: {  	_ =	shalt  }
0x4e: {  	_ =	shalt  }
0x4f: {  	_ =	shalt  }
0x50: {  	_ =	shalt  }
0x51: {  	_ =	shalt  }
0x52: {  	_ =	shalt  }
0x53: {  	_ =	shalt  }
0x54: {  	_ =	shalt  }
0x55: {  	_ =	shalt  }
0x56: {  	_ =	shalt  }
0x57: {  	_ =	shalt  }
0x58: {  	_ =	shalt  }
0x59: {  	_ =	shalt  }
0x5a: {  	_ =	shalt  }
0x5b: {  	_ =	shalt  }
0x5c: {  	_ =	shalt  }
0x5d: {  	_ =	shalt  }
0x5e: {  	_ =	shalt  }
0x5f: {  	_ =	shalt  }
0x60: {  	_ =	shalt  }
0x61: {  	_ =	shalt  }
0x62: {  	_ =	shalt  }
0x63: {  	_ =	shalt  }
0x64: {  	_ =	shalt  }
0x65: {  	_ =	shalt  }
0x66: {  	_ =	shalt  }
0x67: {  	_ =	shalt  }
0x68: {  	_ =	shalt  }
0x69: {  	_ =	shalt  }
0x6a: {  	_ =	shalt  }
0x6b: {  	_ =	shalt  }
0x6c: {  	_ =	shalt  }
0x6d: {  	_ =	shalt  }
0x6e: {  	_ =	shalt  }
0x6f: {  	_ =	shalt  }
0x70: {  	_ =	shalt  }
0x71: {  	_ =	shalt  }
0x72: {  	_ =	shalt  }
0x73: {  	_ =	shalt  }
0x74: {  	_ =	shalt  }
0x75: {  	_ =	shalt  }
0x76: {  	_ =	shalt  }
0x77: {  	_ =	shalt  }
0x78: {  	_ =	shalt  }
0x79: {  	_ =	shalt  }
0x7a: {  	_ =	shalt  }
0x7b: {  	_ =	shalt  }
0x7c: {  	_ =	shalt  }
0x7d: {  	_ =	shalt  }
0x7e: {  	_ =	shalt  }
0x7f: {  	_ =	shalt  }
0x80: {  	_ =	shalt  }
0x81: {  	_ =	shalt  }
0x82: {  	_ =	shalt  }
0x83: {  	_ =	shalt  }
0x84: {  	_ =	shalt  }
0x85: {  	_ =	shalt  }
0x86: {  	_ =	shalt  }
0x87: {  	_ =	shalt  }
.Lfunc_end0:
.L_simem_size_0:
called_computation.3_lowered:
.L_overlay_start_0:
0x88: {  	s2 =	sld [smem:$0x3FD9]  }
0x89: {  	s3 =	sld [smem:$0x3FFE];
	_ =	sdelay $0x1  }
0x8a: {  	s1 =	srdreg.scid  }
0x8b: {  	s0 =	sand.u32 $0x1, s1  }
0x8c: {  	s14 =	sshll.u32 s0, $0xA;
	s2 =	sadd.s32 s3, s2  }
0x8d: {  	s2 =	sadd.s32 s2, s14  }
0x8e: {  	[smem:$0x3FB5] =	sst s2  }
0x8f: {  	_ = 	snop  }
0x90: {  	s2 =	sld [smem:$0x3FD0];
	_ =	sdelay $0x2  }
0x91: {  	s15 =	simm.s32 $0xA;
	s4 =	simm.s32 $0x10  }
0x92: {  	[smem:s4], [sflag:s15] =	dma.local [hbm:s2], $0x1  }
0x93: {  	_ =	swait.eq [sflag:s15], $0x1  }
0x94: {  	[sflag:s15] =	ssyncset.done $0x0  }
0x95: {  	[sflag:s15] =	ssyncadd.s32 $0xFFFFFFFF  }
0x96: {  	s16 =	sld [smem:$0x10];
	(tm) =	ssettm $0x1  }
0x97: {  	s17 =	sld [smem:$0x3FFB];
	_ =	sdelay $0x3  }
0x98: {  	_ =	strace s17  }
0x99: {  	s3 =	sld [smem:$0x3FFC];
	_ =	sdelay $0x3  }
0x9a: {  	_ =	strace s3  }
0x9b: {  	s3 =	sld [smem:$0x3FFD];
	_ =	sdelay $0x3  }
0x9c: {  	_ =	strace s3  }
0x9d: {  	_ =	strace $0x8FFFFFFF  }
0x9e: {  	s18 =	sld [smem:$0x3FDB];
	_ =	sdelay $0x1  }
0x9f: {  	s19 =	simm.s32 $_scs_section_size  }
0xa0: {  	s5 =	simm.s32 $_size__tile_overlayer_lowered;
	s6 =	simm.s32 $_tile_overlayer_lowered  }
0xa1: {  	s22 =	simm.s32 $0x1BFF;
	s21 =	sshll.u32 s6, $0x1;
	s3 =	sadd.s32 s19, s18  }
0xa2: {  	s7 =	simm.s32 $0x0;
	s20 =	sshll.u32 s5, $0x1;
	s5 =	sadd.s32 s21, s3  }
0xa3: {  	[timem:s7], [sflag:s22] =	dma.local [hbm:s5], s20  }
0xa4: {  	_ =	swait.ge [sflag:s22], s20  }
0xa5: {  	s4 =	ssub.s32 $0x0, s20;
	[sflag:s22] =	ssyncset.done $0x0  }
0xa6: {  	[sflag:s22] =	ssyncadd.s32 s4;
	_ =	sdelay $0x1  }
0xa7: {  	s23 =	simm.s32 $0x1B8B  }
0xa8: {  	_ =	swait.ge [sflag:s23], $0x1  }
0xa9: {  	[sflag:s23] =	ssyncset.done $0x0  }
0xaa: {  	s25 =	simm.s32 $0x1B8E;
	s24 =	sld [smem:$0x3FFE];
	[sflag:s23] =	ssyncadd.s32 $0xFFFFFFFF  }
0xab: {  	s26 =	simm.s32 $execute0_lowered;
	[smem:$0x3FD2] =	sst s25  }
0xac: {  	s5 =	sshll.u32 s26, $0x1;
	_ =	strace $0x8000004F;
	[dreg:$0x1] =	wrdreg $0xFFFFFFFF  }
0xad: {  	s28 =	simm.s32 $_size_execute0_lowered;
	s3 =	sadd.s32 s3, s5;
	[dreg:$0x0] =	wrdreg $0x0  }
0xae: {  	s5 =	sshll.u32 s28, $0x1;
	[dreg:$0x2] =	wrdreg s3  }
0xaf: {  	[dreg:$0x3] =	wrdreg s5  }
0xb0: {  	[dreg:$0x4] =	wrdreg $0xC0  }
0xb1: {  	_ =	task [dreg:s7], $0x5FFFF  }
0xb2: {  	[dreg:$0x1] =	wrdreg $0xFFFFFFFF  }
0xb3: {  	[dreg:$0x0] =	wrdreg $0x60  }
0xb4: {  	[dreg:$0x2] =	wrdreg s24  }
0xb5: {  	[dreg:$0x3] =	wrdreg s16  }
0xb6: {  	[dreg:$0x4] =	wrdreg $0x81000  }
0xb7: {  	[dreg:$0x5] =	wrdreg $0x9  }
0xb8: {  	_ =	task.clear_ibuf [dreg:s7], $0x6FFFF;
	_ =	strace $0x9000004F  }
0xb9: {  	s29 =	simm.s32 $0x9;
	_ =	strace $0x80000051  }
0xba: {  	_ =	swait.ge [sflag:s29], $0x1  }
0xbb: {  	[sflag:s29] =	ssyncadd.s32 $0xFFFFFFFF  }
0xbc: {  	_ =	strace $0x90000051  }
0xbd: {  	_ =	sfence  }
0xbe: {  	s30 =	sld [smem:$0x0];
	_ =	sdelay $0x2  }
0xbf: {  	s31 =	sshll.u32 s1, $0xD;
	s1 =	sshrl.u32 s1, $0x2  }
0xc0: {  	s3 =	sand.u32 $0x4000, s31;
	s1 =	sadd.s32 s1, s30  }
0xc1: {  	s0 =	sor.u32 s3, s0;
	s1 =	sshll.u32 s1, $0x11  }
0xc2: {  	s0 =	sor.u32 s1, s0  }
0xc3: {  	s0 =	sadd.s32 $0x8F2B, s0  }
0xc4: {  	[sflag:s0] =	ssyncadd.remote.s32 $0x1  }
0xc5: {  	_ =	sfence.sel $0xFFFF  }
0xc6: {  	[dreg:$0x0] =	wrdreg $0xFFFFFFFF;
	(pc) =	sbr.abs _section_cstart, $3  }
0xc7: {  	[dreg:$0x1] =	wrdreg $0xFFFFFFFF  }
0xc8: {  	_ =	task.clear_ibuf [dreg:s7], $0x2FFFF;
	_ =	strace $0x9FFFFFFF  }
0xc9: {  	(tm) =	ssettm $0x7FFFFFFF  }
tec
execute0_lowered:
.L_overlay_start_1:
0x0: {  	(tag) =	ssettag $0x1  }
0x1: {  	s4 =	rddreg [dreg:$0x0]  }
0x2: {  	s23 =	rddreg [dreg:$0x1]  }
0x3: {  	s2 =	rddreg [dreg:$0x2]  }
0x4: {  	s0 =	rddreg [dreg:$0x3]  }
0x5: {  	s5 =	srdreg.scid;
	s3 =	simm.s32 $0x0;
	s1 =	stileid.u32  }
0x6: {  	s24 =	sand.u32 $0x1, s5;
	[smem:$0x7FF] =	sst s3;
	s25 =	sshll.u32 s1, $0xA  }
0x7: {  	s22 =	sadd.s32 $0x17400, s4;
	s21 =	sadd.s32 $0xBC00, s4;
	s7 =	sshll.u32 s1, $0xD  }
0x8: {  	s8 =	sshll.u32 s1, $0x6;
	s5 =	sshll.u32 s24, $0x9;
	_ =	strace $0x80000050  }
0x9: {  	s6 =	sadd.s32 s25, s4;
	s9 =	sadd.s32 s7, s2;
	s26 =	sor.u32 s5, s25  }
0xa: {  	s7 =	sor.u32 $0x1C05, s8;
	s8 =	simm.s32 $0x100;
	s5 =	sshrl.u32 s26, $0x3  }
0xb: {  	s6 =	sadd.s32 $0x57400, s6;
	s28 =	sshll.u32 s26, $0x4;
	s4 =	sadd.s32 s21, s5  }
0xc: {  	[tilespmem:s3], [sflag:$0x1] =	stream.linear.gather [hbm4b:s4+s3], $0x80, $0x38;
	[tilespmem:$0xA100] =	vst v63  }
0xd: {  	s10 =	sshrl.u32 s9, $0x3;
	s9 =	simm.s32 $0x5;
	s5 =	sadd.s32 s22, s28  }
0xe: {  	[tilespmem:s8], [sflag:$0x3] =	stream.linear.gather [hbm4b:s5+s3], $0x4000, $0x38;
	[tilespmem:$0xA100] =	vst v63  }
0xf: {  	[spmem:s10], [sflag:s7] =	dma.local [hbm:s6], $0x400  }
0x10: {  	_ =	swait.ge [sflag:s9], $0x400  }
0x11: {  	[sflag:s9] =	ssyncset.done $0x0  }
0x12: {  	[sflag:s9] =	ssyncadd.s32 $0xFFFFFC00  }
0x13: {  	s11 =	simm.s32 $0x1;
	[bflag:$0x0] =	sbarrier.arrive $0xFFFF  }
0x14: {  	_ =	swait.ge [sflag:s11], $0x80  }
0x15: {  	[sflag:s11] =	ssyncset.done $0x0  }
0x16: {  	s12 =	simm.s32 $0x3;
	[sflag:s11] =	ssyncadd.s32 $0xFFFFFF80  }
0x17: {  	s14 =	sor.u32 $0x80, s26;
	_ =	swait.ge [sflag:s12], $0x4000  }
0x18: {  	s13 =	sshrl.u32 s14, $0x3;
	s15 =	sshll.u32 s14, $0x4;
	[sflag:s12] =	ssyncset.done $0x0  }
0x19: {  	s14 =	simm.s32 $0x80;
	s13 =	sadd.s32 s21, s13;
	[sflag:s12] =	ssyncadd.s32 $0xFFFFC000  }
0x1a: {  	[tilespmem:s14], [sflag:$0x2] =	stream.linear.gather [hbm4b:s13+s3], $0x80, $0x38;
	[tilespmem:$0xA100] =	vst v63  }
0x1b: {  	s16 =	simm.s32 $0x4100;
	s15 =	sadd.s32 s22, s15  }
0x1c: {  	[tilespmem:s16], [sflag:$0x4] =	stream.linear.gather [hbm4b:s15+s3], $0x4000, $0x38;
	[tilespmem:$0xA100] =	vst v63  }
0x1d: {  	_ = 	snop  }
0x1e: {  	[spmem:s2] =	stream.indirect.scatter.add.f32 [tilespmem:s8], [sflag:$0x5], $0x80, s3, s14, $0xb8;
	[tilespmem:$0xA100] =	vst v63  }
0x1f: {  	_ =	swait.ge [sflag:s9], $0x4000  }
0x20: {  	[sflag:s9] =	ssyncset.done $0x0  }
0x21: {  	s17 =	simm.s32 $0x2;
	[sflag:s9] =	ssyncadd.s32 $0xFFFFC000  }
0x22: {  	_ =	swait.ge [sflag:s17], $0x80  }
0x23: {  	[sflag:s17] =	ssyncset.done $0x0  }
0x24: {  	s18 =	simm.s32 $0x4;
	[sflag:s17] =	ssyncadd.s32 $0xFFFFFF80  }
0x25: {  	s20 =	sor.u32 $0x100, s26;
	_ =	swait.ge [sflag:s18], $0x4000  }
0x26: {  	s19 =	sshrl.u32 s20, $0x3;
	[sflag:s18] =	ssyncset.done $0x0  }
0x27: {  	s20 =	sshll.u32 s20, $0x4;
	s19 =	sadd.s32 s21, s19;
	[sflag:s18] =	ssyncadd.s32 $0xFFFFC000  }
0x28: {  	[tilespmem:s3], [sflag:$0x1] =	stream.linear.gather [hbm4b:s19+s3], $0x80, $0x38;
	[tilespmem:$0xA100] =	vst v63  }
0x29: {  	s20 =	sadd.s32 s22, s20  }
0x2a: {  	[tilespmem:s8], [sflag:$0x3] =	stream.linear.gather [hbm4b:s20+s3], $0x4000, $0x38;
	[tilespmem:$0xA100] =	vst v63  }
0x2b: {  	_ = 	snop  }
0x2c: {  	[spmem:s2] =	stream.indirect.scatter.add.f32 [tilespmem:s16], [sflag:$0x5], $0x80, s14, s14, $0xb8;
	[tilespmem:$0xA100] =	vst v63  }
0x2d: {  	_ =	swait.ge [sflag:s9], $0x4000  }
0x2e: {  	[sflag:s9] =	ssyncset.done $0x0  }
0x2f: {  	[sflag:s9] =	ssyncadd.s32 $0xFFFFC000  }
0x30: {  	_ =	swait.ge [sflag:s11], $0x80  }
0x31: {  	[sflag:s11] =	ssyncset.done $0x0  }
0x32: {  	[sflag:s11] =	ssyncadd.s32 $0xFFFFFF80  }
0x33: {  	s26 =	sor.u32 $0x180, s26;
	_ =	swait.ge [sflag:s12], $0x4000  }
0x34: {  	s28 =	sshrl.u32 s26, $0x3;
	[sflag:s12] =	ssyncset.done $0x0  }
0x35: {  	s26 =	sshll.u32 s26, $0x4;
	s21 =	sadd.s32 s21, s28;
	[sflag:s12] =	ssyncadd.s32 $0xFFFFC000  }
0x36: {  	[tilespmem:s14], [sflag:$0x2] =	stream.linear.gather [hbm4b:s21+s3], $0x80, $0x38;
	[tilespmem:$0xA100] =	vst v63  }
0x37: {  	s22 =	sadd.s32 s22, s26  }
0x38: {  	[tilespmem:s16], [sflag:$0x4] =	stream.linear.gather [hbm4b:s22+s3], $0x4000, $0x38;
	[tilespmem:$0xA100] =	vst v63  }
0x39: {  	_ = 	snop  }
0x3a: {  	[spmem:s2] =	stream.indirect.scatter.add.f32 [tilespmem:s8], [sflag:$0x5], $0x80, s3, s14, $0xb8;
	[tilespmem:$0xA100] =	vst v63  }
0x3b: {  	_ =	swait.ge [sflag:s9], $0x4000  }
0x3c: {  	[sflag:s9] =	ssyncset.done $0x0  }
0x3d: {  	[sflag:s9] =	ssyncadd.s32 $0xFFFFC000  }
0x3e: {  	_ =	swait.ge [sflag:s17], $0x80  }
0x3f: {  	[sflag:s17] =	ssyncset.done $0x0  }
0x40: {  	[sflag:s17] =	ssyncadd.s32 $0xFFFFFF80  }
0x41: {  	s29 =	ssub.s32 $0x2, s24;
	_ =	swait.ge [sflag:s18], $0x4000  }
0x42: {  	s30 =	sshrl.u32 s29, $0x1;
	[sflag:s18] =	ssyncset.done $0x0  }
0x43: {  	s26 =	ssub.s32 s29, s30;
	[sflag:s18] =	ssyncadd.s32 $0xFFFFC000  }
0x44: {  	[spmem:s2] =	stream.indirect.scatter.add.f32 [tilespmem:s16], [sflag:$0x5], $0x80, s14, s14, $0xb8;
	[tilespmem:$0xA100] =	vst v63  }
0x45: {  	s31 =	smax.u32 s26, $0x1;
	_ =	swait.ge [sflag:s9], $0x4000  }
0x46: {  	s23 =	sadd.s32 s23, s25;
	p0 =	sne.s32 s31, $0x1;
	[sflag:s9] =	ssyncset.done $0x0  }
.Ltmp0:
0x47: {  	s24 =	sshll.u32 s24, $0xE;
	[sflag:s9] =	ssyncadd.s32 $0xFFFFC000;
	(pc) =	sbr.rel @!p0 .LBB2_2-.Ltmp0, $4  }
0x48: {  	s23 =	sadd.s32 s24, s23;
	[bflag:$0x0] =	sbarrier.arrive $0xFFFF  }
0x49: {  	[hbm:s23], [sflag:s7] =	dma.local [spmem:s10], $0x400  }
0x4a: {  	_ =	swait.ge [sflag:s9], $0x400  }
0x4b: {  	s24 =	sadd.s32 $0xFFFFFFFF, s31;
	[sflag:s9] =	ssyncset.done $0x0  }
.LBB2_1:
0x4c: {  	p0 =	sne.s32 s24, $0x1;
	s24 =	sadd.s32 $0xFFFFFFFF, s24;
	[sflag:s9] =	ssyncadd.s32 $0xFFFFFC00  }
0x4d: {  	[tilespmem:s3], [sflag:$0x1] =	stream.linear.gather [hbm4b:s4+s3], $0x80, $0x38;
	[tilespmem:$0xA100] =	vst v63  }
0x4e: {  	_ = 	snop  }
0x4f: {  	[tilespmem:s8], [sflag:$0x3] =	stream.linear.gather [hbm4b:s5+s3], $0x4000, $0x38;
	[tilespmem:$0xA100] =	vst v63  }
0x50: {  	[spmem:s10], [sflag:s7] =	dma.local [hbm:s6], $0x400  }
0x51: {  	_ =	swait.ge [sflag:s9], $0x400  }
0x52: {  	[sflag:s9] =	ssyncset.done $0x0  }
0x53: {  	[sflag:s9] =	ssyncadd.s32 $0xFFFFFC00  }
0x54: {  	[bflag:$0x0] =	sbarrier.arrive $0xFFFF  }
0x55: {  	_ =	swait.ge [sflag:s11], $0x80  }
0x56: {  	[sflag:s11] =	ssyncset.done $0x0  }
0x57: {  	[sflag:s11] =	ssyncadd.s32 $0xFFFFFF80  }
0x58: {  	_ =	swait.ge [sflag:s12], $0x4000  }
0x59: {  	[sflag:s12] =	ssyncset.done $0x0  }
0x5a: {  	[sflag:s12] =	ssyncadd.s32 $0xFFFFC000  }
0x5b: {  	[tilespmem:s14], [sflag:$0x2] =	stream.linear.gather [hbm4b:s13+s3], $0x80, $0x38;
	[tilespmem:$0xA100] =	vst v63  }
0x5c: {  	_ = 	snop  }
0x5d: {  	[tilespmem:s16], [sflag:$0x4] =	stream.linear.gather [hbm4b:s15+s3], $0x4000, $0x38;
	[tilespmem:$0xA100] =	vst v63  }
0x5e: {  	_ = 	snop  }
0x5f: {  	[spmem:s2] =	stream.indirect.scatter.add.f32 [tilespmem:s8], [sflag:$0x5], $0x80, s3, s14, $0xb8;
	[tilespmem:$0xA100] =	vst v63  }
0x60: {  	_ =	swait.ge [sflag:s9], $0x4000  }
0x61: {  	[sflag:s9] =	ssyncset.done $0x0  }
0x62: {  	[sflag:s9] =	ssyncadd.s32 $0xFFFFC000  }
0x63: {  	_ =	swait.ge [sflag:s17], $0x80  }
0x64: {  	[sflag:s17] =	ssyncset.done $0x0  }
0x65: {  	[sflag:s17] =	ssyncadd.s32 $0xFFFFFF80  }
0x66: {  	_ =	swait.ge [sflag:s18], $0x4000  }
0x67: {  	[sflag:s18] =	ssyncset.done $0x0  }
0x68: {  	[sflag:s18] =	ssyncadd.s32 $0xFFFFC000  }
0x69: {  	[tilespmem:s3], [sflag:$0x1] =	stream.linear.gather [hbm4b:s19+s3], $0x80, $0x38;
	[tilespmem:$0xA100] =	vst v63  }
0x6a: {  	_ = 	snop  }
0x6b: {  	[tilespmem:s8], [sflag:$0x3] =	stream.linear.gather [hbm4b:s20+s3], $0x4000, $0x38;
	[tilespmem:$0xA100] =	vst v63  }
0x6c: {  	_ = 	snop  }
0x6d: {  	[spmem:s2] =	stream.indirect.scatter.add.f32 [tilespmem:s16], [sflag:$0x5], $0x80, s14, s14, $0xb8;
	[tilespmem:$0xA100] =	vst v63  }
0x6e: {  	_ =	swait.ge [sflag:s9], $0x4000  }
0x6f: {  	[sflag:s9] =	ssyncset.done $0x0  }
0x70: {  	[sflag:s9] =	ssyncadd.s32 $0xFFFFC000  }
0x71: {  	_ =	swait.ge [sflag:s11], $0x80  }
0x72: {  	[sflag:s11] =	ssyncset.done $0x0  }
0x73: {  	[sflag:s11] =	ssyncadd.s32 $0xFFFFFF80  }
0x74: {  	_ =	swait.ge [sflag:s12], $0x4000  }
0x75: {  	[sflag:s12] =	ssyncset.done $0x0  }
0x76: {  	[sflag:s12] =	ssyncadd.s32 $0xFFFFC000  }
0x77: {  	[tilespmem:s14], [sflag:$0x2] =	stream.linear.gather [hbm4b:s21+s3], $0x80, $0x38;
	[tilespmem:$0xA100] =	vst v63  }
0x78: {  	_ = 	snop  }
0x79: {  	[tilespmem:s16], [sflag:$0x4] =	stream.linear.gather [hbm4b:s22+s3], $0x4000, $0x38;
	[tilespmem:$0xA100] =	vst v63  }
0x7a: {  	_ = 	snop  }
0x7b: {  	[spmem:s2] =	stream.indirect.scatter.add.f32 [tilespmem:s8], [sflag:$0x5], $0x80, s3, s14, $0xb8;
	[tilespmem:$0xA100] =	vst v63  }
0x7c: {  	_ =	swait.ge [sflag:s9], $0x4000  }
0x7d: {  	[sflag:s9] =	ssyncset.done $0x0  }
0x7e: {  	[sflag:s9] =	ssyncadd.s32 $0xFFFFC000  }
0x7f: {  	_ =	swait.ge [sflag:s17], $0x80  }
0x80: {  	[sflag:s17] =	ssyncset.done $0x0  }
0x81: {  	[sflag:s17] =	ssyncadd.s32 $0xFFFFFF80  }
0x82: {  	_ =	swait.ge [sflag:s18], $0x4000  }
0x83: {  	[sflag:s18] =	ssyncset.done $0x0  }
0x84: {  	[sflag:s18] =	ssyncadd.s32 $0xFFFFC000  }
0x85: {  	[spmem:s2] =	stream.indirect.scatter.add.f32 [tilespmem:s16], [sflag:$0x5], $0x80, s14, s14, $0xb8;
	[tilespmem:$0xA100] =	vst v63  }
0x86: {  	_ =	swait.ge [sflag:s9], $0x4000  }
0x87: {  	[sflag:s9] =	ssyncset.done $0x0  }
.Ltmp1:
0x88: {  	[sflag:s9] =	ssyncadd.s32 $0xFFFFC000;
	(pc) =	sbr.rel @p0 .LBB2_1-.Ltmp1, $4  }
0x89: {  	[bflag:$0x0] =	sbarrier.arrive $0xFFFF  }
0x8a: {  	[hbm:s23], [sflag:s7] =	dma.local [spmem:s10], $0x400  }
0x8b: {  	_ =	swait.ge [sflag:s9], $0x400  }
0x8c: {  	[sflag:s9] =	ssyncset.done $0x0  }
.LBB2_2:
0x8d: {  	[sflag:s9] =	ssyncadd.s32 $0xFFFFFC00  }
0x8e: {  	_ =	sfence.sel $0x180000  }
0x8f: {  	[bflag:$0x0] =	sbarrier.arrive $0xFFFF  }
0x90: {  	p0 =	sne.s32 s1, $0x0;
	_ =	strace $0x90000050  }
0x91: {  	s0 =	sadd.s32 @!p0 $0x100000, s0;
	[bflag:$0x2] =	sbarrier.arrive $0xFFFF  }
0x92: {  	[sflag:s0] =	ssyncadd.tile.s32 @!p0 $0x1;
	_ =	shalt  }
.Lfunc_end2:
_tile_overlayer_lowered:
.L_overlay_start_2:
0x93: {  	(tag) =	ssettag $0x2  }
0x94: {  	s0 =	rddreg [dreg:$0x0];
	s2 =	stileid.u32  }
0x95: {  	s1 =	rddreg [dreg:$0x1];
	p0 =	sne.s32 s2, $0x0  }
0x96: {  	s3 =	rddreg [dreg:$0x2];
	[bflag:$0x3] =	sbarrier.arrive $0xFFFF;
	s2 =	simm.s32 @!p0 $0x1C05  }
0x97: {  	[timem:s3], [sflag:s2] =	dma.local @!p0 [hbm:s0], s1  }
0x98: {  	s0 =	simm.s32 @!p0 $0x5  }
0x99: {  	_ =	swait.ge @!p0 [sflag:s0], s1  }
0x9a: {  	s1 =	ssub.s32 @!p0 $0x0, s1;
	[sflag:s0] =	ssyncset.done @!p0 $0x0  }
0x9b: {  	[sflag:s0] =	ssyncadd.s32 @!p0 s1  }
0x9c: {  	[bflag:$0x3] =	sbarrier.arrive $0xFFFF  }
0x9d: {  	_ =	shalt  }

</sc_bundles>
